<compile_context>
chip_gen: v7x
topology: tpu7x:2x2x1
jax: 0.10.2.dev20260603
libtpu: 0.0.44.dev20260713+nightly
codegen_flags: <defaults>
</compile_context>

<pallas_src>
import functools

import jax
import jax.numpy as jnp
from jax import lax
from jax.experimental import pallas as pl
from jax.experimental.pallas import tpu as pltpu
from jax.experimental.pallas import tpu_sc as plsc

_NC = 2
_NS = 16
_NW = _NC * _NS
_L = 16
_B = 128
_BLK = 2048
_G = 64
_F0 = 0.81


def _sc_mesh():
    return plsc.VectorSubcoreMesh(
        core_axis_name="c", subcore_axis_name="s",
        num_cores=_NC, num_subcores=_NS)


def _make_deg(Npad, CNT0, CNT1):
    CMAX = max(CNT0, CNT1)
    RPT = Npad // _NS

    @functools.partial(
        pl.kernel,
        out_type=jax.ShapeDtypeStruct((_NC, Npad), jnp.float32),
        mesh=_sc_mesh(),
        scratch_types=[
            pltpu.VMEM((CMAX, _B), jnp.int32),
            pltpu.VMEM((_B,), jnp.float32),
            pltpu.VMEM((RPT,), jnp.float32),
            pltpu.VMEM_SHARED((Npad,), jnp.float32),
            pltpu.SemaphoreType.DMA,
            pltpu.SemaphoreType.DMA,
        ],
    )
    def deg(dst_hbm, out_hbm, dsts_v, ones_v, zeros_v, acc, sem0, sem1):
        c = lax.axis_index("c")
        s = lax.axis_index("s")
        my_cnt = jnp.where(c == 0, CNT0, CNT1)
        chunk0 = pl.multiple_of(
            jnp.where(c == 0, s * CNT0, _NS * CNT0 + s * CNT1), 8)
        for i in range(_B // _L):
            ones_v[pl.ds(i * _L, _L)] = jnp.full((_L,), 1.0, jnp.float32)
        for i in range(RPT // _L):
            zeros_v[pl.ds(i * _L, _L)] = jnp.zeros((_L,), jnp.float32)

        @pl.when(c == 0)
        def _():
            pltpu.sync_copy(dst_hbm.at[pl.ds(chunk0, CNT0)],
                            dsts_v.at[pl.ds(0, CNT0)])

        @pl.when(c != 0)
        def _():
            pltpu.sync_copy(dst_hbm.at[pl.ds(chunk0, CNT1)],
                            dsts_v.at[pl.ds(0, CNT1)])
        pltpu.sync_copy(zeros_v, acc.at[pl.ds(s * RPT, RPT)])
        plsc.subcore_barrier()

        def body(jp, carry):
            j0 = 2 * jp

            @pl.when(jp > 0)
            def _():
                pltpu.make_async_copy(ones_v, acc.at[dsts_v.at[0]],
                                      sem0).wait()
            pltpu.async_copy(ones_v, acc.at[dsts_v.at[j0]], sem0, add=True)

            @pl.when(jp > 0)
            def _():
                pltpu.make_async_copy(ones_v, acc.at[dsts_v.at[0]],
                                      sem1).wait()
            pltpu.async_copy(ones_v, acc.at[dsts_v.at[j0 + 1]], sem1,
                             add=True)
            return carry

        lax.fori_loop(0, my_cnt // 2, body, 0)
        pltpu.make_async_copy(ones_v, acc.at[dsts_v.at[0]], sem0).wait()
        pltpu.make_async_copy(ones_v, acc.at[dsts_v.at[0]], sem1).wait()
        plsc.subcore_barrier()
        pltpu.sync_copy(acc.at[pl.ds(s * RPT, RPT)],
                        out_hbm.at[c, pl.ds(s * RPT, RPT)])

    return deg


def _make_agg(Npad, D, CNT0, CNT1):
    RPT = Npad // _NS

    @functools.partial(
        pl.kernel,
        out_type=jax.ShapeDtypeStruct((_NC, Npad, D), jnp.float32),
        mesh=_sc_mesh(),
        scratch_types=[
            pltpu.VMEM((_B,), jnp.int32),
            pltpu.VMEM((_B,), jnp.int32),
            pltpu.VMEM((_B,), jnp.int32),
            pltpu.VMEM((_B,), jnp.int32),
            pltpu.VMEM((_B, D), jnp.float32),
            pltpu.VMEM((_B, D), jnp.float32),
            pltpu.VMEM_SHARED((Npad, D), jnp.float32),
            pltpu.SemaphoreType.DMA,
            pltpu.SemaphoreType.DMA,
            pltpu.SemaphoreType.DMA,
            pltpu.SemaphoreType.DMA,
            pltpu.SemaphoreType.DMA,
            pltpu.SemaphoreType.DMA,
        ],
    )
    def agg(p_hbm, src_hbm, dst_hbm, out_hbm, s0, s1, d0, d1, rows0, rows1,
            acc, gsem0, gsem1, ssem0, ssem1, dsem0, dsem1):
        c = lax.axis_index("c")
        s = lax.axis_index("s")
        my_cnt = jnp.where(c == 0, CNT0, CNT1)
        chunk0 = jnp.where(c == 0, s * CNT0, _NS * CNT0 + s * CNT1)
        pltpu.sync_copy(p_hbm.at[pl.ds(s * RPT, RPT)],
                        acc.at[pl.ds(s * RPT, RPT)])
        plsc.subcore_barrier()

        pltpu.sync_copy(src_hbm.at[chunk0], s0)
        pltpu.sync_copy(src_hbm.at[chunk0 + 1], s1)
        pltpu.sync_copy(dst_hbm.at[chunk0], d0)
        pltpu.sync_copy(dst_hbm.at[chunk0 + 1], d1)
        pltpu.async_copy(p_hbm.at[s0], rows0, gsem0)
        pltpu.async_copy(p_hbm.at[s1], rows1, gsem1)

        def half(jp, off, sv, dv, rows, gsem, ssem, dsem):
            j = 2 * jp + off

            @pl.when(jp > 0)
            def _():
                pltpu.make_async_copy(dst_hbm.at[chunk0], dv, dsem).wait()
            pltpu.make_async_copy(p_hbm.at[sv], rows, gsem).wait()

            @pl.when(j + 2 < my_cnt)
            def _():
                pltpu.async_copy(src_hbm.at[chunk0 + j + 2], sv, ssem)
            pltpu.sync_copy(rows, acc.at[dv], add=True)

            @pl.when(j + 2 < my_cnt)
            def _():
                pltpu.async_copy(dst_hbm.at[chunk0 + j + 2], dv, dsem)
                pltpu.make_async_copy(src_hbm.at[chunk0], sv, ssem).wait()
                pltpu.async_copy(p_hbm.at[sv], rows, gsem)

        def body(jp, carry):
            half(jp, 0, s0, d0, rows0, gsem0, ssem0, dsem0)
            half(jp, 1, s1, d1, rows1, gsem1, ssem1, dsem1)
            return carry

        lax.fori_loop(0, my_cnt // 2, body, 0)
        plsc.subcore_barrier()
        pltpu.sync_copy(acc.at[pl.ds(s * RPT, RPT)],
                        out_hbm.at[c, pl.ds(s * RPT, RPT)])

    return agg


def _mm_scale(x_p, W, degT, N):
    Npad, D = x_p.shape
    H = W.shape[1]
    grid = Npad // _BLK

    def body(x_ref, w_ref, deg_ref, out_ref):
        i = pl.program_id(0)
        d = jnp.sum(deg_ref[...], axis=1, keepdims=True) + 1.0
        rows = lax.broadcasted_iota(jnp.int32, (_BLK, 1), 0) + i * _BLK
        dinv = jnp.where(rows < N, lax.rsqrt(d), 0.0)
        out_ref[...] = jnp.dot(x_ref[...], w_ref[...],
                               preferred_element_type=jnp.float32) * dinv

    return pl.pallas_call(
        body,
        grid=(grid,),
        in_specs=[
            pl.BlockSpec((_BLK, D), lambda i: (i, 0)),
            pl.BlockSpec((D, H), lambda i: (0, 0)),
            pl.BlockSpec((_BLK, _NC), lambda i: (i, 0)),
        ],
        out_specs=pl.BlockSpec((_BLK, H), lambda i: (i, 0)),
        out_shape=jax.ShapeDtypeStruct((Npad, H), jnp.float32),
    )(x_p, W, degT)


def _layer_mm(aggp, p_prev, degT, b, W, N):
    Npad, H = p_prev.shape
    grid = Npad // _BLK

    def body(a_ref, p_ref, deg_ref, b_ref, w_ref, out_ref):
        i = pl.program_id(0)
        d = jnp.sum(deg_ref[...], axis=1, keepdims=True) + 1.0
        rows = lax.broadcasted_iota(jnp.int32, (_BLK, 1), 0) + i * _BLK
        dinv = jnp.where(rows < N, lax.rsqrt(d), 0.0)
        h = jnp.maximum(dinv * (a_ref[0] + a_ref[1] - p_ref[...]) + b_ref[...],
                        0.0)
        out_ref[...] = jnp.dot(h, w_ref[...],
                               preferred_element_type=jnp.float32) * dinv

    return pl.pallas_call(
        body,
        grid=(grid,),
        in_specs=[
            pl.BlockSpec((_NC, _BLK, H), lambda i: (0, i, 0)),
            pl.BlockSpec((_BLK, H), lambda i: (i, 0)),
            pl.BlockSpec((_BLK, _NC), lambda i: (i, 0)),
            pl.BlockSpec((1, H), lambda i: (0, 0)),
            pl.BlockSpec((H, H), lambda i: (0, 0)),
        ],
        out_specs=pl.BlockSpec((_BLK, H), lambda i: (i, 0)),
        out_shape=jax.ShapeDtypeStruct((Npad, H), jnp.float32),
    )(aggp, p_prev, degT, b, W)


def _final(aggp, p_prev, degT, b, batch_p, Wc, bc, N):
    Npad, H = p_prev.shape
    grid = Npad // _BLK

    def body(a_ref, p_ref, deg_ref, b_ref, bt_ref, wc_ref, bc_ref, y_ref,
             sums, cnts):
        i = pl.program_id(0)

        @pl.when(i == 0)
        def _():
            sums[...] = jnp.zeros_like(sums)
            cnts[...] = jnp.zeros_like(cnts)

        d = jnp.sum(deg_ref[...], axis=1, keepdims=True) + 1.0
        rows = lax.broadcasted_iota(jnp.int32, (_BLK, 1), 0) + i * _BLK
        valid = rows < N
        dinv = jnp.where(valid, lax.rsqrt(d), 0.0)
        h = jnp.maximum(dinv * (a_ref[0] + a_ref[1] - p_ref[...]) + b_ref[...],
                        0.0)
        M = jnp.where(
            (bt_ref[...] == lax.broadcasted_iota(jnp.int32, (_BLK, _G), 1))
            & valid, 1.0, 0.0)
        sums[...] += lax.dot_general(M, h, (((0,), (0,)), ((), ())),
                                     preferred_element_type=jnp.float32)
        cnts[...] += lax.dot_general(M, jnp.ones((_BLK, H), jnp.float32),
                                     (((0,), (0,)), ((), ())),
                                     preferred_element_type=jnp.float32)

        @pl.when(i == grid - 1)
        def _():
            pooled = sums[...] / jnp.maximum(cnts[...], 1.0)
            y_ref[...] = jnp.dot(pooled, wc_ref[...],
                                 preferred_element_type=jnp.float32) + bc_ref[...]

    return pl.pallas_call(
        body,
        grid=(grid,),
        in_specs=[
            pl.BlockSpec((_NC, _BLK, H), lambda i: (0, i, 0)),
            pl.BlockSpec((_BLK, H), lambda i: (i, 0)),
            pl.BlockSpec((_BLK, _NC), lambda i: (i, 0)),
            pl.BlockSpec((1, H), lambda i: (0, 0)),
            pl.BlockSpec((_BLK, 1), lambda i: (i, 0)),
            pl.BlockSpec((H, 1), lambda i: (0, 0)),
            pl.BlockSpec((1, 1), lambda i: (0, 0)),
        ],
        out_specs=pl.BlockSpec((_G, 1), lambda i: (0, 0)),
        out_shape=jax.ShapeDtypeStruct((_G, 1), jnp.float32),
        scratch_shapes=[
            pltpu.VMEM((_G, H), jnp.float32),
            pltpu.VMEM((_G, H), jnp.float32),
        ],
    )(aggp, p_prev, degT, b, batch_p, Wc, bc)


def kernel(x, edge_index, batch, W1, b1, W2, b2, Wc, bc):
    N, D = x.shape
    H = W1.shape[1]
    E = edge_index.shape[1]

    Npad = ((N + 1 + _BLK - 1) // _BLK) * _BLK
    S = (E + _NS * _B - 1) // (_NS * _B)
    cnt0 = max(8, (int(S * _F0) + 7) // 8 * 8)
    cnt1 = max(8, (S - cnt0 + 7) // 8 * 8)
    Epad = _NS * (cnt0 + cnt1) * _B
    nchunks = Epad // _B

    src = jnp.concatenate(
        [edge_index[0], jnp.full((Epad - E,), N, jnp.int32)]
    ).reshape(nchunks, _B)
    dst = jnp.concatenate(
        [edge_index[1], jnp.full((Epad - E,), N, jnp.int32)]
    ).reshape(nchunks, _B)
    x_p = jnp.zeros((Npad, D), jnp.float32).at[:N].set(x)
    batch_p = jnp.full((Npad, 1), _G, jnp.int32).at[:N, 0].set(batch)

    deg_parts = _make_deg(Npad, cnt0, cnt1)(dst)
    degT = deg_parts.T

    agg = _make_agg(Npad, D, cnt0, cnt1)

    p1 = _mm_scale(x_p, W1, degT, N)
    a1 = agg(p1, src, dst)
    p2 = _layer_mm(a1, p1, degT, b1.reshape(1, H), W2, N)
    a2 = agg(p2, src, dst)
    y = _final(a2, p2, degT, b2.reshape(1, H), batch_p,
               Wc, bc.reshape(1, 1), N)
    return y

# --- scband reference (transcript-rebuilt; emitter-appended) ---
"""Pipeline reference for scband-graph-set-mean-29265907155266 (READ-ONLY COPY).

The authoritative reference and input builder live on the scoring server;
editing this copy changes nothing except your own understanding.
"""

import jax, jax.numpy as jnp
import numpy as np

N, E, D, H, G = 10000, 320000, 128, 128, 64


def setup_inputs(seed: int = 0) -> dict:
    key = jax.random.key(seed)
    ks = jax.random.split(key, 9)
    x = jax.random.normal(ks[0], (N, D), dtype=jnp.float32)
    edge_index = jax.random.randint(ks[1], (2, E), 0, N, dtype=jnp.int32)
    batch = jnp.sort(jax.random.randint(ks[2], (N,), 0, G, dtype=jnp.int32))
    W1 = jax.random.normal(ks[3], (D, H), dtype=jnp.float32) * 0.05
    b1 = jnp.zeros((H,), dtype=jnp.float32)
    W2 = jax.random.normal(ks[4], (H, H), dtype=jnp.float32) * 0.05
    b2 = jnp.zeros((H,), dtype=jnp.float32)
    Wc = jax.random.normal(ks[5], (H, 1), dtype=jnp.float32) * 0.05
    bc = jnp.zeros((1,), dtype=jnp.float32)
    return {"x": x, "edge_index": edge_index, "batch": batch,
            "W1": W1, "b1": b1, "W2": W2, "b2": b2, "Wc": Wc, "bc": bc}


def reference(x, edge_index, batch, W1, b1, W2, b2, Wc, bc):
    n = x.shape[0]
    src = edge_index[0]
    dst = edge_index[1]
    # GCNConv default: add self loops, symmetric normalization
    loop = jnp.arange(n, dtype=src.dtype)
    src = jnp.concatenate([src, loop])
    dst = jnp.concatenate([dst, loop])
    ones_e = jnp.ones((src.shape[0],), dtype=x.dtype)
    deg = jax.ops.segment_sum(ones_e, dst, num_segments=n)
    dinv = jax.lax.rsqrt(jnp.maximum(deg, 1.0))
    norm = dinv[src] * dinv[dst]

    def gcn(h, W, b):
        h = h @ W
        msg = h[src] * norm[:, None]
        agg = jax.ops.segment_sum(msg, dst, num_segments=n)
        return agg + b

    h = jax.nn.relu(gcn(x, W1, b1))
    h = jax.nn.relu(gcn(h, W2, b2))
    # dropout p=0.0 (eval) -> identity
    # gap: global mean pool by graph id
    sums = jax.ops.segment_sum(h, batch, num_segments=G)
    cnts = jax.ops.segment_sum(jnp.ones((n,), dtype=h.dtype), batch, num_segments=G)
    pooled = sums / jnp.maximum(cnts, 1.0)[:, None]
    y = pooled @ Wc + bc
    return y

if __name__ == "__main__":
    import jax
    _d = setup_inputs()
    print(jax.jit(kernel)(*tuple(_d.values())))

</pallas_src>

<mosaic_0001>
#map = affine_map<(d0, d1) -> (0, 0)>
module attributes {stable_mosaic.version = 14 : i64} {
  func.func @deg(%arg0: i32, %arg1: i32, %arg2: memref<2560x128xi32, #tpu.memory_space<hbm>>, %arg3: memref<2x10240xf32, #tpu.memory_space<hbm>>, %arg4: memref<128x128xi32, #tpu.memory_space<vmem>>, %arg5: memref<128xf32, #tpu.memory_space<vmem>>, %arg6: memref<640xf32, #tpu.memory_space<vmem>>, %arg7: memref<10240xf32, #tpu.memory_space<vmem_shared>>, %arg8: memref<!tpu.dma_semaphore, #tpu.memory_space<semaphore_mem>>, %arg9: memref<!tpu.dma_semaphore, #tpu.memory_space<semaphore_mem>>) attributes {dimension_semantics = [#tpu.dimension_semantics<core_parallel>, #tpu.dimension_semantics<subcore_parallel>], iteration_bounds = array<i64: 2, 16>, scalar_prefetch = 0 : i64, scratch_operands = 6 : i64, tpu.core_type = #tpu.core_type<sc_vector_subcore>, window_params = [{transform_indices = #map}, {transform_indices = #map}]} {
    %eq3A = arith.constant 0 : i32
    %eq3A_0 = arith.cmpi eq, %arg0, %eq3A : i32
    %jit3A = arith.constant 128 : i32
    %jit3A_1 = arith.constant 32 : i32
    %select_n3A = arith.select %eq3A_0, %jit3A, %jit3A_1 : i32
    %eq3A_2 = arith.constant 0 : i32
    %eq3A_3 = arith.cmpi eq, %arg0, %eq3A_2 : i32
    %mul3A = arith.constant 128 : i32
    %mul3A_4 = arith.muli %arg1, %mul3A : i32
    %mul3A_5 = arith.constant 32 : i32
    %mul3A_6 = arith.muli %arg1, %mul3A_5 : i32
    %add3A = arith.constant 2048 : i32
    %add3A_7 = arith.addi %add3A, %mul3A_6 : i32
    %select_n3A_8 = arith.select %eq3A_3, %mul3A_4, %add3A_7 : i32
    %multiple_of3A = tpu.assume_multiple %select_n3A_8, 8 : i32
    %broadcast_in_dim3A = arith.constant 1.000000e+00 : f32
    %broadcast_in_dim3A_9 = vector.broadcast %broadcast_in_dim3A : f32 to vector<16xf32>
    %swap3A = arith.constant 0 : index
    %swap3A_10 = tpu.vector_load %arg5[%swap3A] {strides = array<i32>} : memref<128xf32, #tpu.memory_space<vmem>>, vector<16xf32>,
    %swap3A_11 = vector.shape_cast %swap3A_10 : vector<16xf32> to vector<16xf32>
    %swap3A_12 = vector.shape_cast %broadcast_in_dim3A_9 : vector<16xf32> to vector<16xf32>
    tpu.vector_store %arg5[%swap3A], %swap3A_12 {strides = array<i32>} : memref<128xf32, #tpu.memory_space<vmem>>, vector<16xf32>,
    %broadcast_in_dim3A_13 = arith.constant 1.000000e+00 : f32
    %broadcast_in_dim3A_14 = vector.broadcast %broadcast_in_dim3A_13 : f32 to vector<16xf32>
    %swap3A_15 = arith.constant 16 : index
    %swap3A_16 = tpu.vector_load %arg5[%swap3A_15] {strides = array<i32>} : memref<128xf32, #tpu.memory_space<vmem>>, vector<16xf32>,
    %swap3A_17 = vector.shape_cast %swap3A_16 : vector<16xf32> to vector<16xf32>
    %swap3A_18 = vector.shape_cast %broadcast_in_dim3A_14 : vector<16xf32> to vector<16xf32>
    tpu.vector_store %arg5[%swap3A_15], %swap3A_18 {strides = array<i32>} : memref<128xf32, #tpu.memory_space<vmem>>, vector<16xf32>,
    %broadcast_in_dim3A_19 = arith.constant 1.000000e+00 : f32
    %broadcast_in_dim3A_20 = vector.broadcast %broadcast_in_dim3A_19 : f32 to vector<16xf32>
    %swap3A_21 = arith.constant 32 : index
    %swap3A_22 = tpu.vector_load %arg5[%swap3A_21] {strides = array<i32>} : memref<128xf32, #tpu.memory_space<vmem>>, vector<16xf32>,
    %swap3A_23 = vector.shape_cast %swap3A_22 : vector<16xf32> to vector<16xf32>
    %swap3A_24 = vector.shape_cast %broadcast_in_dim3A_20 : vector<16xf32> to vector<16xf32>
    tpu.vector_store %arg5[%swap3A_21], %swap3A_24 {strides = array<i32>} : memref<128xf32, #tpu.memory_space<vmem>>, vector<16xf32>,
    %broadcast_in_dim3A_25 = arith.constant 1.000000e+00 : f32
    %broadcast_in_dim3A_26 = vector.broadcast %broadcast_in_dim3A_25 : f32 to vector<16xf32>
    %swap3A_27 = arith.constant 48 : index
    %swap3A_28 = tpu.vector_load %arg5[%swap3A_27] {strides = array<i32>} : memref<128xf32, #tpu.memory_space<vmem>>, vector<16xf32>,
    %swap3A_29 = vector.shape_cast %swap3A_28 : vector<16xf32> to vector<16xf32>
    %swap3A_30 = vector.shape_cast %broadcast_in_dim3A_26 : vector<16xf32> to vector<16xf32>
    tpu.vector_store %arg5[%swap3A_27], %swap3A_30 {strides = array<i32>} : memref<128xf32, #tpu.memory_space<vmem>>, vector<16xf32>,
    %broadcast_in_dim3A_31 = arith.constant 1.000000e+00 : f32
    %broadcast_in_dim3A_32 = vector.broadcast %broadcast_in_dim3A_31 : f32 to vector<16xf32>
    %swap3A_33 = arith.constant 64 : index
    %swap3A_34 = tpu.vector_load %arg5[%swap3A_33] {strides = array<i32>} : memref<128xf32, #tpu.memory_space<vmem>>, vector<16xf32>,
    %swap3A_35 = vector.shape_cast %swap3A_34 : vector<16xf32> to vector<16xf32>
    %swap3A_36 = vector.shape_cast %broadcast_in_dim3A_32 : vector<16xf32> to vector<16xf32>
    tpu.vector_store %arg5[%swap3A_33], %swap3A_36 {strides = array<i32>} : memref<128xf32, #tpu.memory_space<vmem>>, vector<16xf32>,
    %broadcast_in_dim3A_37 = arith.constant 1.000000e+00 : f32
    %broadcast_in_dim3A_38 = vector.broadcast %broadcast_in_dim3A_37 : f32 to vector<16xf32>
    %swap3A_39 = arith.constant 80 : index
    %swap3A_40 = tpu.vector_load %arg5[%swap3A_39] {strides = array<i32>} : memref<128xf32, #tpu.memory_space<vmem>>, vector<16xf32>,
    %swap3A_41 = vector.shape_cast %swap3A_40 : vector<16xf32> to vector<16xf32>
    %swap3A_42 = vector.shape_cast %broadcast_in_dim3A_38 : vector<16xf32> to vector<16xf32>
    tpu.vector_store %arg5[%swap3A_39], %swap3A_42 {strides = array<i32>} : memref<128xf32, #tpu.memory_space<vmem>>, vector<16xf32>,
    %broadcast_in_dim3A_43 = arith.constant 1.000000e+00 : f32
    %broadcast_in_dim3A_44 = vector.broadcast %broadcast_in_dim3A_43 : f32 to vector<16xf32>
    %swap3A_45 = arith.constant 96 : index
    %swap3A_46 = tpu.vector_load %arg5[%swap3A_45] {strides = array<i32>} : memref<128xf32, #tpu.memory_space<vmem>>, vector<16xf32>,
    %swap3A_47 = vector.shape_cast %swap3A_46 : vector<16xf32> to vector<16xf32>
    %swap3A_48 = vector.shape_cast %broadcast_in_dim3A_44 : vector<16xf32> to vector<16xf32>
    tpu.vector_store %arg5[%swap3A_45], %swap3A_48 {strides = array<i32>} : memref<128xf32, #tpu.memory_space<vmem>>, vector<16xf32>,
    %broadcast_in_dim3A_49 = arith.constant 1.000000e+00 : f32
    %broadcast_in_dim3A_50 = vector.broadcast %broadcast_in_dim3A_49 : f32 to vector<16xf32>
    %swap3A_51 = arith.constant 112 : index
    %swap3A_52 = tpu.vector_load %arg5[%swap3A_51] {strides = array<i32>} : memref<128xf32, #tpu.memory_space<vmem>>, vector<16xf32>,
    %swap3A_53 = vector.shape_cast %swap3A_52 : vector<16xf32> to vector<16xf32>
    %swap3A_54 = vector.shape_cast %broadcast_in_dim3A_50 : vector<16xf32> to vector<16xf32>
    tpu.vector_store %arg5[%swap3A_51], %swap3A_54 {strides = array<i32>} : memref<128xf32, #tpu.memory_space<vmem>>, vector<16xf32>,
    %broadcast_in_dim3A_55 = arith.constant 0.000000e+00 : f32
    %broadcast_in_dim3A_56 = vector.broadcast %broadcast_in_dim3A_55 : f32 to vector<16xf32>
    %swap3A_57 = arith.constant 0 : index
    %swap3A_58 = tpu.vector_load %arg6[%swap3A_57] {strides = array<i32>} : memref<640xf32, #tpu.memory_space<vmem>>, vector<16xf32>,
    %swap3A_59 = vector.shape_cast %swap3A_58 : vector<16xf32> to vector<16xf32>
    %swap3A_60 = vector.shape_cast %broadcast_in_dim3A_56 : vector<16xf32> to vector<16xf32>
    tpu.vector_store %arg6[%swap3A_57], %swap3A_60 {strides = array<i32>} : memref<640xf32, #tpu.memory_space<vmem>>, vector<16xf32>,
    %broadcast_in_dim3A_61 = arith.constant 0.000000e+00 : f32
    %broadcast_in_dim3A_62 = vector.broadcast %broadcast_in_dim3A_61 : f32 to vector<16xf32>
    %swap3A_63 = arith.constant 16 : index
    %swap3A_64 = tpu.vector_load %arg6[%swap3A_63] {strides = array<i32>} : memref<640xf32, #tpu.memory_space<vmem>>, vector<16xf32>,
    %swap3A_65 = vector.shape_cast %swap3A_64 : vector<16xf32> to vector<16xf32>
    %swap3A_66 = vector.shape_cast %broadcast_in_dim3A_62 : vector<16xf32> to vector<16xf32>
    tpu.vector_store %arg6[%swap3A_63], %swap3A_66 {strides = array<i32>} : memref<640xf32, #tpu.memory_space<vmem>>, vector<16xf32>,
    %broadcast_in_dim3A_67 = arith.constant 0.000000e+00 : f32
    %broadcast_in_dim3A_68 = vector.broadcast %broadcast_in_dim3A_67 : f32 to vector<16xf32>
    %swap3A_69 = arith.constant 32 : index
    %swap3A_70 = tpu.vector_load %arg6[%swap3A_69] {strides = array<i32>} : memref<640xf32, #tpu.memory_space<vmem>>, vector<16xf32>,
    %swap3A_71 = vector.shape_cast %swap3A_70 : vector<16xf32> to vector<16xf32>
    %swap3A_72 = vector.shape_cast %broadcast_in_dim3A_68 : vector<16xf32> to vector<16xf32>
    tpu.vector_store %arg6[%swap3A_69], %swap3A_72 {strides = array<i32>} : memref<640xf32, #tpu.memory_space<vmem>>, vector<16xf32>,
    %broadcast_in_dim3A_73 = arith.constant 0.000000e+00 : f32
    %broadcast_in_dim3A_74 = vector.broadcast %broadcast_in_dim3A_73 : f32 to vector<16xf32>
    %swap3A_75 = arith.constant 48 : index
    %swap3A_76 = tpu.vector_load %arg6[%swap3A_75] {strides = array<i32>} : memref<640xf32, #tpu.memory_space<vmem>>, vector<16xf32>,
    %swap3A_77 = vector.shape_cast %swap3A_76 : vector<16xf32> to vector<16xf32>
    %swap3A_78 = vector.shape_cast %broadcast_in_dim3A_74 : vector<16xf32> to vector<16xf32>
    tpu.vector_store %arg6[%swap3A_75], %swap3A_78 {strides = array<i32>} : memref<640xf32, #tpu.memory_space<vmem>>, vector<16xf32>,
    %broadcast_in_dim3A_79 = arith.constant 0.000000e+00 : f32
    %broadcast_in_dim3A_80 = vector.broadcast %broadcast_in_dim3A_79 : f32 to vector<16xf32>
    %swap3A_81 = arith.constant 64 : index
    %swap3A_82 = tpu.vector_load %arg6[%swap3A_81] {strides = array<i32>} : memref<640xf32, #tpu.memory_space<vmem>>, vector<16xf32>,
    %swap3A_83 = vector.shape_cast %swap3A_82 : vector<16xf32> to vector<16xf32>
    %swap3A_84 = vector.shape_cast %broadcast_in_dim3A_80 : vector<16xf32> to vector<16xf32>
    tpu.vector_store %arg6[%swap3A_81], %swap3A_84 {strides = array<i32>} : memref<640xf32, #tpu.memory_space<vmem>>, vector<16xf32>,
    %broadcast_in_dim3A_85 = arith.constant 0.000000e+00 : f32
    %broadcast_in_dim3A_86 = vector.broadcast %broadcast_in_dim3A_85 : f32 to vector<16xf32>
    %swap3A_87 = arith.constant 80 : index
    %swap3A_88 = tpu.vector_load %arg6[%swap3A_87] {strides = array<i32>} : memref<640xf32, #tpu.memory_space<vmem>>, vector<16xf32>,
    %swap3A_89 = vector.shape_cast %swap3A_88 : vector<16xf32> to vector<16xf32>
    %swap3A_90 = vector.shape_cast %broadcast_in_dim3A_86 : vector<16xf32> to vector<16xf32>
    tpu.vector_store %arg6[%swap3A_87], %swap3A_90 {strides = array<i32>} : memref<640xf32, #tpu.memory_space<vmem>>, vector<16xf32>,
    %broadcast_in_dim3A_91 = arith.constant 0.000000e+00 : f32
    %broadcast_in_dim3A_92 = vector.broadcast %broadcast_in_dim3A_91 : f32 to vector<16xf32>
    %swap3A_93 = arith.constant 96 : index
    %swap3A_94 = tpu.vector_load %arg6[%swap3A_93] {strides = array<i32>} : memref<640xf32, #tpu.memory_space<vmem>>, vector<16xf32>,
    %swap3A_95 = vector.shape_cast %swap3A_94 : vector<16xf32> to vector<16xf32>
    %swap3A_96 = vector.shape_cast %broadcast_in_dim3A_92 : vector<16xf32> to vector<16xf32>
    tpu.vector_store %arg6[%swap3A_93], %swap3A_96 {strides = array<i32>} : memref<640xf32, #tpu.memory_space<vmem>>, vector<16xf32>,
    %broadcast_in_dim3A_97 = arith.constant 0.000000e+00 : f32
    %broadcast_in_dim3A_98 = vector.broadcast %broadcast_in_dim3A_97 : f32 to vector<16xf32>
    %swap3A_99 = arith.constant 112 : index
    %swap3A_100 = tpu.vector_load %arg6[%swap3A_99] {strides = array<i32>} : memref<640xf32, #tpu.memory_space<vmem>>, vector<16xf32>,
    %swap3A_101 = vector.shape_cast %swap3A_100 : vector<16xf32> to vector<16xf32>
    %swap3A_102 = vector.shape_cast %broadcast_in_dim3A_98 : vector<16xf32> to vector<16xf32>
    tpu.vector_store %arg6[%swap3A_99], %swap3A_102 {strides = array<i32>} : memref<640xf32, #tpu.memory_space<vmem>>, vector<16xf32>,
    %broadcast_in_dim3A_103 = arith.constant 0.000000e+00 : f32
    %broadcast_in_dim3A_104 = vector.broadcast %broadcast_in_dim3A_103 : f32 to vector<16xf32>
    %swap3A_105 = arith.constant 128 : index
    %swap3A_106 = tpu.vector_load %arg6[%swap3A_105] {strides = array<i32>} : memref<640xf32, #tpu.memory_space<vmem>>, vector<16xf32>,
    %swap3A_107 = vector.shape_cast %swap3A_106 : vector<16xf32> to vector<16xf32>
    %swap3A_108 = vector.shape_cast %broadcast_in_dim3A_104 : vector<16xf32> to vector<16xf32>
    tpu.vector_store %arg6[%swap3A_105], %swap3A_108 {strides = array<i32>} : memref<640xf32, #tpu.memory_space<vmem>>, vector<16xf32>,
    %broadcast_in_dim3A_109 = arith.constant 0.000000e+00 : f32
    %broadcast_in_dim3A_110 = vector.broadcast %broadcast_in_dim3A_109 : f32 to vector<16xf32>
    %swap3A_111 = arith.constant 144 : index
    %swap3A_112 = tpu.vector_load %arg6[%swap3A_111] {strides = array<i32>} : memref<640xf32, #tpu.memory_space<vmem>>, vector<16xf32>,
    %swap3A_113 = vector.shape_cast %swap3A_112 : vector<16xf32> to vector<16xf32>
    %swap3A_114 = vector.shape_cast %broadcast_in_dim3A_110 : vector<16xf32> to vector<16xf32>
    tpu.vector_store %arg6[%swap3A_111], %swap3A_114 {strides = array<i32>} : memref<640xf32, #tpu.memory_space<vmem>>, vector<16xf32>,
    %broadcast_in_dim3A_115 = arith.constant 0.000000e+00 : f32
    %broadcast_in_dim3A_116 = vector.broadcast %broadcast_in_dim3A_115 : f32 to vector<16xf32>
    %swap3A_117 = arith.constant 160 : index
    %swap3A_118 = tpu.vector_load %arg6[%swap3A_117] {strides = array<i32>} : memref<640xf32, #tpu.memory_space<vmem>>, vector<16xf32>,
    %swap3A_119 = vector.shape_cast %swap3A_118 : vector<16xf32> to vector<16xf32>
    %swap3A_120 = vector.shape_cast %broadcast_in_dim3A_116 : vector<16xf32> to vector<16xf32>
    tpu.vector_store %arg6[%swap3A_117], %swap3A_120 {strides = array<i32>} : memref<640xf32, #tpu.memory_space<vmem>>, vector<16xf32>,
    %broadcast_in_dim3A_121 = arith.constant 0.000000e+00 : f32
    %broadcast_in_dim3A_122 = vector.broadcast %broadcast_in_dim3A_121 : f32 to vector<16xf32>
    %swap3A_123 = arith.constant 176 : index
    %swap3A_124 = tpu.vector_load %arg6[%swap3A_123] {strides = array<i32>} : memref<640xf32, #tpu.memory_space<vmem>>, vector<16xf32>,
    %swap3A_125 = vector.shape_cast %swap3A_124 : vector<16xf32> to vector<16xf32>
    %swap3A_126 = vector.shape_cast %broadcast_in_dim3A_122 : vector<16xf32> to vector<16xf32>
    tpu.vector_store %arg6[%swap3A_123], %swap3A_126 {strides = array<i32>} : memref<640xf32, #tpu.memory_space<vmem>>, vector<16xf32>,
    %broadcast_in_dim3A_127 = arith.constant 0.000000e+00 : f32
    %broadcast_in_dim3A_128 = vector.broadcast %broadcast_in_dim3A_127 : f32 to vector<16xf32>
    %swap3A_129 = arith.constant 192 : index
    %swap3A_130 = tpu.vector_load %arg6[%swap3A_129] {strides = array<i32>} : memref<640xf32, #tpu.memory_space<vmem>>, vector<16xf32>,
    %swap3A_131 = vector.shape_cast %swap3A_130 : vector<16xf32> to vector<16xf32>
    %swap3A_132 = vector.shape_cast %broadcast_in_dim3A_128 : vector<16xf32> to vector<16xf32>
    tpu.vector_store %arg6[%swap3A_129], %swap3A_132 {strides = array<i32>} : memref<640xf32, #tpu.memory_space<vmem>>, vector<16xf32>,
    %broadcast_in_dim3A_133 = arith.constant 0.000000e+00 : f32
    %broadcast_in_dim3A_134 = vector.broadcast %broadcast_in_dim3A_133 : f32 to vector<16xf32>
    %swap3A_135 = arith.constant 208 : index
    %swap3A_136 = tpu.vector_load %arg6[%swap3A_135] {strides = array<i32>} : memref<640xf32, #tpu.memory_space<vmem>>, vector<16xf32>,
    %swap3A_137 = vector.shape_cast %swap3A_136 : vector<16xf32> to vector<16xf32>
    %swap3A_138 = vector.shape_cast %broadcast_in_dim3A_134 : vector<16xf32> to vector<16xf32>
    tpu.vector_store %arg6[%swap3A_135], %swap3A_138 {strides = array<i32>} : memref<640xf32, #tpu.memory_space<vmem>>, vector<16xf32>,
    %broadcast_in_dim3A_139 = arith.constant 0.000000e+00 : f32
    %broadcast_in_dim3A_140 = vector.broadcast %broadcast_in_dim3A_139 : f32 to vector<16xf32>
    %swap3A_141 = arith.constant 224 : index
    %swap3A_142 = tpu.vector_load %arg6[%swap3A_141] {strides = array<i32>} : memref<640xf32, #tpu.memory_space<vmem>>, vector<16xf32>,
    %swap3A_143 = vector.shape_cast %swap3A_142 : vector<16xf32> to vector<16xf32>
    %swap3A_144 = vector.shape_cast %broadcast_in_dim3A_140 : vector<16xf32> to vector<16xf32>
    tpu.vector_store %arg6[%swap3A_141], %swap3A_144 {strides = array<i32>} : memref<640xf32, #tpu.memory_space<vmem>>, vector<16xf32>,
    %broadcast_in_dim3A_145 = arith.constant 0.000000e+00 : f32
    %broadcast_in_dim3A_146 = vector.broadcast %broadcast_in_dim3A_145 : f32 to vector<16xf32>
    %swap3A_147 = arith.constant 240 : index
    %swap3A_148 = tpu.vector_load %arg6[%swap3A_147] {strides = array<i32>} : memref<640xf32, #tpu.memory_space<vmem>>, vector<16xf32>,
    %swap3A_149 = vector.shape_cast %swap3A_148 : vector<16xf32> to vector<16xf32>
    %swap3A_150 = vector.shape_cast %broadcast_in_dim3A_146 : vector<16xf32> to vector<16xf32>
    tpu.vector_store %arg6[%swap3A_147], %swap3A_150 {strides = array<i32>} : memref<640xf32, #tpu.memory_space<vmem>>, vector<16xf32>,
    %broadcast_in_dim3A_151 = arith.constant 0.000000e+00 : f32
    %broadcast_in_dim3A_152 = vector.broadcast %broadcast_in_dim3A_151 : f32 to vector<16xf32>
    %swap3A_153 = arith.constant 256 : index
    %swap3A_154 = tpu.vector_load %arg6[%swap3A_153] {strides = array<i32>} : memref<640xf32, #tpu.memory_space<vmem>>, vector<16xf32>,
    %swap3A_155 = vector.shape_cast %swap3A_154 : vector<16xf32> to vector<16xf32>
    %swap3A_156 = vector.shape_cast %broadcast_in_dim3A_152 : vector<16xf32> to vector<16xf32>
    tpu.vector_store %arg6[%swap3A_153], %swap3A_156 {strides = array<i32>} : memref<640xf32, #tpu.memory_space<vmem>>, vector<16xf32>,
    %broadcast_in_dim3A_157 = arith.constant 0.000000e+00 : f32
    %broadcast_in_dim3A_158 = vector.broadcast %broadcast_in_dim3A_157 : f32 to vector<16xf32>
    %swap3A_159 = arith.constant 272 : index
    %swap3A_160 = tpu.vector_load %arg6[%swap3A_159] {strides = array<i32>} : memref<640xf32, #tpu.memory_space<vmem>>, vector<16xf32>,
    %swap3A_161 = vector.shape_cast %swap3A_160 : vector<16xf32> to vector<16xf32>
    %swap3A_162 = vector.shape_cast %broadcast_in_dim3A_158 : vector<16xf32> to vector<16xf32>
    tpu.vector_store %arg6[%swap3A_159], %swap3A_162 {strides = array<i32>} : memref<640xf32, #tpu.memory_space<vmem>>, vector<16xf32>,
    %broadcast_in_dim3A_163 = arith.constant 0.000000e+00 : f32
    %broadcast_in_dim3A_164 = vector.broadcast %broadcast_in_dim3A_163 : f32 to vector<16xf32>
    %swap3A_165 = arith.constant 288 : index
    %swap3A_166 = tpu.vector_load %arg6[%swap3A_165] {strides = array<i32>} : memref<640xf32, #tpu.memory_space<vmem>>, vector<16xf32>,
    %swap3A_167 = vector.shape_cast %swap3A_166 : vector<16xf32> to vector<16xf32>
    %swap3A_168 = vector.shape_cast %broadcast_in_dim3A_164 : vector<16xf32> to vector<16xf32>
    tpu.vector_store %arg6[%swap3A_165], %swap3A_168 {strides = array<i32>} : memref<640xf32, #tpu.memory_space<vmem>>, vector<16xf32>,
    %broadcast_in_dim3A_169 = arith.constant 0.000000e+00 : f32
    %broadcast_in_dim3A_170 = vector.broadcast %broadcast_in_dim3A_169 : f32 to vector<16xf32>
    %swap3A_171 = arith.constant 304 : index
    %swap3A_172 = tpu.vector_load %arg6[%swap3A_171] {strides = array<i32>} : memref<640xf32, #tpu.memory_space<vmem>>, vector<16xf32>,
    %swap3A_173 = vector.shape_cast %swap3A_172 : vector<16xf32> to vector<16xf32>
    %swap3A_174 = vector.shape_cast %broadcast_in_dim3A_170 : vector<16xf32> to vector<16xf32>
    tpu.vector_store %arg6[%swap3A_171], %swap3A_174 {strides = array<i32>} : memref<640xf32, #tpu.memory_space<vmem>>, vector<16xf32>,
    %broadcast_in_dim3A_175 = arith.constant 0.000000e+00 : f32
    %broadcast_in_dim3A_176 = vector.broadcast %broadcast_in_dim3A_175 : f32 to vector<16xf32>
    %swap3A_177 = arith.constant 320 : index
    %swap3A_178 = tpu.vector_load %arg6[%swap3A_177] {strides = array<i32>} : memref<640xf32, #tpu.memory_space<vmem>>, vector<16xf32>,
    %swap3A_179 = vector.shape_cast %swap3A_178 : vector<16xf32> to vector<16xf32>
    %swap3A_180 = vector.shape_cast %broadcast_in_dim3A_176 : vector<16xf32> to vector<16xf32>
    tpu.vector_store %arg6[%swap3A_177], %swap3A_180 {strides = array<i32>} : memref<640xf32, #tpu.memory_space<vmem>>, vector<16xf32>,
    %broadcast_in_dim3A_181 = arith.constant 0.000000e+00 : f32
    %broadcast_in_dim3A_182 = vector.broadcast %broadcast_in_dim3A_181 : f32 to vector<16xf32>
    %swap3A_183 = arith.constant 336 : index
    %swap3A_184 = tpu.vector_load %arg6[%swap3A_183] {strides = array<i32>} : memref<640xf32, #tpu.memory_space<vmem>>, vector<16xf32>,
    %swap3A_185 = vector.shape_cast %swap3A_184 : vector<16xf32> to vector<16xf32>
    %swap3A_186 = vector.shape_cast %broadcast_in_dim3A_182 : vector<16xf32> to vector<16xf32>
    tpu.vector_store %arg6[%swap3A_183], %swap3A_186 {strides = array<i32>} : memref<640xf32, #tpu.memory_space<vmem>>, vector<16xf32>,
    %broadcast_in_dim3A_187 = arith.constant 0.000000e+00 : f32
    %broadcast_in_dim3A_188 = vector.broadcast %broadcast_in_dim3A_187 : f32 to vector<16xf32>
    %swap3A_189 = arith.constant 352 : index
    %swap3A_190 = tpu.vector_load %arg6[%swap3A_189] {strides = array<i32>} : memref<640xf32, #tpu.memory_space<vmem>>, vector<16xf32>,
    %swap3A_191 = vector.shape_cast %swap3A_190 : vector<16xf32> to vector<16xf32>
    %swap3A_192 = vector.shape_cast %broadcast_in_dim3A_188 : vector<16xf32> to vector<16xf32>
    tpu.vector_store %arg6[%swap3A_189], %swap3A_192 {strides = array<i32>} : memref<640xf32, #tpu.memory_space<vmem>>, vector<16xf32>,
    %broadcast_in_dim3A_193 = arith.constant 0.000000e+00 : f32
    %broadcast_in_dim3A_194 = vector.broadcast %broadcast_in_dim3A_193 : f32 to vector<16xf32>
    %swap3A_195 = arith.constant 368 : index
    %swap3A_196 = tpu.vector_load %arg6[%swap3A_195] {strides = array<i32>} : memref<640xf32, #tpu.memory_space<vmem>>, vector<16xf32>,
    %swap3A_197 = vector.shape_cast %swap3A_196 : vector<16xf32> to vector<16xf32>
    %swap3A_198 = vector.shape_cast %broadcast_in_dim3A_194 : vector<16xf32> to vector<16xf32>
    tpu.vector_store %arg6[%swap3A_195], %swap3A_198 {strides = array<i32>} : memref<640xf32, #tpu.memory_space<vmem>>, vector<16xf32>,
    %broadcast_in_dim3A_199 = arith.constant 0.000000e+00 : f32
    %broadcast_in_dim3A_200 = vector.broadcast %broadcast_in_dim3A_199 : f32 to vector<16xf32>
    %swap3A_201 = arith.constant 384 : index
    %swap3A_202 = tpu.vector_load %arg6[%swap3A_201] {strides = array<i32>} : memref<640xf32, #tpu.memory_space<vmem>>, vector<16xf32>,
    %swap3A_203 = vector.shape_cast %swap3A_202 : vector<16xf32> to vector<16xf32>
    %swap3A_204 = vector.shape_cast %broadcast_in_dim3A_200 : vector<16xf32> to vector<16xf32>
    tpu.vector_store %arg6[%swap3A_201], %swap3A_204 {strides = array<i32>} : memref<640xf32, #tpu.memory_space<vmem>>, vector<16xf32>,
    %broadcast_in_dim3A_205 = arith.constant 0.000000e+00 : f32
    %broadcast_in_dim3A_206 = vector.broadcast %broadcast_in_dim3A_205 : f32 to vector<16xf32>
    %swap3A_207 = arith.constant 400 : index
    %swap3A_208 = tpu.vector_load %arg6[%swap3A_207] {strides = array<i32>} : memref<640xf32, #tpu.memory_space<vmem>>, vector<16xf32>,
    %swap3A_209 = vector.shape_cast %swap3A_208 : vector<16xf32> to vector<16xf32>
    %swap3A_210 = vector.shape_cast %broadcast_in_dim3A_206 : vector<16xf32> to vector<16xf32>
    tpu.vector_store %arg6[%swap3A_207], %swap3A_210 {strides = array<i32>} : memref<640xf32, #tpu.memory_space<vmem>>, vector<16xf32>,
    %broadcast_in_dim3A_211 = arith.constant 0.000000e+00 : f32
    %broadcast_in_dim3A_212 = vector.broadcast %broadcast_in_dim3A_211 : f32 to vector<16xf32>
    %swap3A_213 = arith.constant 416 : index
    %swap3A_214 = tpu.vector_load %arg6[%swap3A_213] {strides = array<i32>} : memref<640xf32, #tpu.memory_space<vmem>>, vector<16xf32>,
    %swap3A_215 = vector.shape_cast %swap3A_214 : vector<16xf32> to vector<16xf32>
    %swap3A_216 = vector.shape_cast %broadcast_in_dim3A_212 : vector<16xf32> to vector<16xf32>
    tpu.vector_store %arg6[%swap3A_213], %swap3A_216 {strides = array<i32>} : memref<640xf32, #tpu.memory_space<vmem>>, vector<16xf32>,
    %broadcast_in_dim3A_217 = arith.constant 0.000000e+00 : f32
    %broadcast_in_dim3A_218 = vector.broadcast %broadcast_in_dim3A_217 : f32 to vector<16xf32>
    %swap3A_219 = arith.constant 432 : index
    %swap3A_220 = tpu.vector_load %arg6[%swap3A_219] {strides = array<i32>} : memref<640xf32, #tpu.memory_space<vmem>>, vector<16xf32>,
    %swap3A_221 = vector.shape_cast %swap3A_220 : vector<16xf32> to vector<16xf32>
    %swap3A_222 = vector.shape_cast %broadcast_in_dim3A_218 : vector<16xf32> to vector<16xf32>
    tpu.vector_store %arg6[%swap3A_219], %swap3A_222 {strides = array<i32>} : memref<640xf32, #tpu.memory_space<vmem>>, vector<16xf32>,
    %broadcast_in_dim3A_223 = arith.constant 0.000000e+00 : f32
    %broadcast_in_dim3A_224 = vector.broadcast %broadcast_in_dim3A_223 : f32 to vector<16xf32>
    %swap3A_225 = arith.constant 448 : index
    %swap3A_226 = tpu.vector_load %arg6[%swap3A_225] {strides = array<i32>} : memref<640xf32, #tpu.memory_space<vmem>>, vector<16xf32>,
    %swap3A_227 = vector.shape_cast %swap3A_226 : vector<16xf32> to vector<16xf32>
    %swap3A_228 = vector.shape_cast %broadcast_in_dim3A_224 : vector<16xf32> to vector<16xf32>
    tpu.vector_store %arg6[%swap3A_225], %swap3A_228 {strides = array<i32>} : memref<640xf32, #tpu.memory_space<vmem>>, vector<16xf32>,
    %broadcast_in_dim3A_229 = arith.constant 0.000000e+00 : f32
    %broadcast_in_dim3A_230 = vector.broadcast %broadcast_in_dim3A_229 : f32 to vector<16xf32>
    %swap3A_231 = arith.constant 464 : index
    %swap3A_232 = tpu.vector_load %arg6[%swap3A_231] {strides = array<i32>} : memref<640xf32, #tpu.memory_space<vmem>>, vector<16xf32>,
    %swap3A_233 = vector.shape_cast %swap3A_232 : vector<16xf32> to vector<16xf32>
    %swap3A_234 = vector.shape_cast %broadcast_in_dim3A_230 : vector<16xf32> to vector<16xf32>
    tpu.vector_store %arg6[%swap3A_231], %swap3A_234 {strides = array<i32>} : memref<640xf32, #tpu.memory_space<vmem>>, vector<16xf32>,
    %broadcast_in_dim3A_235 = arith.constant 0.000000e+00 : f32
    %broadcast_in_dim3A_236 = vector.broadcast %broadcast_in_dim3A_235 : f32 to vector<16xf32>
    %swap3A_237 = arith.constant 480 : index
    %swap3A_238 = tpu.vector_load %arg6[%swap3A_237] {strides = array<i32>} : memref<640xf32, #tpu.memory_space<vmem>>, vector<16xf32>,
    %swap3A_239 = vector.shape_cast %swap3A_238 : vector<16xf32> to vector<16xf32>
    %swap3A_240 = vector.shape_cast %broadcast_in_dim3A_236 : vector<16xf32> to vector<16xf32>
    tpu.vector_store %arg6[%swap3A_237], %swap3A_240 {strides = array<i32>} : memref<640xf32, #tpu.memory_space<vmem>>, vector<16xf32>,
    %broadcast_in_dim3A_241 = arith.constant 0.000000e+00 : f32
    %broadcast_in_dim3A_242 = vector.broadcast %broadcast_in_dim3A_241 : f32 to vector<16xf32>
    %swap3A_243 = arith.constant 496 : index
    %swap3A_244 = tpu.vector_load %arg6[%swap3A_243] {strides = array<i32>} : memref<640xf32, #tpu.memory_space<vmem>>, vector<16xf32>,
    %swap3A_245 = vector.shape_cast %swap3A_244 : vector<16xf32> to vector<16xf32>
    %swap3A_246 = vector.shape_cast %broadcast_in_dim3A_242 : vector<16xf32> to vector<16xf32>
    tpu.vector_store %arg6[%swap3A_243], %swap3A_246 {strides = array<i32>} : memref<640xf32, #tpu.memory_space<vmem>>, vector<16xf32>,
    %broadcast_in_dim3A_247 = arith.constant 0.000000e+00 : f32
    %broadcast_in_dim3A_248 = vector.broadcast %broadcast_in_dim3A_247 : f32 to vector<16xf32>
    %swap3A_249 = arith.constant 512 : index
    %swap3A_250 = tpu.vector_load %arg6[%swap3A_249] {strides = array<i32>} : memref<640xf32, #tpu.memory_space<vmem>>, vector<16xf32>,
    %swap3A_251 = vector.shape_cast %swap3A_250 : vector<16xf32> to vector<16xf32>
    %swap3A_252 = vector.shape_cast %broadcast_in_dim3A_248 : vector<16xf32> to vector<16xf32>
    tpu.vector_store %arg6[%swap3A_249], %swap3A_252 {strides = array<i32>} : memref<640xf32, #tpu.memory_space<vmem>>, vector<16xf32>,
    %broadcast_in_dim3A_253 = arith.constant 0.000000e+00 : f32
    %broadcast_in_dim3A_254 = vector.broadcast %broadcast_in_dim3A_253 : f32 to vector<16xf32>
    %swap3A_255 = arith.constant 528 : index
    %swap3A_256 = tpu.vector_load %arg6[%swap3A_255] {strides = array<i32>} : memref<640xf32, #tpu.memory_space<vmem>>, vector<16xf32>,
    %swap3A_257 = vector.shape_cast %swap3A_256 : vector<16xf32> to vector<16xf32>
    %swap3A_258 = vector.shape_cast %broadcast_in_dim3A_254 : vector<16xf32> to vector<16xf32>
    tpu.vector_store %arg6[%swap3A_255], %swap3A_258 {strides = array<i32>} : memref<640xf32, #tpu.memory_space<vmem>>, vector<16xf32>,
    %broadcast_in_dim3A_259 = arith.constant 0.000000e+00 : f32
    %broadcast_in_dim3A_260 = vector.broadcast %broadcast_in_dim3A_259 : f32 to vector<16xf32>
    %swap3A_261 = arith.constant 544 : index
    %swap3A_262 = tpu.vector_load %arg6[%swap3A_261] {strides = array<i32>} : memref<640xf32, #tpu.memory_space<vmem>>, vector<16xf32>,
    %swap3A_263 = vector.shape_cast %swap3A_262 : vector<16xf32> to vector<16xf32>
    %swap3A_264 = vector.shape_cast %broadcast_in_dim3A_260 : vector<16xf32> to vector<16xf32>
    tpu.vector_store %arg6[%swap3A_261], %swap3A_264 {strides = array<i32>} : memref<640xf32, #tpu.memory_space<vmem>>, vector<16xf32>,
    %broadcast_in_dim3A_265 = arith.constant 0.000000e+00 : f32
    %broadcast_in_dim3A_266 = vector.broadcast %broadcast_in_dim3A_265 : f32 to vector<16xf32>
    %swap3A_267 = arith.constant 560 : index
    %swap3A_268 = tpu.vector_load %arg6[%swap3A_267] {strides = array<i32>} : memref<640xf32, #tpu.memory_space<vmem>>, vector<16xf32>,
    %swap3A_269 = vector.shape_cast %swap3A_268 : vector<16xf32> to vector<16xf32>
    %swap3A_270 = vector.shape_cast %broadcast_in_dim3A_266 : vector<16xf32> to vector<16xf32>
    tpu.vector_store %arg6[%swap3A_267], %swap3A_270 {strides = array<i32>} : memref<640xf32, #tpu.memory_space<vmem>>, vector<16xf32>,
    %broadcast_in_dim3A_271 = arith.constant 0.000000e+00 : f32
    %broadcast_in_dim3A_272 = vector.broadcast %broadcast_in_dim3A_271 : f32 to vector<16xf32>
    %swap3A_273 = arith.constant 576 : index
    %swap3A_274 = tpu.vector_load %arg6[%swap3A_273] {strides = array<i32>} : memref<640xf32, #tpu.memory_space<vmem>>, vector<16xf32>,
    %swap3A_275 = vector.shape_cast %swap3A_274 : vector<16xf32> to vector<16xf32>
    %swap3A_276 = vector.shape_cast %broadcast_in_dim3A_272 : vector<16xf32> to vector<16xf32>
    tpu.vector_store %arg6[%swap3A_273], %swap3A_276 {strides = array<i32>} : memref<640xf32, #tpu.memory_space<vmem>>, vector<16xf32>,
    %broadcast_in_dim3A_277 = arith.constant 0.000000e+00 : f32
    %broadcast_in_dim3A_278 = vector.broadcast %broadcast_in_dim3A_277 : f32 to vector<16xf32>
    %swap3A_279 = arith.constant 592 : index
    %swap3A_280 = tpu.vector_load %arg6[%swap3A_279] {strides = array<i32>} : memref<640xf32, #tpu.memory_space<vmem>>, vector<16xf32>,
    %swap3A_281 = vector.shape_cast %swap3A_280 : vector<16xf32> to vector<16xf32>
    %swap3A_282 = vector.shape_cast %broadcast_in_dim3A_278 : vector<16xf32> to vector<16xf32>
    tpu.vector_store %arg6[%swap3A_279], %swap3A_282 {strides = array<i32>} : memref<640xf32, #tpu.memory_space<vmem>>, vector<16xf32>,
    %broadcast_in_dim3A_283 = arith.constant 0.000000e+00 : f32
    %broadcast_in_dim3A_284 = vector.broadcast %broadcast_in_dim3A_283 : f32 to vector<16xf32>
    %swap3A_285 = arith.constant 608 : index
    %swap3A_286 = tpu.vector_load %arg6[%swap3A_285] {strides = array<i32>} : memref<640xf32, #tpu.memory_space<vmem>>, vector<16xf32>,
    %swap3A_287 = vector.shape_cast %swap3A_286 : vector<16xf32> to vector<16xf32>
    %swap3A_288 = vector.shape_cast %broadcast_in_dim3A_284 : vector<16xf32> to vector<16xf32>
    tpu.vector_store %arg6[%swap3A_285], %swap3A_288 {strides = array<i32>} : memref<640xf32, #tpu.memory_space<vmem>>, vector<16xf32>,
    %broadcast_in_dim3A_289 = arith.constant 0.000000e+00 : f32
    %broadcast_in_dim3A_290 = vector.broadcast %broadcast_in_dim3A_289 : f32 to vector<16xf32>
    %swap3A_291 = arith.constant 624 : index
    %swap3A_292 = tpu.vector_load %arg6[%swap3A_291] {strides = array<i32>} : memref<640xf32, #tpu.memory_space<vmem>>, vector<16xf32>,
    %swap3A_293 = vector.shape_cast %swap3A_292 : vector<16xf32> to vector<16xf32>
    %swap3A_294 = vector.shape_cast %broadcast_in_dim3A_290 : vector<16xf32> to vector<16xf32>
    tpu.vector_store %arg6[%swap3A_291], %swap3A_294 {strides = array<i32>} : memref<640xf32, #tpu.memory_space<vmem>>, vector<16xf32>,
    %eq3A_295 = arith.constant 0 : i32
    %eq3A_296 = arith.cmpi eq, %arg0, %eq3A_295 : i32
    %convert_element_type3A = arith.extui %eq3A_296 : i1 to i32
    %cond3A = arith.constant 0 : i32
    %cond3A_297 = arith.cmpi ne, %convert_element_type3A, %cond3A : i32
    scf.if %cond3A_297 {
      "tpu.region"() ({
        %run_scoped3A = tpu.sem_alloc : memref<!tpu.dma_semaphore, #tpu.memory_space<semaphore_mem>>
        %dma_start3A = arith.constant 0 : i32
        %dma_start3A_348 = arith.constant 0 : i32
        %dma_start3A_349 = tpu.memref_slice %arg4[%dma_start3A, %dma_start3A_348] : memref<128x128xi32, #tpu.memory_space<vmem>> -> memref<128x128xi32, #tpu.memory_space<vmem>>
        %dma_start3A_350 = arith.constant 0 : i32
        %dma_start3A_351 = tpu.memref_slice %arg2[%multiple_of3A, %dma_start3A_350] : memref<2560x128xi32, #tpu.memory_space<hbm>> -> memref<128x128xi32, #tpu.memory_space<hbm>>
        %dma_start3A_352 = arith.constant 0 : i32
        %dma_start3A_353 = arith.constant 0 : i32
        %dma_start3A_354 = tpu.memref_slice %arg4[%dma_start3A_352, %dma_start3A_353] : memref<128x128xi32, #tpu.memory_space<vmem>> -> memref<128x128xi32, #tpu.memory_space<vmem>>
        %dma_start3A_355 = arith.constant 0 : i32
        %dma_start3A_356 = tpu.memref_slice %arg2[%multiple_of3A, %dma_start3A_355] : memref<2560x128xi32, #tpu.memory_space<hbm>> -> memref<128x128xi32, #tpu.memory_space<hbm>>
        tpu.enqueue_dma source(%dma_start3A_356 : memref<128x128xi32, #tpu.memory_space<hbm>>) target(%dma_start3A_354 : memref<128x128xi32, #tpu.memory_space<vmem>>) target_semaphore(%run_scoped3A : memref<!tpu.dma_semaphore, #tpu.memory_space<semaphore_mem>>)
        %dma_wait3A_357 = arith.constant 0 : i32
        %dma_wait3A_358 = arith.constant 0 : i32
        %dma_wait3A_359 = tpu.memref_slice %arg4[%dma_wait3A_357, %dma_wait3A_358] : memref<128x128xi32, #tpu.memory_space<vmem>> -> memref<128x128xi32, #tpu.memory_space<vmem>>
        %dma_wait3A_360 = arith.constant 0 : i32
        %dma_wait3A_361 = tpu.memref_slice %arg2[%multiple_of3A, %dma_wait3A_360] : memref<2560x128xi32, #tpu.memory_space<hbm>> -> memref<128x128xi32, #tpu.memory_space<hbm>>
        %dma_wait3A_362 = arith.constant 0 : i32
        %dma_wait3A_363 = arith.constant 0 : i32
        %dma_wait3A_364 = tpu.memref_slice %arg4[%dma_wait3A_362, %dma_wait3A_363] : memref<128x128xi32, #tpu.memory_space<vmem>> -> memref<128x128xi32, #tpu.memory_space<vmem>>
        %dma_wait3A_365 = arith.constant 0 : i32
        %dma_wait3A_366 = tpu.memref_slice %arg2[%multiple_of3A, %dma_wait3A_365] : memref<2560x128xi32, #tpu.memory_space<hbm>> -> memref<128x128xi32, #tpu.memory_space<hbm>>
        tpu.wait_dma2 semaphore(%run_scoped3A : memref<!tpu.dma_semaphore, #tpu.memory_space<semaphore_mem>>) src(%dma_wait3A_366 : memref<128x128xi32, #tpu.memory_space<hbm>>) dst(%dma_wait3A_364 : memref<128x128xi32, #tpu.memory_space<vmem>>)
        tpu.yield
      }) : () -> ()
    } else {
    }
    %ne3A = arith.constant 0 : i32
    %ne3A_298 = arith.cmpi ne, %arg0, %ne3A : i32
    %convert_element_type3A_299 = arith.extui %ne3A_298 : i1 to i32
    %cond3A_300 = arith.constant 0 : i32
    %cond3A_301 = arith.cmpi ne, %convert_element_type3A_299, %cond3A_300 : i32
    scf.if %cond3A_301 {
      "tpu.region"() ({
        %run_scoped3A = tpu.sem_alloc : memref<!tpu.dma_semaphore, #tpu.memory_space<semaphore_mem>>
        %dma_start3A = arith.constant 0 : i32
        %dma_start3A_348 = arith.constant 0 : i32
        %dma_start3A_349 = tpu.memref_slice %arg4[%dma_start3A, %dma_start3A_348] : memref<128x128xi32, #tpu.memory_space<vmem>> -> memref<32x128xi32, #tpu.memory_space<vmem>>
        %dma_start3A_350 = arith.constant 0 : i32
        %dma_start3A_351 = tpu.memref_slice %arg2[%multiple_of3A, %dma_start3A_350] : memref<2560x128xi32, #tpu.memory_space<hbm>> -> memref<32x128xi32, #tpu.memory_space<hbm>>
        %dma_start3A_352 = arith.constant 0 : i32
        %dma_start3A_353 = arith.constant 0 : i32
        %dma_start3A_354 = tpu.memref_slice %arg4[%dma_start3A_352, %dma_start3A_353] : memref<128x128xi32, #tpu.memory_space<vmem>> -> memref<32x128xi32, #tpu.memory_space<vmem>>
        %dma_start3A_355 = arith.constant 0 : i32
        %dma_start3A_356 = tpu.memref_slice %arg2[%multiple_of3A, %dma_start3A_355] : memref<2560x128xi32, #tpu.memory_space<hbm>> -> memref<32x128xi32, #tpu.memory_space<hbm>>
        tpu.enqueue_dma source(%dma_start3A_356 : memref<32x128xi32, #tpu.memory_space<hbm>>) target(%dma_start3A_354 : memref<32x128xi32, #tpu.memory_space<vmem>>) target_semaphore(%run_scoped3A : memref<!tpu.dma_semaphore, #tpu.memory_space<semaphore_mem>>)
        %dma_wait3A_357 = arith.constant 0 : i32
        %dma_wait3A_358 = arith.constant 0 : i32
        %dma_wait3A_359 = tpu.memref_slice %arg4[%dma_wait3A_357, %dma_wait3A_358] : memref<128x128xi32, #tpu.memory_space<vmem>> -> memref<32x128xi32, #tpu.memory_space<vmem>>
        %dma_wait3A_360 = arith.constant 0 : i32
        %dma_wait3A_361 = tpu.memref_slice %arg2[%multiple_of3A, %dma_wait3A_360] : memref<2560x128xi32, #tpu.memory_space<hbm>> -> memref<32x128xi32, #tpu.memory_space<hbm>>
        %dma_wait3A_362 = arith.constant 0 : i32
        %dma_wait3A_363 = arith.constant 0 : i32
        %dma_wait3A_364 = tpu.memref_slice %arg4[%dma_wait3A_362, %dma_wait3A_363] : memref<128x128xi32, #tpu.memory_space<vmem>> -> memref<32x128xi32, #tpu.memory_space<vmem>>
        %dma_wait3A_365 = arith.constant 0 : i32
        %dma_wait3A_366 = tpu.memref_slice %arg2[%multiple_of3A, %dma_wait3A_365] : memref<2560x128xi32, #tpu.memory_space<hbm>> -> memref<32x128xi32, #tpu.memory_space<hbm>>
        tpu.wait_dma2 semaphore(%run_scoped3A : memref<!tpu.dma_semaphore, #tpu.memory_space<semaphore_mem>>) src(%dma_wait3A_366 : memref<32x128xi32, #tpu.memory_space<hbm>>) dst(%dma_wait3A_364 : memref<32x128xi32, #tpu.memory_space<vmem>>)
        tpu.yield
      }) : () -> ()
    } else {
    }
    %mul3A_302 = arith.constant 640 : i32
    %mul3A_303 = arith.muli %arg1, %mul3A_302 : i32
    "tpu.region"() ({
      %run_scoped3A = tpu.sem_alloc : memref<!tpu.dma_semaphore, #tpu.memory_space<semaphore_mem>>
      %dma_start3A = tpu.memref_slice %arg7[%mul3A_303] : memref<10240xf32, #tpu.memory_space<vmem_shared>> -> memref<640xf32, #tpu.memory_space<vmem_shared>>
      %dma_start3A_348 = tpu.memref_slice %arg7[%mul3A_303] : memref<10240xf32, #tpu.memory_space<vmem_shared>> -> memref<640xf32, #tpu.memory_space<vmem_shared>>
      tpu.enqueue_dma source(%arg6 : memref<640xf32, #tpu.memory_space<vmem>>) target(%dma_start3A_348 : memref<640xf32, #tpu.memory_space<vmem_shared>>) target_semaphore(%run_scoped3A : memref<!tpu.dma_semaphore, #tpu.memory_space<semaphore_mem>>)
      %dma_wait3A_349 = tpu.memref_slice %arg7[%mul3A_303] : memref<10240xf32, #tpu.memory_space<vmem_shared>> -> memref<640xf32, #tpu.memory_space<vmem_shared>>
      %dma_wait3A_350 = tpu.memref_slice %arg7[%mul3A_303] : memref<10240xf32, #tpu.memory_space<vmem_shared>> -> memref<640xf32, #tpu.memory_space<vmem_shared>>
      tpu.wait_dma2 semaphore(%run_scoped3A : memref<!tpu.dma_semaphore, #tpu.memory_space<semaphore_mem>>) src(%arg6 : memref<640xf32, #tpu.memory_space<vmem>>) dst(%dma_wait3A_350 : memref<640xf32, #tpu.memory_space<vmem_shared>>)
      tpu.yield
    }) : () -> ()
    %barrier3A = arith.constant 0 : index
    tpu.barrier barrier_id(%barrier3A)
    %jit3A_304 = arith.constant 2 : i32
    %div3A = arith.divsi %select_n3A, %jit3A_304 : i32
    %sign3A = arith.constant 0 : i32
    %sign3A_305 = arith.cmpi sgt, %select_n3A, %sign3A : i32
    %sign3A_306 = arith.extui %sign3A_305 : i1 to i32
    %sign3A_307 = arith.constant 0 : i32
    %sign3A_308 = arith.cmpi slt, %select_n3A, %sign3A_307 : i32
    %sign3A_309 = arith.extui %sign3A_308 : i1 to i32
    %sign3A_310 = arith.subi %sign3A_306, %sign3A_309 : i32
    %sign3A_311 = arith.constant 0 : i32
    %sign3A_312 = arith.cmpi sgt, %jit3A_304, %sign3A_311 : i32
    %sign3A_313 = arith.extui %sign3A_312 : i1 to i32
    %sign3A_314 = arith.constant 0 : i32
    %sign3A_315 = arith.cmpi slt, %jit3A_304, %sign3A_314 : i32
    %sign3A_316 = arith.extui %sign3A_315 : i1 to i32
    %sign3A_317 = arith.subi %sign3A_313, %sign3A_316 : i32
    %ne3A_318 = arith.cmpi ne, %sign3A_310, %sign3A_317 : i32
    %rem3A = arith.remsi %select_n3A, %jit3A_304 : i32
    %ne3A_319 = arith.constant 0 : i32
    %ne3A_320 = arith.cmpi ne, %rem3A, %ne3A_319 : i32
    %and3A = arith.andi %ne3A_318, %ne3A_320 : i1
    %sub3A = arith.constant 1 : i32
    %sub3A_321 = arith.subi %div3A, %sub3A : i32
    %select_n3A_322 = arith.select %and3A, %sub3A_321, %div3A : i32
    %while3A = arith.constant 0 : i32
    %while3A_323 = arith.constant 0 : i32
    %while3A_324 = arith.subi %select_n3A_322, %while3A_323 : i32
    %while3A_325 = arith.addi %while3A_323, %while3A_324 : i32
    %while3A_326 = arith.constant 1 : i32
    %while3A_327 = arith.divsi %while3A_324, %while3A_326 : i32
    %while3A_328 = arith.muli %while3A_327, %while3A_326 : i32
    %while3A_329 = arith.addi %while3A_323, %while3A_328 : i32
    %while3A_330 = arith.constant 1 : i32
    scf.for %while3A_348 = %while3A_323 to %while3A_329 step %while3A_330  : i32 {
      %mul3A_349 = arith.constant 2 : i32
      %mul3A_350 = arith.muli %mul3A_349, %while3A_348 : i32
      %gt3A = arith.constant 0 : i32
      %gt3A_351 = arith.cmpi sgt, %while3A_348, %gt3A : i32
      %convert_element_type3A_352 = arith.extui %gt3A_351 : i1 to i32
      %cond3A_353 = arith.constant 0 : i32
      %cond3A_354 = arith.cmpi ne, %convert_element_type3A_352, %cond3A_353 : i32
      scf.if %cond3A_354 {
        %dma_wait3A_371 = arith.constant 0 : i32
        %dma_wait3A_372 = arith.constant 0 : i32
        %dma_wait3A_373 = tpu.memref_slice %arg4[%dma_wait3A_371, %dma_wait3A_372] : memref<128x128xi32, #tpu.memory_space<vmem>> -> memref<1x128xi32, #tpu.memory_space<vmem>>
        %dma_wait3A_374 = tpu.memref_squeeze %dma_wait3A_373 : memref<1x128xi32, #tpu.memory_space<vmem>> -> memref<128xi32, #tpu.memory_space<vmem>>
        %dma_wait3A_375 = arith.constant 0 : i32
        %dma_wait3A_376 = tpu.memref_slice %arg7[%dma_wait3A_375] : memref<10240xf32, #tpu.memory_space<vmem_shared>> -> memref<10240xf32, #tpu.memory_space<vmem_shared>>
        tpu.wait_indirect_dma semaphore(%arg8 : memref<!tpu.dma_semaphore, #tpu.memory_space<semaphore_mem>>) src(%arg5 : memref<128xf32, #tpu.memory_space<vmem>>) dst(%dma_wait3A_376 : memref<10240xf32, #tpu.memory_space<vmem_shared>>)
      } else {
      }
      %dma_start3A = arith.constant 0 : i32
      %dma_start3A_355 = tpu.memref_slice %arg4[%mul3A_350, %dma_start3A] : memref<128x128xi32, #tpu.memory_space<vmem>> -> memref<1x128xi32, #tpu.memory_space<vmem>>
      %dma_start3A_356 = tpu.memref_squeeze %dma_start3A_355 : memref<1x128xi32, #tpu.memory_space<vmem>> -> memref<128xi32, #tpu.memory_space<vmem>>
      %dma_start3A_357 = arith.constant 0 : i32
      %dma_start3A_358 = tpu.memref_slice %arg7[%dma_start3A_357] : memref<10240xf32, #tpu.memory_space<vmem_shared>> -> memref<10240xf32, #tpu.memory_space<vmem_shared>>
      tpu.enqueue_indirect_dma source(%arg5 : memref<128xf32, #tpu.memory_space<vmem>>) target(%dma_start3A_358 : memref<10240xf32, #tpu.memory_space<vmem_shared>>) offsets(%dma_start3A_356 : memref<128xi32, #tpu.memory_space<vmem>>) semaphore(%arg8 : memref<!tpu.dma_semaphore, #tpu.memory_space<semaphore_mem>>) {add = true}
      %gt3A_359 = arith.constant 0 : i32
      %gt3A_360 = arith.cmpi sgt, %while3A_348, %gt3A_359 : i32
      %convert_element_type3A_361 = arith.extui %gt3A_360 : i1 to i32
      %cond3A_362 = arith.constant 0 : i32
      %cond3A_363 = arith.cmpi ne, %convert_element_type3A_361, %cond3A_362 : i32
      scf.if %cond3A_363 {
        %dma_wait3A_371 = arith.constant 0 : i32
        %dma_wait3A_372 = arith.constant 0 : i32
        %dma_wait3A_373 = tpu.memref_slice %arg4[%dma_wait3A_371, %dma_wait3A_372] : memref<128x128xi32, #tpu.memory_space<vmem>> -> memref<1x128xi32, #tpu.memory_space<vmem>>
        %dma_wait3A_374 = tpu.memref_squeeze %dma_wait3A_373 : memref<1x128xi32, #tpu.memory_space<vmem>> -> memref<128xi32, #tpu.memory_space<vmem>>
        %dma_wait3A_375 = arith.constant 0 : i32
        %dma_wait3A_376 = tpu.memref_slice %arg7[%dma_wait3A_375] : memref<10240xf32, #tpu.memory_space<vmem_shared>> -> memref<10240xf32, #tpu.memory_space<vmem_shared>>
        tpu.wait_indirect_dma semaphore(%arg9 : memref<!tpu.dma_semaphore, #tpu.memory_space<semaphore_mem>>) src(%arg5 : memref<128xf32, #tpu.memory_space<vmem>>) dst(%dma_wait3A_376 : memref<10240xf32, #tpu.memory_space<vmem_shared>>)
      } else {
      }
      %add3A_364 = arith.constant 1 : i32
      %add3A_365 = arith.addi %mul3A_350, %add3A_364 : i32
      %dma_start3A_366 = arith.constant 0 : i32
      %dma_start3A_367 = tpu.memref_slice %arg4[%add3A_365, %dma_start3A_366] : memref<128x128xi32, #tpu.memory_space<vmem>> -> memref<1x128xi32, #tpu.memory_space<vmem>>
      %dma_start3A_368 = tpu.memref_squeeze %dma_start3A_367 : memref<1x128xi32, #tpu.memory_space<vmem>> -> memref<128xi32, #tpu.memory_space<vmem>>
      %dma_start3A_369 = arith.constant 0 : i32
      %dma_start3A_370 = tpu.memref_slice %arg7[%dma_start3A_369] : memref<10240xf32, #tpu.memory_space<vmem_shared>> -> memref<10240xf32, #tpu.memory_space<vmem_shared>>
      tpu.enqueue_indirect_dma source(%arg5 : memref<128xf32, #tpu.memory_space<vmem>>) target(%dma_start3A_370 : memref<10240xf32, #tpu.memory_space<vmem_shared>>) offsets(%dma_start3A_368 : memref<128xi32, #tpu.memory_space<vmem>>) semaphore(%arg9 : memref<!tpu.dma_semaphore, #tpu.memory_space<semaphore_mem>>) {add = true}
    }
    %while3A_331 = arith.constant 1 : i32
    scf.for %while3A_348 = %while3A_329 to %while3A_325 step %while3A_331  : i32 {
      %mul3A_349 = arith.constant 2 : i32
      %mul3A_350 = arith.muli %mul3A_349, %while3A_348 : i32
      %gt3A = arith.constant 0 : i32
      %gt3A_351 = arith.cmpi sgt, %while3A_348, %gt3A : i32
      %convert_element_type3A_352 = arith.extui %gt3A_351 : i1 to i32
      %cond3A_353 = arith.constant 0 : i32
      %cond3A_354 = arith.cmpi ne, %convert_element_type3A_352, %cond3A_353 : i32
      scf.if %cond3A_354 {
        %dma_wait3A_371 = arith.constant 0 : i32
        %dma_wait3A_372 = arith.constant 0 : i32
        %dma_wait3A_373 = tpu.memref_slice %arg4[%dma_wait3A_371, %dma_wait3A_372] : memref<128x128xi32, #tpu.memory_space<vmem>> -> memref<1x128xi32, #tpu.memory_space<vmem>>
        %dma_wait3A_374 = tpu.memref_squeeze %dma_wait3A_373 : memref<1x128xi32, #tpu.memory_space<vmem>> -> memref<128xi32, #tpu.memory_space<vmem>>
        %dma_wait3A_375 = arith.constant 0 : i32
        %dma_wait3A_376 = tpu.memref_slice %arg7[%dma_wait3A_375] : memref<10240xf32, #tpu.memory_space<vmem_shared>> -> memref<10240xf32, #tpu.memory_space<vmem_shared>>
        tpu.wait_indirect_dma semaphore(%arg8 : memref<!tpu.dma_semaphore, #tpu.memory_space<semaphore_mem>>) src(%arg5 : memref<128xf32, #tpu.memory_space<vmem>>) dst(%dma_wait3A_376 : memref<10240xf32, #tpu.memory_space<vmem_shared>>)
      } else {
      }
      %dma_start3A = arith.constant 0 : i32
      %dma_start3A_355 = tpu.memref_slice %arg4[%mul3A_350, %dma_start3A] : memref<128x128xi32, #tpu.memory_space<vmem>> -> memref<1x128xi32, #tpu.memory_space<vmem>>
      %dma_start3A_356 = tpu.memref_squeeze %dma_start3A_355 : memref<1x128xi32, #tpu.memory_space<vmem>> -> memref<128xi32, #tpu.memory_space<vmem>>
      %dma_start3A_357 = arith.constant 0 : i32
      %dma_start3A_358 = tpu.memref_slice %arg7[%dma_start3A_357] : memref<10240xf32, #tpu.memory_space<vmem_shared>> -> memref<10240xf32, #tpu.memory_space<vmem_shared>>
      tpu.enqueue_indirect_dma source(%arg5 : memref<128xf32, #tpu.memory_space<vmem>>) target(%dma_start3A_358 : memref<10240xf32, #tpu.memory_space<vmem_shared>>) offsets(%dma_start3A_356 : memref<128xi32, #tpu.memory_space<vmem>>) semaphore(%arg8 : memref<!tpu.dma_semaphore, #tpu.memory_space<semaphore_mem>>) {add = true}
      %gt3A_359 = arith.constant 0 : i32
      %gt3A_360 = arith.cmpi sgt, %while3A_348, %gt3A_359 : i32
      %convert_element_type3A_361 = arith.extui %gt3A_360 : i1 to i32
      %cond3A_362 = arith.constant 0 : i32
      %cond3A_363 = arith.cmpi ne, %convert_element_type3A_361, %cond3A_362 : i32
      scf.if %cond3A_363 {
        %dma_wait3A_371 = arith.constant 0 : i32
        %dma_wait3A_372 = arith.constant 0 : i32
        %dma_wait3A_373 = tpu.memref_slice %arg4[%dma_wait3A_371, %dma_wait3A_372] : memref<128x128xi32, #tpu.memory_space<vmem>> -> memref<1x128xi32, #tpu.memory_space<vmem>>
        %dma_wait3A_374 = tpu.memref_squeeze %dma_wait3A_373 : memref<1x128xi32, #tpu.memory_space<vmem>> -> memref<128xi32, #tpu.memory_space<vmem>>
        %dma_wait3A_375 = arith.constant 0 : i32
        %dma_wait3A_376 = tpu.memref_slice %arg7[%dma_wait3A_375] : memref<10240xf32, #tpu.memory_space<vmem_shared>> -> memref<10240xf32, #tpu.memory_space<vmem_shared>>
        tpu.wait_indirect_dma semaphore(%arg9 : memref<!tpu.dma_semaphore, #tpu.memory_space<semaphore_mem>>) src(%arg5 : memref<128xf32, #tpu.memory_space<vmem>>) dst(%dma_wait3A_376 : memref<10240xf32, #tpu.memory_space<vmem_shared>>)
      } else {
      }
      %add3A_364 = arith.constant 1 : i32
      %add3A_365 = arith.addi %mul3A_350, %add3A_364 : i32
      %dma_start3A_366 = arith.constant 0 : i32
      %dma_start3A_367 = tpu.memref_slice %arg4[%add3A_365, %dma_start3A_366] : memref<128x128xi32, #tpu.memory_space<vmem>> -> memref<1x128xi32, #tpu.memory_space<vmem>>
      %dma_start3A_368 = tpu.memref_squeeze %dma_start3A_367 : memref<1x128xi32, #tpu.memory_space<vmem>> -> memref<128xi32, #tpu.memory_space<vmem>>
      %dma_start3A_369 = arith.constant 0 : i32
      %dma_start3A_370 = tpu.memref_slice %arg7[%dma_start3A_369] : memref<10240xf32, #tpu.memory_space<vmem_shared>> -> memref<10240xf32, #tpu.memory_space<vmem_shared>>
      tpu.enqueue_indirect_dma source(%arg5 : memref<128xf32, #tpu.memory_space<vmem>>) target(%dma_start3A_370 : memref<10240xf32, #tpu.memory_space<vmem_shared>>) offsets(%dma_start3A_368 : memref<128xi32, #tpu.memory_space<vmem>>) semaphore(%arg9 : memref<!tpu.dma_semaphore, #tpu.memory_space<semaphore_mem>>) {add = true}
    }
    %dma_wait3A = arith.constant 0 : i32
    %dma_wait3A_332 = arith.constant 0 : i32
    %dma_wait3A_333 = tpu.memref_slice %arg4[%dma_wait3A, %dma_wait3A_332] : memref<128x128xi32, #tpu.memory_space<vmem>> -> memref<1x128xi32, #tpu.memory_space<vmem>>
    %dma_wait3A_334 = tpu.memref_squeeze %dma_wait3A_333 : memref<1x128xi32, #tpu.memory_space<vmem>> -> memref<128xi32, #tpu.memory_space<vmem>>
    %dma_wait3A_335 = arith.constant 0 : i32
    %dma_wait3A_336 = tpu.memref_slice %arg7[%dma_wait3A_335] : memref<10240xf32, #tpu.memory_space<vmem_shared>> -> memref<10240xf32, #tpu.memory_space<vmem_shared>>
    tpu.wait_indirect_dma semaphore(%arg8 : memref<!tpu.dma_semaphore, #tpu.memory_space<semaphore_mem>>) src(%arg5 : memref<128xf32, #tpu.memory_space<vmem>>) dst(%dma_wait3A_336 : memref<10240xf32, #tpu.memory_space<vmem_shared>>)
    %dma_wait3A_337 = arith.constant 0 : i32
    %dma_wait3A_338 = arith.constant 0 : i32
    %dma_wait3A_339 = tpu.memref_slice %arg4[%dma_wait3A_337, %dma_wait3A_338] : memref<128x128xi32, #tpu.memory_space<vmem>> -> memref<1x128xi32, #tpu.memory_space<vmem>>
    %dma_wait3A_340 = tpu.memref_squeeze %dma_wait3A_339 : memref<1x128xi32, #tpu.memory_space<vmem>> -> memref<128xi32, #tpu.memory_space<vmem>>
    %dma_wait3A_341 = arith.constant 0 : i32
    %dma_wait3A_342 = tpu.memref_slice %arg7[%dma_wait3A_341] : memref<10240xf32, #tpu.memory_space<vmem_shared>> -> memref<10240xf32, #tpu.memory_space<vmem_shared>>
    tpu.wait_indirect_dma semaphore(%arg9 : memref<!tpu.dma_semaphore, #tpu.memory_space<semaphore_mem>>) src(%arg5 : memref<128xf32, #tpu.memory_space<vmem>>) dst(%dma_wait3A_342 : memref<10240xf32, #tpu.memory_space<vmem_shared>>)
    %barrier3A_343 = arith.constant 0 : index
    tpu.barrier barrier_id(%barrier3A_343)
    %mul3A_344 = arith.constant 640 : i32
    %mul3A_345 = arith.muli %arg1, %mul3A_344 : i32
    %mul3A_346 = arith.constant 640 : i32
    %mul3A_347 = arith.muli %arg1, %mul3A_346 : i32
    "tpu.region"() ({
      %run_scoped3A = tpu.sem_alloc : memref<!tpu.dma_semaphore, #tpu.memory_space<semaphore_mem>>
      %dma_start3A = tpu.memref_slice %arg3[%arg0, %mul3A_347] : memref<2x10240xf32, #tpu.memory_space<hbm>> -> memref<1x640xf32, #tpu.memory_space<hbm>>
      %dma_start3A_348 = tpu.memref_squeeze %dma_start3A : memref<1x640xf32, #tpu.memory_space<hbm>> -> memref<640xf32, #tpu.memory_space<hbm>>
      %dma_start3A_349 = tpu.memref_slice %arg7[%mul3A_345] : memref<10240xf32, #tpu.memory_space<vmem_shared>> -> memref<640xf32, #tpu.memory_space<vmem_shared>>
      tpu.enqueue_dma source(%dma_start3A_349 : memref<640xf32, #tpu.memory_space<vmem_shared>>) target(%dma_start3A_348 : memref<640xf32, #tpu.memory_space<hbm>>) target_semaphore(%run_scoped3A : memref<!tpu.dma_semaphore, #tpu.memory_space<semaphore_mem>>)
      %dma_wait3A_350 = tpu.memref_slice %arg3[%arg0, %mul3A_347] : memref<2x10240xf32, #tpu.memory_space<hbm>> -> memref<1x640xf32, #tpu.memory_space<hbm>>
      %dma_wait3A_351 = tpu.memref_squeeze %dma_wait3A_350 : memref<1x640xf32, #tpu.memory_space<hbm>> -> memref<640xf32, #tpu.memory_space<hbm>>
      %dma_wait3A_352 = tpu.memref_slice %arg7[%mul3A_345] : memref<10240xf32, #tpu.memory_space<vmem_shared>> -> memref<640xf32, #tpu.memory_space<vmem_shared>>
      tpu.wait_dma2 semaphore(%run_scoped3A : memref<!tpu.dma_semaphore, #tpu.memory_space<semaphore_mem>>) src(%dma_wait3A_352 : memref<640xf32, #tpu.memory_space<vmem_shared>>) dst(%dma_wait3A_351 : memref<640xf32, #tpu.memory_space<hbm>>)
      tpu.yield
    }) : () -> ()
    return
  }
}

#map = affine_map<(d0, d1) -> (0, 0)>
#map1 = affine_map<(d0, d1) -> (0, 0, 0)>
module attributes {stable_mosaic.version = 14 : i64} {
  func.func @agg(%arg0: i32, %arg1: i32, %arg2: memref<10240x128xf32, #tpu.memory_space<hbm>>, %arg3: memref<2560x128xi32, #tpu.memory_space<hbm>>, %arg4: memref<2560x128xi32, #tpu.memory_space<hbm>>, %arg5: memref<2x10240x128xf32, #tpu.memory_space<hbm>>, %arg6: memref<128xi32, #tpu.memory_space<vmem>>, %arg7: memref<128xi32, #tpu.memory_space<vmem>>, %arg8: memref<128xi32, #tpu.memory_space<vmem>>, %arg9: memref<128xi32, #tpu.memory_space<vmem>>, %arg10: memref<128x128xf32, #tpu.memory_space<vmem>>, %arg11: memref<128x128xf32, #tpu.memory_space<vmem>>, %arg12: memref<10240x128xf32, #tpu.memory_space<vmem_shared>>, %arg13: memref<!tpu.dma_semaphore, #tpu.memory_space<semaphore_mem>>, %arg14: memref<!tpu.dma_semaphore, #tpu.memory_space<semaphore_mem>>, %arg15: memref<!tpu.dma_semaphore, #tpu.memory_space<semaphore_mem>>, %arg16: memref<!tpu.dma_semaphore, #tpu.memory_space<semaphore_mem>>, %arg17: memref<!tpu.dma_semaphore, #tpu.memory_space<semaphore_mem>>, %arg18: memref<!tpu.dma_semaphore, #tpu.memory_space<semaphore_mem>>) attributes {dimension_semantics = [#tpu.dimension_semantics<core_parallel>, #tpu.dimension_semantics<subcore_parallel>], iteration_bounds = array<i64: 2, 16>, scalar_prefetch = 0 : i64, scratch_operands = 13 : i64, tpu.core_type = #tpu.core_type<sc_vector_subcore>, window_params = [{transform_indices = #map}, {transform_indices = #map}, {transform_indices = #map}, {transform_indices = #map1}]} {
    %eq3A = arith.constant 0 : i32
    %eq3A_0 = arith.cmpi eq, %arg0, %eq3A : i32
    %jit3A = arith.constant 128 : i32
    %jit3A_1 = arith.constant 32 : i32
    %select_n3A = arith.select %eq3A_0, %jit3A, %jit3A_1 : i32
    %eq3A_2 = arith.constant 0 : i32
    %eq3A_3 = arith.cmpi eq, %arg0, %eq3A_2 : i32
    %mul3A = arith.constant 128 : i32
    %mul3A_4 = arith.muli %arg1, %mul3A : i32
    %mul3A_5 = arith.constant 32 : i32
    %mul3A_6 = arith.muli %arg1, %mul3A_5 : i32
    %add3A = arith.constant 2048 : i32
    %add3A_7 = arith.addi %add3A, %mul3A_6 : i32
    %select_n3A_8 = arith.select %eq3A_3, %mul3A_4, %add3A_7 : i32
    %mul3A_9 = arith.constant 640 : i32
    %mul3A_10 = arith.muli %arg1, %mul3A_9 : i32
    %mul3A_11 = arith.constant 640 : i32
    %mul3A_12 = arith.muli %arg1, %mul3A_11 : i32
    "tpu.region"() ({
      %run_scoped3A = tpu.sem_alloc : memref<!tpu.dma_semaphore, #tpu.memory_space<semaphore_mem>>
      %dma_start3A_54 = arith.constant 0 : i32
      %dma_start3A_55 = tpu.memref_slice %arg12[%mul3A_12, %dma_start3A_54] : memref<10240x128xf32, #tpu.memory_space<vmem_shared>> -> memref<640x128xf32, #tpu.memory_space<vmem_shared>>
      %dma_start3A_56 = arith.constant 0 : i32
      %dma_start3A_57 = tpu.memref_slice %arg2[%mul3A_10, %dma_start3A_56] : memref<10240x128xf32, #tpu.memory_space<hbm>> -> memref<640x128xf32, #tpu.memory_space<hbm>>
      tpu.enqueue_dma source(%dma_start3A_57 : memref<640x128xf32, #tpu.memory_space<hbm>>) target(%dma_start3A_55 : memref<640x128xf32, #tpu.memory_space<vmem_shared>>) target_semaphore(%run_scoped3A : memref<!tpu.dma_semaphore, #tpu.memory_space<semaphore_mem>>)
      %dma_wait3A = arith.constant 0 : i32
      %dma_wait3A_58 = tpu.memref_slice %arg12[%mul3A_12, %dma_wait3A] : memref<10240x128xf32, #tpu.memory_space<vmem_shared>> -> memref<640x128xf32, #tpu.memory_space<vmem_shared>>
      %dma_wait3A_59 = arith.constant 0 : i32
      %dma_wait3A_60 = tpu.memref_slice %arg2[%mul3A_10, %dma_wait3A_59] : memref<10240x128xf32, #tpu.memory_space<hbm>> -> memref<640x128xf32, #tpu.memory_space<hbm>>
      tpu.wait_dma2 semaphore(%run_scoped3A : memref<!tpu.dma_semaphore, #tpu.memory_space<semaphore_mem>>) src(%dma_wait3A_60 : memref<640x128xf32, #tpu.memory_space<hbm>>) dst(%dma_wait3A_58 : memref<640x128xf32, #tpu.memory_space<vmem_shared>>)
      tpu.yield
    }) : () -> ()
    %barrier3A = arith.constant 0 : index
    tpu.barrier barrier_id(%barrier3A)
    "tpu.region"() ({
      %run_scoped3A = tpu.sem_alloc : memref<!tpu.dma_semaphore, #tpu.memory_space<semaphore_mem>>
      %dma_start3A_54 = arith.constant 0 : i32
      %dma_start3A_55 = tpu.memref_slice %arg3[%select_n3A_8, %dma_start3A_54] : memref<2560x128xi32, #tpu.memory_space<hbm>> -> memref<1x128xi32, #tpu.memory_space<hbm>>
      %dma_start3A_56 = tpu.memref_squeeze %dma_start3A_55 : memref<1x128xi32, #tpu.memory_space<hbm>> -> memref<128xi32, #tpu.memory_space<hbm>>
      %dma_start3A_57 = arith.constant 0 : i32
      %dma_start3A_58 = tpu.memref_slice %arg3[%select_n3A_8, %dma_start3A_57] : memref<2560x128xi32, #tpu.memory_space<hbm>> -> memref<1x128xi32, #tpu.memory_space<hbm>>
      %dma_start3A_59 = tpu.memref_squeeze %dma_start3A_58 : memref<1x128xi32, #tpu.memory_space<hbm>> -> memref<128xi32, #tpu.memory_space<hbm>>
      tpu.enqueue_dma source(%dma_start3A_59 : memref<128xi32, #tpu.memory_space<hbm>>) target(%arg6 : memref<128xi32, #tpu.memory_space<vmem>>) target_semaphore(%run_scoped3A : memref<!tpu.dma_semaphore, #tpu.memory_space<semaphore_mem>>)
      %dma_wait3A = arith.constant 0 : i32
      %dma_wait3A_60 = tpu.memref_slice %arg3[%select_n3A_8, %dma_wait3A] : memref<2560x128xi32, #tpu.memory_space<hbm>> -> memref<1x128xi32, #tpu.memory_space<hbm>>
      %dma_wait3A_61 = tpu.memref_squeeze %dma_wait3A_60 : memref<1x128xi32, #tpu.memory_space<hbm>> -> memref<128xi32, #tpu.memory_space<hbm>>
      %dma_wait3A_62 = arith.constant 0 : i32
      %dma_wait3A_63 = tpu.memref_slice %arg3[%select_n3A_8, %dma_wait3A_62] : memref<2560x128xi32, #tpu.memory_space<hbm>> -> memref<1x128xi32, #tpu.memory_space<hbm>>
      %dma_wait3A_64 = tpu.memref_squeeze %dma_wait3A_63 : memref<1x128xi32, #tpu.memory_space<hbm>> -> memref<128xi32, #tpu.memory_space<hbm>>
      tpu.wait_dma2 semaphore(%run_scoped3A : memref<!tpu.dma_semaphore, #tpu.memory_space<semaphore_mem>>) src(%dma_wait3A_64 : memref<128xi32, #tpu.memory_space<hbm>>) dst(%arg6 : memref<128xi32, #tpu.memory_space<vmem>>)
      tpu.yield
    }) : () -> ()
    %add3A_13 = arith.constant 1 : i32
    %add3A_14 = arith.addi %select_n3A_8, %add3A_13 : i32
    "tpu.region"() ({
      %run_scoped3A = tpu.sem_alloc : memref<!tpu.dma_semaphore, #tpu.memory_space<semaphore_mem>>
      %dma_start3A_54 = arith.constant 0 : i32
      %dma_start3A_55 = tpu.memref_slice %arg3[%add3A_14, %dma_start3A_54] : memref<2560x128xi32, #tpu.memory_space<hbm>> -> memref<1x128xi32, #tpu.memory_space<hbm>>
      %dma_start3A_56 = tpu.memref_squeeze %dma_start3A_55 : memref<1x128xi32, #tpu.memory_space<hbm>> -> memref<128xi32, #tpu.memory_space<hbm>>
      %dma_start3A_57 = arith.constant 0 : i32
      %dma_start3A_58 = tpu.memref_slice %arg3[%add3A_14, %dma_start3A_57] : memref<2560x128xi32, #tpu.memory_space<hbm>> -> memref<1x128xi32, #tpu.memory_space<hbm>>
      %dma_start3A_59 = tpu.memref_squeeze %dma_start3A_58 : memref<1x128xi32, #tpu.memory_space<hbm>> -> memref<128xi32, #tpu.memory_space<hbm>>
      tpu.enqueue_dma source(%dma_start3A_59 : memref<128xi32, #tpu.memory_space<hbm>>) target(%arg7 : memref<128xi32, #tpu.memory_space<vmem>>) target_semaphore(%run_scoped3A : memref<!tpu.dma_semaphore, #tpu.memory_space<semaphore_mem>>)
      %dma_wait3A = arith.constant 0 : i32
      %dma_wait3A_60 = tpu.memref_slice %arg3[%add3A_14, %dma_wait3A] : memref<2560x128xi32, #tpu.memory_space<hbm>> -> memref<1x128xi32, #tpu.memory_space<hbm>>
      %dma_wait3A_61 = tpu.memref_squeeze %dma_wait3A_60 : memref<1x128xi32, #tpu.memory_space<hbm>> -> memref<128xi32, #tpu.memory_space<hbm>>
      %dma_wait3A_62 = arith.constant 0 : i32
      %dma_wait3A_63 = tpu.memref_slice %arg3[%add3A_14, %dma_wait3A_62] : memref<2560x128xi32, #tpu.memory_space<hbm>> -> memref<1x128xi32, #tpu.memory_space<hbm>>
      %dma_wait3A_64 = tpu.memref_squeeze %dma_wait3A_63 : memref<1x128xi32, #tpu.memory_space<hbm>> -> memref<128xi32, #tpu.memory_space<hbm>>
      tpu.wait_dma2 semaphore(%run_scoped3A : memref<!tpu.dma_semaphore, #tpu.memory_space<semaphore_mem>>) src(%dma_wait3A_64 : memref<128xi32, #tpu.memory_space<hbm>>) dst(%arg7 : memref<128xi32, #tpu.memory_space<vmem>>)
      tpu.yield
    }) : () -> ()
    "tpu.region"() ({
      %run_scoped3A = tpu.sem_alloc : memref<!tpu.dma_semaphore, #tpu.memory_space<semaphore_mem>>
      %dma_start3A_54 = arith.constant 0 : i32
      %dma_start3A_55 = tpu.memref_slice %arg4[%select_n3A_8, %dma_start3A_54] : memref<2560x128xi32, #tpu.memory_space<hbm>> -> memref<1x128xi32, #tpu.memory_space<hbm>>
      %dma_start3A_56 = tpu.memref_squeeze %dma_start3A_55 : memref<1x128xi32, #tpu.memory_space<hbm>> -> memref<128xi32, #tpu.memory_space<hbm>>
      %dma_start3A_57 = arith.constant 0 : i32
      %dma_start3A_58 = tpu.memref_slice %arg4[%select_n3A_8, %dma_start3A_57] : memref<2560x128xi32, #tpu.memory_space<hbm>> -> memref<1x128xi32, #tpu.memory_space<hbm>>
      %dma_start3A_59 = tpu.memref_squeeze %dma_start3A_58 : memref<1x128xi32, #tpu.memory_space<hbm>> -> memref<128xi32, #tpu.memory_space<hbm>>
      tpu.enqueue_dma source(%dma_start3A_59 : memref<128xi32, #tpu.memory_space<hbm>>) target(%arg8 : memref<128xi32, #tpu.memory_space<vmem>>) target_semaphore(%run_scoped3A : memref<!tpu.dma_semaphore, #tpu.memory_space<semaphore_mem>>)
      %dma_wait3A = arith.constant 0 : i32
      %dma_wait3A_60 = tpu.memref_slice %arg4[%select_n3A_8, %dma_wait3A] : memref<2560x128xi32, #tpu.memory_space<hbm>> -> memref<1x128xi32, #tpu.memory_space<hbm>>
      %dma_wait3A_61 = tpu.memref_squeeze %dma_wait3A_60 : memref<1x128xi32, #tpu.memory_space<hbm>> -> memref<128xi32, #tpu.memory_space<hbm>>
      %dma_wait3A_62 = arith.constant 0 : i32
      %dma_wait3A_63 = tpu.memref_slice %arg4[%select_n3A_8, %dma_wait3A_62] : memref<2560x128xi32, #tpu.memory_space<hbm>> -> memref<1x128xi32, #tpu.memory_space<hbm>>
      %dma_wait3A_64 = tpu.memref_squeeze %dma_wait3A_63 : memref<1x128xi32, #tpu.memory_space<hbm>> -> memref<128xi32, #tpu.memory_space<hbm>>
      tpu.wait_dma2 semaphore(%run_scoped3A : memref<!tpu.dma_semaphore, #tpu.memory_space<semaphore_mem>>) src(%dma_wait3A_64 : memref<128xi32, #tpu.memory_space<hbm>>) dst(%arg8 : memref<128xi32, #tpu.memory_space<vmem>>)
      tpu.yield
    }) : () -> ()
    %add3A_15 = arith.constant 1 : i32
    %add3A_16 = arith.addi %select_n3A_8, %add3A_15 : i32
    "tpu.region"() ({
      %run_scoped3A = tpu.sem_alloc : memref<!tpu.dma_semaphore, #tpu.memory_space<semaphore_mem>>
      %dma_start3A_54 = arith.constant 0 : i32
      %dma_start3A_55 = tpu.memref_slice %arg4[%add3A_16, %dma_start3A_54] : memref<2560x128xi32, #tpu.memory_space<hbm>> -> memref<1x128xi32, #tpu.memory_space<hbm>>
      %dma_start3A_56 = tpu.memref_squeeze %dma_start3A_55 : memref<1x128xi32, #tpu.memory_space<hbm>> -> memref<128xi32, #tpu.memory_space<hbm>>
      %dma_start3A_57 = arith.constant 0 : i32
      %dma_start3A_58 = tpu.memref_slice %arg4[%add3A_16, %dma_start3A_57] : memref<2560x128xi32, #tpu.memory_space<hbm>> -> memref<1x128xi32, #tpu.memory_space<hbm>>
      %dma_start3A_59 = tpu.memref_squeeze %dma_start3A_58 : memref<1x128xi32, #tpu.memory_space<hbm>> -> memref<128xi32, #tpu.memory_space<hbm>>
      tpu.enqueue_dma source(%dma_start3A_59 : memref<128xi32, #tpu.memory_space<hbm>>) target(%arg9 : memref<128xi32, #tpu.memory_space<vmem>>) target_semaphore(%run_scoped3A : memref<!tpu.dma_semaphore, #tpu.memory_space<semaphore_mem>>)
      %dma_wait3A = arith.constant 0 : i32
      %dma_wait3A_60 = tpu.memref_slice %arg4[%add3A_16, %dma_wait3A] : memref<2560x128xi32, #tpu.memory_space<hbm>> -> memref<1x128xi32, #tpu.memory_space<hbm>>
      %dma_wait3A_61 = tpu.memref_squeeze %dma_wait3A_60 : memref<1x128xi32, #tpu.memory_space<hbm>> -> memref<128xi32, #tpu.memory_space<hbm>>
      %dma_wait3A_62 = arith.constant 0 : i32
      %dma_wait3A_63 = tpu.memref_slice %arg4[%add3A_16, %dma_wait3A_62] : memref<2560x128xi32, #tpu.memory_space<hbm>> -> memref<1x128xi32, #tpu.memory_space<hbm>>
      %dma_wait3A_64 = tpu.memref_squeeze %dma_wait3A_63 : memref<1x128xi32, #tpu.memory_space<hbm>> -> memref<128xi32, #tpu.memory_space<hbm>>
      tpu.wait_dma2 semaphore(%run_scoped3A : memref<!tpu.dma_semaphore, #tpu.memory_space<semaphore_mem>>) src(%dma_wait3A_64 : memref<128xi32, #tpu.memory_space<hbm>>) dst(%arg9 : memref<128xi32, #tpu.memory_space<vmem>>)
      tpu.yield
    }) : () -> ()
    %dma_start3A = arith.constant 0 : i32
    %dma_start3A_17 = arith.constant 0 : i32
    %dma_start3A_18 = tpu.memref_slice %arg2[%dma_start3A, %dma_start3A_17] : memref<10240x128xf32, #tpu.memory_space<hbm>> -> memref<10240x128xf32, #tpu.memory_space<hbm>>
    tpu.enqueue_indirect_dma source(%dma_start3A_18 : memref<10240x128xf32, #tpu.memory_space<hbm>>) target(%arg10 : memref<128x128xf32, #tpu.memory_space<vmem>>) offsets(%arg6 : memref<128xi32, #tpu.memory_space<vmem>>) semaphore(%arg13 : memref<!tpu.dma_semaphore, #tpu.memory_space<semaphore_mem>>)
    %dma_start3A_19 = arith.constant 0 : i32
    %dma_start3A_20 = arith.constant 0 : i32
    %dma_start3A_21 = tpu.memref_slice %arg2[%dma_start3A_19, %dma_start3A_20] : memref<10240x128xf32, #tpu.memory_space<hbm>> -> memref<10240x128xf32, #tpu.memory_space<hbm>>
    tpu.enqueue_indirect_dma source(%dma_start3A_21 : memref<10240x128xf32, #tpu.memory_space<hbm>>) target(%arg11 : memref<128x128xf32, #tpu.memory_space<vmem>>) offsets(%arg7 : memref<128xi32, #tpu.memory_space<vmem>>) semaphore(%arg14 : memref<!tpu.dma_semaphore, #tpu.memory_space<semaphore_mem>>)
    %jit3A_22 = arith.constant 2 : i32
    %div3A = arith.divsi %select_n3A, %jit3A_22 : i32
    %sign3A = arith.constant 0 : i32
    %sign3A_23 = arith.cmpi sgt, %select_n3A, %sign3A : i32
    %sign3A_24 = arith.extui %sign3A_23 : i1 to i32
    %sign3A_25 = arith.constant 0 : i32
    %sign3A_26 = arith.cmpi slt, %select_n3A, %sign3A_25 : i32
    %sign3A_27 = arith.extui %sign3A_26 : i1 to i32
    %sign3A_28 = arith.subi %sign3A_24, %sign3A_27 : i32
    %sign3A_29 = arith.constant 0 : i32
    %sign3A_30 = arith.cmpi sgt, %jit3A_22, %sign3A_29 : i32
    %sign3A_31 = arith.extui %sign3A_30 : i1 to i32
    %sign3A_32 = arith.constant 0 : i32
    %sign3A_33 = arith.cmpi slt, %jit3A_22, %sign3A_32 : i32
    %sign3A_34 = arith.extui %sign3A_33 : i1 to i32
    %sign3A_35 = arith.subi %sign3A_31, %sign3A_34 : i32
    %ne3A = arith.cmpi ne, %sign3A_28, %sign3A_35 : i32
    %rem3A = arith.remsi %select_n3A, %jit3A_22 : i32
    %ne3A_36 = arith.constant 0 : i32
    %ne3A_37 = arith.cmpi ne, %rem3A, %ne3A_36 : i32
    %and3A = arith.andi %ne3A, %ne3A_37 : i1
    %sub3A = arith.constant 1 : i32
    %sub3A_38 = arith.subi %div3A, %sub3A : i32
    %select_n3A_39 = arith.select %and3A, %sub3A_38, %div3A : i32
    %while3A = arith.constant 0 : i32
    %while3A_40 = arith.constant 0 : i32
    %while3A_41 = arith.subi %select_n3A_39, %while3A_40 : i32
    %while3A_42 = arith.addi %while3A_40, %while3A_41 : i32
    %while3A_43 = arith.constant 1 : i32
    %while3A_44 = arith.divsi %while3A_41, %while3A_43 : i32
    %while3A_45 = arith.muli %while3A_44, %while3A_43 : i32
    %while3A_46 = arith.addi %while3A_40, %while3A_45 : i32
    %while3A_47 = arith.constant 1 : i32
    scf.for %while3A_54 = %while3A_40 to %while3A_46 step %while3A_47  : i32 {
      %mul3A_55 = arith.constant 2 : i32
      %mul3A_56 = arith.muli %mul3A_55, %while3A_54 : i32
      %add3A_57 = arith.constant 0 : i32
      %add3A_58 = arith.addi %mul3A_56, %add3A_57 : i32
      %gt3A = arith.constant 0 : i32
      %gt3A_59 = arith.cmpi sgt, %while3A_54, %gt3A : i32
      %convert_element_type3A = arith.extui %gt3A_59 : i1 to i32
      %cond3A = arith.constant 0 : i32
      %cond3A_60 = arith.cmpi ne, %convert_element_type3A, %cond3A : i32
      scf.if %cond3A_60 {
        %dma_wait3A_98 = arith.constant 0 : i32
        %dma_wait3A_99 = tpu.memref_slice %arg4[%select_n3A_8, %dma_wait3A_98] : memref<2560x128xi32, #tpu.memory_space<hbm>> -> memref<1x128xi32, #tpu.memory_space<hbm>>
        %dma_wait3A_100 = tpu.memref_squeeze %dma_wait3A_99 : memref<1x128xi32, #tpu.memory_space<hbm>> -> memref<128xi32, #tpu.memory_space<hbm>>
        %dma_wait3A_101 = arith.constant 0 : i32
        %dma_wait3A_102 = tpu.memref_slice %arg4[%select_n3A_8, %dma_wait3A_101] : memref<2560x128xi32, #tpu.memory_space<hbm>> -> memref<1x128xi32, #tpu.memory_space<hbm>>
        %dma_wait3A_103 = tpu.memref_squeeze %dma_wait3A_102 : memref<1x128xi32, #tpu.memory_space<hbm>> -> memref<128xi32, #tpu.memory_space<hbm>>
        tpu.wait_dma2 semaphore(%arg17 : memref<!tpu.dma_semaphore, #tpu.memory_space<semaphore_mem>>) src(%dma_wait3A_103 : memref<128xi32, #tpu.memory_space<hbm>>) dst(%arg8 : memref<128xi32, #tpu.memory_space<vmem>>)
      } else {
      }
      %dma_wait3A = arith.constant 0 : i32
      %dma_wait3A_61 = arith.constant 0 : i32
      %dma_wait3A_62 = tpu.memref_slice %arg2[%dma_wait3A, %dma_wait3A_61] : memref<10240x128xf32, #tpu.memory_space<hbm>> -> memref<10240x128xf32, #tpu.memory_space<hbm>>
      tpu.wait_indirect_dma semaphore(%arg13 : memref<!tpu.dma_semaphore, #tpu.memory_space<semaphore_mem>>) src(%dma_wait3A_62 : memref<10240x128xf32, #tpu.memory_space<hbm>>) dst(%arg10 : memref<128x128xf32, #tpu.memory_space<vmem>>)
      %add3A_63 = arith.constant 2 : i32
      %add3A_64 = arith.addi %add3A_58, %add3A_63 : i32
      %lt3A = arith.cmpi slt, %add3A_64, %select_n3A : i32
      %convert_element_type3A_65 = arith.extui %lt3A : i1 to i32
      %cond3A_66 = arith.constant 0 : i32
      %cond3A_67 = arith.cmpi ne, %convert_element_type3A_65, %cond3A_66 : i32
      scf.if %cond3A_67 {
        %add3A_98 = arith.addi %select_n3A_8, %add3A_58 : i32
        %add3A_99 = arith.constant 2 : i32
        %add3A_100 = arith.addi %add3A_98, %add3A_99 : i32
        %dma_start3A_101 = arith.constant 0 : i32
        %dma_start3A_102 = tpu.memref_slice %arg3[%add3A_100, %dma_start3A_101] : memref<2560x128xi32, #tpu.memory_space<hbm>> -> memref<1x128xi32, #tpu.memory_space<hbm>>
        %dma_start3A_103 = tpu.memref_squeeze %dma_start3A_102 : memref<1x128xi32, #tpu.memory_space<hbm>> -> memref<128xi32, #tpu.memory_space<hbm>>
        %dma_start3A_104 = arith.constant 0 : i32
        %dma_start3A_105 = tpu.memref_slice %arg3[%add3A_100, %dma_start3A_104] : memref<2560x128xi32, #tpu.memory_space<hbm>> -> memref<1x128xi32, #tpu.memory_space<hbm>>
        %dma_start3A_106 = tpu.memref_squeeze %dma_start3A_105 : memref<1x128xi32, #tpu.memory_space<hbm>> -> memref<128xi32, #tpu.memory_space<hbm>>
        tpu.enqueue_dma source(%dma_start3A_106 : memref<128xi32, #tpu.memory_space<hbm>>) target(%arg6 : memref<128xi32, #tpu.memory_space<vmem>>) target_semaphore(%arg15 : memref<!tpu.dma_semaphore, #tpu.memory_space<semaphore_mem>>)
      } else {
      }
      "tpu.region"() ({
        %run_scoped3A = tpu.sem_alloc : memref<!tpu.dma_semaphore, #tpu.memory_space<semaphore_mem>>
        %dma_start3A_98 = arith.constant 0 : i32
        %dma_start3A_99 = arith.constant 0 : i32
        %dma_start3A_100 = tpu.memref_slice %arg12[%dma_start3A_98, %dma_start3A_99] : memref<10240x128xf32, #tpu.memory_space<vmem_shared>> -> memref<10240x128xf32, #tpu.memory_space<vmem_shared>>
        tpu.enqueue_indirect_dma source(%arg10 : memref<128x128xf32, #tpu.memory_space<vmem>>) target(%dma_start3A_100 : memref<10240x128xf32, #tpu.memory_space<vmem_shared>>) offsets(%arg8 : memref<128xi32, #tpu.memory_space<vmem>>) semaphore(%run_scoped3A : memref<!tpu.dma_semaphore, #tpu.memory_space<semaphore_mem>>) {add = true}
        %dma_wait3A_101 = arith.constant 0 : i32
        %dma_wait3A_102 = arith.constant 0 : i32
        %dma_wait3A_103 = tpu.memref_slice %arg12[%dma_wait3A_101, %dma_wait3A_102] : memref<10240x128xf32, #tpu.memory_space<vmem_shared>> -> memref<10240x128xf32, #tpu.memory_space<vmem_shared>>
        tpu.wait_indirect_dma semaphore(%run_scoped3A : memref<!tpu.dma_semaphore, #tpu.memory_space<semaphore_mem>>) src(%arg10 : memref<128x128xf32, #tpu.memory_space<vmem>>) dst(%dma_wait3A_103 : memref<10240x128xf32, #tpu.memory_space<vmem_shared>>)
        tpu.yield
      }) : () -> ()
      %add3A_68 = arith.constant 2 : i32
      %add3A_69 = arith.addi %add3A_58, %add3A_68 : i32
      %lt3A_70 = arith.cmpi slt, %add3A_69, %select_n3A : i32
      %convert_element_type3A_71 = arith.extui %lt3A_70 : i1 to i32
      %cond3A_72 = arith.constant 0 : i32
      %cond3A_73 = arith.cmpi ne, %convert_element_type3A_71, %cond3A_72 : i32
      scf.if %cond3A_73 {
        %add3A_98 = arith.addi %select_n3A_8, %add3A_58 : i32
        %add3A_99 = arith.constant 2 : i32
        %add3A_100 = arith.addi %add3A_98, %add3A_99 : i32
        %dma_start3A_101 = arith.constant 0 : i32
        %dma_start3A_102 = tpu.memref_slice %arg4[%add3A_100, %dma_start3A_101] : memref<2560x128xi32, #tpu.memory_space<hbm>> -> memref<1x128xi32, #tpu.memory_space<hbm>>
        %dma_start3A_103 = tpu.memref_squeeze %dma_start3A_102 : memref<1x128xi32, #tpu.memory_space<hbm>> -> memref<128xi32, #tpu.memory_space<hbm>>
        %dma_start3A_104 = arith.constant 0 : i32
        %dma_start3A_105 = tpu.memref_slice %arg4[%add3A_100, %dma_start3A_104] : memref<2560x128xi32, #tpu.memory_space<hbm>> -> memref<1x128xi32, #tpu.memory_space<hbm>>
        %dma_start3A_106 = tpu.memref_squeeze %dma_start3A_105 : memref<1x128xi32, #tpu.memory_space<hbm>> -> memref<128xi32, #tpu.memory_space<hbm>>
        tpu.enqueue_dma source(%dma_start3A_106 : memref<128xi32, #tpu.memory_space<hbm>>) target(%arg8 : memref<128xi32, #tpu.memory_space<vmem>>) target_semaphore(%arg17 : memref<!tpu.dma_semaphore, #tpu.memory_space<semaphore_mem>>)
        %dma_wait3A_107 = arith.constant 0 : i32
        %dma_wait3A_108 = tpu.memref_slice %arg3[%select_n3A_8, %dma_wait3A_107] : memref<2560x128xi32, #tpu.memory_space<hbm>> -> memref<1x128xi32, #tpu.memory_space<hbm>>
        %dma_wait3A_109 = tpu.memref_squeeze %dma_wait3A_108 : memref<1x128xi32, #tpu.memory_space<hbm>> -> memref<128xi32, #tpu.memory_space<hbm>>
        %dma_wait3A_110 = arith.constant 0 : i32
        %dma_wait3A_111 = tpu.memref_slice %arg3[%select_n3A_8, %dma_wait3A_110] : memref<2560x128xi32, #tpu.memory_space<hbm>> -> memref<1x128xi32, #tpu.memory_space<hbm>>
        %dma_wait3A_112 = tpu.memref_squeeze %dma_wait3A_111 : memref<1x128xi32, #tpu.memory_space<hbm>> -> memref<128xi32, #tpu.memory_space<hbm>>
        tpu.wait_dma2 semaphore(%arg15 : memref<!tpu.dma_semaphore, #tpu.memory_space<semaphore_mem>>) src(%dma_wait3A_112 : memref<128xi32, #tpu.memory_space<hbm>>) dst(%arg6 : memref<128xi32, #tpu.memory_space<vmem>>)
        %dma_start3A_113 = arith.constant 0 : i32
        %dma_start3A_114 = arith.constant 0 : i32
        %dma_start3A_115 = tpu.memref_slice %arg2[%dma_start3A_113, %dma_start3A_114] : memref<10240x128xf32, #tpu.memory_space<hbm>> -> memref<10240x128xf32, #tpu.memory_space<hbm>>
        tpu.enqueue_indirect_dma source(%dma_start3A_115 : memref<10240x128xf32, #tpu.memory_space<hbm>>) target(%arg10 : memref<128x128xf32, #tpu.memory_space<vmem>>) offsets(%arg6 : memref<128xi32, #tpu.memory_space<vmem>>) semaphore(%arg13 : memref<!tpu.dma_semaphore, #tpu.memory_space<semaphore_mem>>)
      } else {
      }
      %mul3A_74 = arith.constant 2 : i32
      %mul3A_75 = arith.muli %mul3A_74, %while3A_54 : i32
      %add3A_76 = arith.constant 1 : i32
      %add3A_77 = arith.addi %mul3A_75, %add3A_76 : i32
      %gt3A_78 = arith.constant 0 : i32
      %gt3A_79 = arith.cmpi sgt, %while3A_54, %gt3A_78 : i32
      %convert_element_type3A_80 = arith.extui %gt3A_79 : i1 to i32
      %cond3A_81 = arith.constant 0 : i32
      %cond3A_82 = arith.cmpi ne, %convert_element_type3A_80, %cond3A_81 : i32
      scf.if %cond3A_82 {
        %dma_wait3A_98 = arith.constant 0 : i32
        %dma_wait3A_99 = tpu.memref_slice %arg4[%select_n3A_8, %dma_wait3A_98] : memref<2560x128xi32, #tpu.memory_space<hbm>> -> memref<1x128xi32, #tpu.memory_space<hbm>>
        %dma_wait3A_100 = tpu.memref_squeeze %dma_wait3A_99 : memref<1x128xi32, #tpu.memory_space<hbm>> -> memref<128xi32, #tpu.memory_space<hbm>>
        %dma_wait3A_101 = arith.constant 0 : i32
        %dma_wait3A_102 = tpu.memref_slice %arg4[%select_n3A_8, %dma_wait3A_101] : memref<2560x128xi32, #tpu.memory_space<hbm>> -> memref<1x128xi32, #tpu.memory_space<hbm>>
        %dma_wait3A_103 = tpu.memref_squeeze %dma_wait3A_102 : memref<1x128xi32, #tpu.memory_space<hbm>> -> memref<128xi32, #tpu.memory_space<hbm>>
        tpu.wait_dma2 semaphore(%arg18 : memref<!tpu.dma_semaphore, #tpu.memory_space<semaphore_mem>>) src(%dma_wait3A_103 : memref<128xi32, #tpu.memory_space<hbm>>) dst(%arg9 : memref<128xi32, #tpu.memory_space<vmem>>)
      } else {
      }
      %dma_wait3A_83 = arith.constant 0 : i32
      %dma_wait3A_84 = arith.constant 0 : i32
      %dma_wait3A_85 = tpu.memref_slice %arg2[%dma_wait3A_83, %dma_wait3A_84] : memref<10240x128xf32, #tpu.memory_space<hbm>> -> memref<10240x128xf32, #tpu.memory_space<hbm>>
      tpu.wait_indirect_dma semaphore(%arg14 : memref<!tpu.dma_semaphore, #tpu.memory_space<semaphore_mem>>) src(%dma_wait3A_85 : memref<10240x128xf32, #tpu.memory_space<hbm>>) dst(%arg11 : memref<128x128xf32, #tpu.memory_space<vmem>>)
      %add3A_86 = arith.constant 2 : i32
      %add3A_87 = arith.addi %add3A_77, %add3A_86 : i32
      %lt3A_88 = arith.cmpi slt, %add3A_87, %select_n3A : i32
      %convert_element_type3A_89 = arith.extui %lt3A_88 : i1 to i32
      %cond3A_90 = arith.constant 0 : i32
      %cond3A_91 = arith.cmpi ne, %convert_element_type3A_89, %cond3A_90 : i32
      scf.if %cond3A_91 {
        %add3A_98 = arith.addi %select_n3A_8, %add3A_77 : i32
        %add3A_99 = arith.constant 2 : i32
        %add3A_100 = arith.addi %add3A_98, %add3A_99 : i32
        %dma_start3A_101 = arith.constant 0 : i32
        %dma_start3A_102 = tpu.memref_slice %arg3[%add3A_100, %dma_start3A_101] : memref<2560x128xi32, #tpu.memory_space<hbm>> -> memref<1x128xi32, #tpu.memory_space<hbm>>
        %dma_start3A_103 = tpu.memref_squeeze %dma_start3A_102 : memref<1x128xi32, #tpu.memory_space<hbm>> -> memref<128xi32, #tpu.memory_space<hbm>>
        %dma_start3A_104 = arith.constant 0 : i32
        %dma_start3A_105 = tpu.memref_slice %arg3[%add3A_100, %dma_start3A_104] : memref<2560x128xi32, #tpu.memory_space<hbm>> -> memref<1x128xi32, #tpu.memory_space<hbm>>
        %dma_start3A_106 = tpu.memref_squeeze %dma_start3A_105 : memref<1x128xi32, #tpu.memory_space<hbm>> -> memref<128xi32, #tpu.memory_space<hbm>>
        tpu.enqueue_dma source(%dma_start3A_106 : memref<128xi32, #tpu.memory_space<hbm>>) target(%arg7 : memref<128xi32, #tpu.memory_space<vmem>>) target_semaphore(%arg16 : memref<!tpu.dma_semaphore, #tpu.memory_space<semaphore_mem>>)
      } else {
      }
      "tpu.region"() ({
        %run_scoped3A = tpu.sem_alloc : memref<!tpu.dma_semaphore, #tpu.memory_space<semaphore_mem>>
        %dma_start3A_98 = arith.constant 0 : i32
        %dma_start3A_99 = arith.constant 0 : i32
        %dma_start3A_100 = tpu.memref_slice %arg12[%dma_start3A_98, %dma_start3A_99] : memref<10240x128xf32, #tpu.memory_space<vmem_shared>> -> memref<10240x128xf32, #tpu.memory_space<vmem_shared>>
        tpu.enqueue_indirect_dma source(%arg11 : memref<128x128xf32, #tpu.memory_space<vmem>>) target(%dma_start3A_100 : memref<10240x128xf32, #tpu.memory_space<vmem_shared>>) offsets(%arg9 : memref<128xi32, #tpu.memory_space<vmem>>) semaphore(%run_scoped3A : memref<!tpu.dma_semaphore, #tpu.memory_space<semaphore_mem>>) {add = true}
        %dma_wait3A_101 = arith.constant 0 : i32
        %dma_wait3A_102 = arith.constant 0 : i32
        %dma_wait3A_103 = tpu.memref_slice %arg12[%dma_wait3A_101, %dma_wait3A_102] : memref<10240x128xf32, #tpu.memory_space<vmem_shared>> -> memref<10240x128xf32, #tpu.memory_space<vmem_shared>>
        tpu.wait_indirect_dma semaphore(%run_scoped3A : memref<!tpu.dma_semaphore, #tpu.memory_space<semaphore_mem>>) src(%arg11 : memref<128x128xf32, #tpu.memory_space<vmem>>) dst(%dma_wait3A_103 : memref<10240x128xf32, #tpu.memory_space<vmem_shared>>)
        tpu.yield
      }) : () -> ()
      %add3A_92 = arith.constant 2 : i32
      %add3A_93 = arith.addi %add3A_77, %add3A_92 : i32
      %lt3A_94 = arith.cmpi slt, %add3A_93, %select_n3A : i32
      %convert_element_type3A_95 = arith.extui %lt3A_94 : i1 to i32
      %cond3A_96 = arith.constant 0 : i32
      %cond3A_97 = arith.cmpi ne, %convert_element_type3A_95, %cond3A_96 : i32
      scf.if %cond3A_97 {
        %add3A_98 = arith.addi %select_n3A_8, %add3A_77 : i32
        %add3A_99 = arith.constant 2 : i32
        %add3A_100 = arith.addi %add3A_98, %add3A_99 : i32
        %dma_start3A_101 = arith.constant 0 : i32
        %dma_start3A_102 = tpu.memref_slice %arg4[%add3A_100, %dma_start3A_101] : memref<2560x128xi32, #tpu.memory_space<hbm>> -> memref<1x128xi32, #tpu.memory_space<hbm>>
        %dma_start3A_103 = tpu.memref_squeeze %dma_start3A_102 : memref<1x128xi32, #tpu.memory_space<hbm>> -> memref<128xi32, #tpu.memory_space<hbm>>
        %dma_start3A_104 = arith.constant 0 : i32
        %dma_start3A_105 = tpu.memref_slice %arg4[%add3A_100, %dma_start3A_104] : memref<2560x128xi32, #tpu.memory_space<hbm>> -> memref<1x128xi32, #tpu.memory_space<hbm>>
        %dma_start3A_106 = tpu.memref_squeeze %dma_start3A_105 : memref<1x128xi32, #tpu.memory_space<hbm>> -> memref<128xi32, #tpu.memory_space<hbm>>
        tpu.enqueue_dma source(%dma_start3A_106 : memref<128xi32, #tpu.memory_space<hbm>>) target(%arg9 : memref<128xi32, #tpu.memory_space<vmem>>) target_semaphore(%arg18 : memref<!tpu.dma_semaphore, #tpu.memory_space<semaphore_mem>>)
        %dma_wait3A_107 = arith.constant 0 : i32
        %dma_wait3A_108 = tpu.memref_slice %arg3[%select_n3A_8, %dma_wait3A_107] : memref<2560x128xi32, #tpu.memory_space<hbm>> -> memref<1x128xi32, #tpu.memory_space<hbm>>
        %dma_wait3A_109 = tpu.memref_squeeze %dma_wait3A_108 : memref<1x128xi32, #tpu.memory_space<hbm>> -> memref<128xi32, #tpu.memory_space<hbm>>
        %dma_wait3A_110 = arith.constant 0 : i32
        %dma_wait3A_111 = tpu.memref_slice %arg3[%select_n3A_8, %dma_wait3A_110] : memref<2560x128xi32, #tpu.memory_space<hbm>> -> memref<1x128xi32, #tpu.memory_space<hbm>>
        %dma_wait3A_112 = tpu.memref_squeeze %dma_wait3A_111 : memref<1x128xi32, #tpu.memory_space<hbm>> -> memref<128xi32, #tpu.memory_space<hbm>>
        tpu.wait_dma2 semaphore(%arg16 : memref<!tpu.dma_semaphore, #tpu.memory_space<semaphore_mem>>) src(%dma_wait3A_112 : memref<128xi32, #tpu.memory_space<hbm>>) dst(%arg7 : memref<128xi32, #tpu.memory_space<vmem>>)
        %dma_start3A_113 = arith.constant 0 : i32
        %dma_start3A_114 = arith.constant 0 : i32
        %dma_start3A_115 = tpu.memref_slice %arg2[%dma_start3A_113, %dma_start3A_114] : memref<10240x128xf32, #tpu.memory_space<hbm>> -> memref<10240x128xf32, #tpu.memory_space<hbm>>
        tpu.enqueue_indirect_dma source(%dma_start3A_115 : memref<10240x128xf32, #tpu.memory_space<hbm>>) target(%arg11 : memref<128x128xf32, #tpu.memory_space<vmem>>) offsets(%arg7 : memref<128xi32, #tpu.memory_space<vmem>>) semaphore(%arg14 : memref<!tpu.dma_semaphore, #tpu.memory_space<semaphore_mem>>)
      } else {
      }
    }
    %while3A_48 = arith.constant 1 : i32
    scf.for %while3A_54 = %while3A_46 to %while3A_42 step %while3A_48  : i32 {
      %mul3A_55 = arith.constant 2 : i32
      %mul3A_56 = arith.muli %mul3A_55, %while3A_54 : i32
      %add3A_57 = arith.constant 0 : i32
      %add3A_58 = arith.addi %mul3A_56, %add3A_57 : i32
      %gt3A = arith.constant 0 : i32
      %gt3A_59 = arith.cmpi sgt, %while3A_54, %gt3A : i32
      %convert_element_type3A = arith.extui %gt3A_59 : i1 to i32
      %cond3A = arith.constant 0 : i32
      %cond3A_60 = arith.cmpi ne, %convert_element_type3A, %cond3A : i32
      scf.if %cond3A_60 {
        %dma_wait3A_98 = arith.constant 0 : i32
        %dma_wait3A_99 = tpu.memref_slice %arg4[%select_n3A_8, %dma_wait3A_98] : memref<2560x128xi32, #tpu.memory_space<hbm>> -> memref<1x128xi32, #tpu.memory_space<hbm>>
        %dma_wait3A_100 = tpu.memref_squeeze %dma_wait3A_99 : memref<1x128xi32, #tpu.memory_space<hbm>> -> memref<128xi32, #tpu.memory_space<hbm>>
        %dma_wait3A_101 = arith.constant 0 : i32
        %dma_wait3A_102 = tpu.memref_slice %arg4[%select_n3A_8, %dma_wait3A_101] : memref<2560x128xi32, #tpu.memory_space<hbm>> -> memref<1x128xi32, #tpu.memory_space<hbm>>
        %dma_wait3A_103 = tpu.memref_squeeze %dma_wait3A_102 : memref<1x128xi32, #tpu.memory_space<hbm>> -> memref<128xi32, #tpu.memory_space<hbm>>
        tpu.wait_dma2 semaphore(%arg17 : memref<!tpu.dma_semaphore, #tpu.memory_space<semaphore_mem>>) src(%dma_wait3A_103 : memref<128xi32, #tpu.memory_space<hbm>>) dst(%arg8 : memref<128xi32, #tpu.memory_space<vmem>>)
      } else {
      }
      %dma_wait3A = arith.constant 0 : i32
      %dma_wait3A_61 = arith.constant 0 : i32
      %dma_wait3A_62 = tpu.memref_slice %arg2[%dma_wait3A, %dma_wait3A_61] : memref<10240x128xf32, #tpu.memory_space<hbm>> -> memref<10240x128xf32, #tpu.memory_space<hbm>>
      tpu.wait_indirect_dma semaphore(%arg13 : memref<!tpu.dma_semaphore, #tpu.memory_space<semaphore_mem>>) src(%dma_wait3A_62 : memref<10240x128xf32, #tpu.memory_space<hbm>>) dst(%arg10 : memref<128x128xf32, #tpu.memory_space<vmem>>)
      %add3A_63 = arith.constant 2 : i32
      %add3A_64 = arith.addi %add3A_58, %add3A_63 : i32
      %lt3A = arith.cmpi slt, %add3A_64, %select_n3A : i32
      %convert_element_type3A_65 = arith.extui %lt3A : i1 to i32
      %cond3A_66 = arith.constant 0 : i32
      %cond3A_67 = arith.cmpi ne, %convert_element_type3A_65, %cond3A_66 : i32
      scf.if %cond3A_67 {
        %add3A_98 = arith.addi %select_n3A_8, %add3A_58 : i32
        %add3A_99 = arith.constant 2 : i32
        %add3A_100 = arith.addi %add3A_98, %add3A_99 : i32
        %dma_start3A_101 = arith.constant 0 : i32
        %dma_start3A_102 = tpu.memref_slice %arg3[%add3A_100, %dma_start3A_101] : memref<2560x128xi32, #tpu.memory_space<hbm>> -> memref<1x128xi32, #tpu.memory_space<hbm>>
        %dma_start3A_103 = tpu.memref_squeeze %dma_start3A_102 : memref<1x128xi32, #tpu.memory_space<hbm>> -> memref<128xi32, #tpu.memory_space<hbm>>
        %dma_start3A_104 = arith.constant 0 : i32
        %dma_start3A_105 = tpu.memref_slice %arg3[%add3A_100, %dma_start3A_104] : memref<2560x128xi32, #tpu.memory_space<hbm>> -> memref<1x128xi32, #tpu.memory_space<hbm>>
        %dma_start3A_106 = tpu.memref_squeeze %dma_start3A_105 : memref<1x128xi32, #tpu.memory_space<hbm>> -> memref<128xi32, #tpu.memory_space<hbm>>
        tpu.enqueue_dma source(%dma_start3A_106 : memref<128xi32, #tpu.memory_space<hbm>>) target(%arg6 : memref<128xi32, #tpu.memory_space<vmem>>) target_semaphore(%arg15 : memref<!tpu.dma_semaphore, #tpu.memory_space<semaphore_mem>>)
      } else {
      }
      "tpu.region"() ({
        %run_scoped3A = tpu.sem_alloc : memref<!tpu.dma_semaphore, #tpu.memory_space<semaphore_mem>>
        %dma_start3A_98 = arith.constant 0 : i32
        %dma_start3A_99 = arith.constant 0 : i32
        %dma_start3A_100 = tpu.memref_slice %arg12[%dma_start3A_98, %dma_start3A_99] : memref<10240x128xf32, #tpu.memory_space<vmem_shared>> -> memref<10240x128xf32, #tpu.memory_space<vmem_shared>>
        tpu.enqueue_indirect_dma source(%arg10 : memref<128x128xf32, #tpu.memory_space<vmem>>) target(%dma_start3A_100 : memref<10240x128xf32, #tpu.memory_space<vmem_shared>>) offsets(%arg8 : memref<128xi32, #tpu.memory_space<vmem>>) semaphore(%run_scoped3A : memref<!tpu.dma_semaphore, #tpu.memory_space<semaphore_mem>>) {add = true}
        %dma_wait3A_101 = arith.constant 0 : i32
        %dma_wait3A_102 = arith.constant 0 : i32
        %dma_wait3A_103 = tpu.memref_slice %arg12[%dma_wait3A_101, %dma_wait3A_102] : memref<10240x128xf32, #tpu.memory_space<vmem_shared>> -> memref<10240x128xf32, #tpu.memory_space<vmem_shared>>
        tpu.wait_indirect_dma semaphore(%run_scoped3A : memref<!tpu.dma_semaphore, #tpu.memory_space<semaphore_mem>>) src(%arg10 : memref<128x128xf32, #tpu.memory_space<vmem>>) dst(%dma_wait3A_103 : memref<10240x128xf32, #tpu.memory_space<vmem_shared>>)
        tpu.yield
      }) : () -> ()
      %add3A_68 = arith.constant 2 : i32
      %add3A_69 = arith.addi %add3A_58, %add3A_68 : i32
      %lt3A_70 = arith.cmpi slt, %add3A_69, %select_n3A : i32
      %convert_element_type3A_71 = arith.extui %lt3A_70 : i1 to i32
      %cond3A_72 = arith.constant 0 : i32
      %cond3A_73 = arith.cmpi ne, %convert_element_type3A_71, %cond3A_72 : i32
      scf.if %cond3A_73 {
        %add3A_98 = arith.addi %select_n3A_8, %add3A_58 : i32
        %add3A_99 = arith.constant 2 : i32
        %add3A_100 = arith.addi %add3A_98, %add3A_99 : i32
        %dma_start3A_101 = arith.constant 0 : i32
        %dma_start3A_102 = tpu.memref_slice %arg4[%add3A_100, %dma_start3A_101] : memref<2560x128xi32, #tpu.memory_space<hbm>> -> memref<1x128xi32, #tpu.memory_space<hbm>>
        %dma_start3A_103 = tpu.memref_squeeze %dma_start3A_102 : memref<1x128xi32, #tpu.memory_space<hbm>> -> memref<128xi32, #tpu.memory_space<hbm>>
        %dma_start3A_104 = arith.constant 0 : i32
        %dma_start3A_105 = tpu.memref_slice %arg4[%add3A_100, %dma_start3A_104] : memref<2560x128xi32, #tpu.memory_space<hbm>> -> memref<1x128xi32, #tpu.memory_space<hbm>>
        %dma_start3A_106 = tpu.memref_squeeze %dma_start3A_105 : memref<1x128xi32, #tpu.memory_space<hbm>> -> memref<128xi32, #tpu.memory_space<hbm>>
        tpu.enqueue_dma source(%dma_start3A_106 : memref<128xi32, #tpu.memory_space<hbm>>) target(%arg8 : memref<128xi32, #tpu.memory_space<vmem>>) target_semaphore(%arg17 : memref<!tpu.dma_semaphore, #tpu.memory_space<semaphore_mem>>)
        %dma_wait3A_107 = arith.constant 0 : i32
        %dma_wait3A_108 = tpu.memref_slice %arg3[%select_n3A_8, %dma_wait3A_107] : memref<2560x128xi32, #tpu.memory_space<hbm>> -> memref<1x128xi32, #tpu.memory_space<hbm>>
        %dma_wait3A_109 = tpu.memref_squeeze %dma_wait3A_108 : memref<1x128xi32, #tpu.memory_space<hbm>> -> memref<128xi32, #tpu.memory_space<hbm>>
        %dma_wait3A_110 = arith.constant 0 : i32
        %dma_wait3A_111 = tpu.memref_slice %arg3[%select_n3A_8, %dma_wait3A_110] : memref<2560x128xi32, #tpu.memory_space<hbm>> -> memref<1x128xi32, #tpu.memory_space<hbm>>
        %dma_wait3A_112 = tpu.memref_squeeze %dma_wait3A_111 : memref<1x128xi32, #tpu.memory_space<hbm>> -> memref<128xi32, #tpu.memory_space<hbm>>
        tpu.wait_dma2 semaphore(%arg15 : memref<!tpu.dma_semaphore, #tpu.memory_space<semaphore_mem>>) src(%dma_wait3A_112 : memref<128xi32, #tpu.memory_space<hbm>>) dst(%arg6 : memref<128xi32, #tpu.memory_space<vmem>>)
        %dma_start3A_113 = arith.constant 0 : i32
        %dma_start3A_114 = arith.constant 0 : i32
        %dma_start3A_115 = tpu.memref_slice %arg2[%dma_start3A_113, %dma_start3A_114] : memref<10240x128xf32, #tpu.memory_space<hbm>> -> memref<10240x128xf32, #tpu.memory_space<hbm>>
        tpu.enqueue_indirect_dma source(%dma_start3A_115 : memref<10240x128xf32, #tpu.memory_space<hbm>>) target(%arg10 : memref<128x128xf32, #tpu.memory_space<vmem>>) offsets(%arg6 : memref<128xi32, #tpu.memory_space<vmem>>) semaphore(%arg13 : memref<!tpu.dma_semaphore, #tpu.memory_space<semaphore_mem>>)
      } else {
      }
      %mul3A_74 = arith.constant 2 : i32
      %mul3A_75 = arith.muli %mul3A_74, %while3A_54 : i32
      %add3A_76 = arith.constant 1 : i32
      %add3A_77 = arith.addi %mul3A_75, %add3A_76 : i32
      %gt3A_78 = arith.constant 0 : i32
      %gt3A_79 = arith.cmpi sgt, %while3A_54, %gt3A_78 : i32
      %convert_element_type3A_80 = arith.extui %gt3A_79 : i1 to i32
      %cond3A_81 = arith.constant 0 : i32
      %cond3A_82 = arith.cmpi ne, %convert_element_type3A_80, %cond3A_81 : i32
      scf.if %cond3A_82 {
        %dma_wait3A_98 = arith.constant 0 : i32
        %dma_wait3A_99 = tpu.memref_slice %arg4[%select_n3A_8, %dma_wait3A_98] : memref<2560x128xi32, #tpu.memory_space<hbm>> -> memref<1x128xi32, #tpu.memory_space<hbm>>
        %dma_wait3A_100 = tpu.memref_squeeze %dma_wait3A_99 : memref<1x128xi32, #tpu.memory_space<hbm>> -> memref<128xi32, #tpu.memory_space<hbm>>
        %dma_wait3A_101 = arith.constant 0 : i32
        %dma_wait3A_102 = tpu.memref_slice %arg4[%select_n3A_8, %dma_wait3A_101] : memref<2560x128xi32, #tpu.memory_space<hbm>> -> memref<1x128xi32, #tpu.memory_space<hbm>>
        %dma_wait3A_103 = tpu.memref_squeeze %dma_wait3A_102 : memref<1x128xi32, #tpu.memory_space<hbm>> -> memref<128xi32, #tpu.memory_space<hbm>>
        tpu.wait_dma2 semaphore(%arg18 : memref<!tpu.dma_semaphore, #tpu.memory_space<semaphore_mem>>) src(%dma_wait3A_103 : memref<128xi32, #tpu.memory_space<hbm>>) dst(%arg9 : memref<128xi32, #tpu.memory_space<vmem>>)
      } else {
      }
      %dma_wait3A_83 = arith.constant 0 : i32
      %dma_wait3A_84 = arith.constant 0 : i32
      %dma_wait3A_85 = tpu.memref_slice %arg2[%dma_wait3A_83, %dma_wait3A_84] : memref<10240x128xf32, #tpu.memory_space<hbm>> -> memref<10240x128xf32, #tpu.memory_space<hbm>>
      tpu.wait_indirect_dma semaphore(%arg14 : memref<!tpu.dma_semaphore, #tpu.memory_space<semaphore_mem>>) src(%dma_wait3A_85 : memref<10240x128xf32, #tpu.memory_space<hbm>>) dst(%arg11 : memref<128x128xf32, #tpu.memory_space<vmem>>)
      %add3A_86 = arith.constant 2 : i32
      %add3A_87 = arith.addi %add3A_77, %add3A_86 : i32
      %lt3A_88 = arith.cmpi slt, %add3A_87, %select_n3A : i32
      %convert_element_type3A_89 = arith.extui %lt3A_88 : i1 to i32
      %cond3A_90 = arith.constant 0 : i32
      %cond3A_91 = arith.cmpi ne, %convert_element_type3A_89, %cond3A_90 : i32
      scf.if %cond3A_91 {
        %add3A_98 = arith.addi %select_n3A_8, %add3A_77 : i32
        %add3A_99 = arith.constant 2 : i32
        %add3A_100 = arith.addi %add3A_98, %add3A_99 : i32
        %dma_start3A_101 = arith.constant 0 : i32
        %dma_start3A_102 = tpu.memref_slice %arg3[%add3A_100, %dma_start3A_101] : memref<2560x128xi32, #tpu.memory_space<hbm>> -> memref<1x128xi32, #tpu.memory_space<hbm>>
        %dma_start3A_103 = tpu.memref_squeeze %dma_start3A_102 : memref<1x128xi32, #tpu.memory_space<hbm>> -> memref<128xi32, #tpu.memory_space<hbm>>
        %dma_start3A_104 = arith.constant 0 : i32
        %dma_start3A_105 = tpu.memref_slice %arg3[%add3A_100, %dma_start3A_104] : memref<2560x128xi32, #tpu.memory_space<hbm>> -> memref<1x128xi32, #tpu.memory_space<hbm>>
        %dma_start3A_106 = tpu.memref_squeeze %dma_start3A_105 : memref<1x128xi32, #tpu.memory_space<hbm>> -> memref<128xi32, #tpu.memory_space<hbm>>
        tpu.enqueue_dma source(%dma_start3A_106 : memref<128xi32, #tpu.memory_space<hbm>>) target(%arg7 : memref<128xi32, #tpu.memory_space<vmem>>) target_semaphore(%arg16 : memref<!tpu.dma_semaphore, #tpu.memory_space<semaphore_mem>>)
      } else {
      }
      "tpu.region"() ({
        %run_scoped3A = tpu.sem_alloc : memref<!tpu.dma_semaphore, #tpu.memory_space<semaphore_mem>>
        %dma_start3A_98 = arith.constant 0 : i32
        %dma_start3A_99 = arith.constant 0 : i32
        %dma_start3A_100 = tpu.memref_slice %arg12[%dma_start3A_98, %dma_start3A_99] : memref<10240x128xf32, #tpu.memory_space<vmem_shared>> -> memref<10240x128xf32, #tpu.memory_space<vmem_shared>>
        tpu.enqueue_indirect_dma source(%arg11 : memref<128x128xf32, #tpu.memory_space<vmem>>) target(%dma_start3A_100 : memref<10240x128xf32, #tpu.memory_space<vmem_shared>>) offsets(%arg9 : memref<128xi32, #tpu.memory_space<vmem>>) semaphore(%run_scoped3A : memref<!tpu.dma_semaphore, #tpu.memory_space<semaphore_mem>>) {add = true}
        %dma_wait3A_101 = arith.constant 0 : i32
        %dma_wait3A_102 = arith.constant 0 : i32
        %dma_wait3A_103 = tpu.memref_slice %arg12[%dma_wait3A_101, %dma_wait3A_102] : memref<10240x128xf32, #tpu.memory_space<vmem_shared>> -> memref<10240x128xf32, #tpu.memory_space<vmem_shared>>
        tpu.wait_indirect_dma semaphore(%run_scoped3A : memref<!tpu.dma_semaphore, #tpu.memory_space<semaphore_mem>>) src(%arg11 : memref<128x128xf32, #tpu.memory_space<vmem>>) dst(%dma_wait3A_103 : memref<10240x128xf32, #tpu.memory_space<vmem_shared>>)
        tpu.yield
      }) : () -> ()
      %add3A_92 = arith.constant 2 : i32
      %add3A_93 = arith.addi %add3A_77, %add3A_92 : i32
      %lt3A_94 = arith.cmpi slt, %add3A_93, %select_n3A : i32
      %convert_element_type3A_95 = arith.extui %lt3A_94 : i1 to i32
      %cond3A_96 = arith.constant 0 : i32
      %cond3A_97 = arith.cmpi ne, %convert_element_type3A_95, %cond3A_96 : i32
      scf.if %cond3A_97 {
        %add3A_98 = arith.addi %select_n3A_8, %add3A_77 : i32
        %add3A_99 = arith.constant 2 : i32
        %add3A_100 = arith.addi %add3A_98, %add3A_99 : i32
        %dma_start3A_101 = arith.constant 0 : i32
        %dma_start3A_102 = tpu.memref_slice %arg4[%add3A_100, %dma_start3A_101] : memref<2560x128xi32, #tpu.memory_space<hbm>> -> memref<1x128xi32, #tpu.memory_space<hbm>>
        %dma_start3A_103 = tpu.memref_squeeze %dma_start3A_102 : memref<1x128xi32, #tpu.memory_space<hbm>> -> memref<128xi32, #tpu.memory_space<hbm>>
        %dma_start3A_104 = arith.constant 0 : i32
        %dma_start3A_105 = tpu.memref_slice %arg4[%add3A_100, %dma_start3A_104] : memref<2560x128xi32, #tpu.memory_space<hbm>> -> memref<1x128xi32, #tpu.memory_space<hbm>>
        %dma_start3A_106 = tpu.memref_squeeze %dma_start3A_105 : memref<1x128xi32, #tpu.memory_space<hbm>> -> memref<128xi32, #tpu.memory_space<hbm>>
        tpu.enqueue_dma source(%dma_start3A_106 : memref<128xi32, #tpu.memory_space<hbm>>) target(%arg9 : memref<128xi32, #tpu.memory_space<vmem>>) target_semaphore(%arg18 : memref<!tpu.dma_semaphore, #tpu.memory_space<semaphore_mem>>)
        %dma_wait3A_107 = arith.constant 0 : i32
        %dma_wait3A_108 = tpu.memref_slice %arg3[%select_n3A_8, %dma_wait3A_107] : memref<2560x128xi32, #tpu.memory_space<hbm>> -> memref<1x128xi32, #tpu.memory_space<hbm>>
        %dma_wait3A_109 = tpu.memref_squeeze %dma_wait3A_108 : memref<1x128xi32, #tpu.memory_space<hbm>> -> memref<128xi32, #tpu.memory_space<hbm>>
        %dma_wait3A_110 = arith.constant 0 : i32
        %dma_wait3A_111 = tpu.memref_slice %arg3[%select_n3A_8, %dma_wait3A_110] : memref<2560x128xi32, #tpu.memory_space<hbm>> -> memref<1x128xi32, #tpu.memory_space<hbm>>
        %dma_wait3A_112 = tpu.memref_squeeze %dma_wait3A_111 : memref<1x128xi32, #tpu.memory_space<hbm>> -> memref<128xi32, #tpu.memory_space<hbm>>
        tpu.wait_dma2 semaphore(%arg16 : memref<!tpu.dma_semaphore, #tpu.memory_space<semaphore_mem>>) src(%dma_wait3A_112 : memref<128xi32, #tpu.memory_space<hbm>>) dst(%arg7 : memref<128xi32, #tpu.memory_space<vmem>>)
        %dma_start3A_113 = arith.constant 0 : i32
        %dma_start3A_114 = arith.constant 0 : i32
        %dma_start3A_115 = tpu.memref_slice %arg2[%dma_start3A_113, %dma_start3A_114] : memref<10240x128xf32, #tpu.memory_space<hbm>> -> memref<10240x128xf32, #tpu.memory_space<hbm>>
        tpu.enqueue_indirect_dma source(%dma_start3A_115 : memref<10240x128xf32, #tpu.memory_space<hbm>>) target(%arg11 : memref<128x128xf32, #tpu.memory_space<vmem>>) offsets(%arg7 : memref<128xi32, #tpu.memory_space<vmem>>) semaphore(%arg14 : memref<!tpu.dma_semaphore, #tpu.memory_space<semaphore_mem>>)
      } else {
      }
    }
    %barrier3A_49 = arith.constant 0 : index
    tpu.barrier barrier_id(%barrier3A_49)
    %mul3A_50 = arith.constant 640 : i32
    %mul3A_51 = arith.muli %arg1, %mul3A_50 : i32
    %mul3A_52 = arith.constant 640 : i32
    %mul3A_53 = arith.muli %arg1, %mul3A_52 : i32
    "tpu.region"() ({
      %run_scoped3A = tpu.sem_alloc : memref<!tpu.dma_semaphore, #tpu.memory_space<semaphore_mem>>
      %dma_start3A_54 = arith.constant 0 : i32
      %dma_start3A_55 = tpu.memref_slice %arg5[%arg0, %mul3A_53, %dma_start3A_54] : memref<2x10240x128xf32, #tpu.memory_space<hbm>> -> memref<1x640x128xf32, #tpu.memory_space<hbm>>
      %dma_start3A_56 = tpu.memref_squeeze %dma_start3A_55 : memref<1x640x128xf32, #tpu.memory_space<hbm>> -> memref<640x128xf32, #tpu.memory_space<hbm>>
      %dma_start3A_57 = arith.constant 0 : i32
      %dma_start3A_58 = tpu.memref_slice %arg12[%mul3A_51, %dma_start3A_57] : memref<10240x128xf32, #tpu.memory_space<vmem_shared>> -> memref<640x128xf32, #tpu.memory_space<vmem_shared>>
      tpu.enqueue_dma source(%dma_start3A_58 : memref<640x128xf32, #tpu.memory_space<vmem_shared>>) target(%dma_start3A_56 : memref<640x128xf32, #tpu.memory_space<hbm>>) target_semaphore(%run_scoped3A : memref<!tpu.dma_semaphore, #tpu.memory_space<semaphore_mem>>)
      %dma_wait3A = arith.constant 0 : i32
      %dma_wait3A_59 = tpu.memref_slice %arg5[%arg0, %mul3A_53, %dma_wait3A] : memref<2x10240x128xf32, #tpu.memory_space<hbm>> -> memref<1x640x128xf32, #tpu.memory_space<hbm>>
      %dma_wait3A_60 = tpu.memref_squeeze %dma_wait3A_59 : memref<1x640x128xf32, #tpu.memory_space<hbm>> -> memref<640x128xf32, #tpu.memory_space<hbm>>
      %dma_wait3A_61 = arith.constant 0 : i32
      %dma_wait3A_62 = tpu.memref_slice %arg12[%mul3A_51, %dma_wait3A_61] : memref<10240x128xf32, #tpu.memory_space<vmem_shared>> -> memref<640x128xf32, #tpu.memory_space<vmem_shared>>
      tpu.wait_dma2 semaphore(%run_scoped3A : memref<!tpu.dma_semaphore, #tpu.memory_space<semaphore_mem>>) src(%dma_wait3A_62 : memref<640x128xf32, #tpu.memory_space<vmem_shared>>) dst(%dma_wait3A_60 : memref<640x128xf32, #tpu.memory_space<hbm>>)
      tpu.yield
    }) : () -> ()
    return
  }
}

#map = affine_map<(d0, d1) -> (0, 0)>
#map1 = affine_map<(d0, d1) -> (0, 0, 0)>
module attributes {stable_mosaic.version = 14 : i64} {
  func.func @agg(%arg0: i32, %arg1: i32, %arg2: memref<10240x128xf32, #tpu.memory_space<hbm>>, %arg3: memref<2560x128xi32, #tpu.memory_space<hbm>>, %arg4: memref<2560x128xi32, #tpu.memory_space<hbm>>, %arg5: memref<2x10240x128xf32, #tpu.memory_space<hbm>>, %arg6: memref<128xi32, #tpu.memory_space<vmem>>, %arg7: memref<128xi32, #tpu.memory_space<vmem>>, %arg8: memref<128xi32, #tpu.memory_space<vmem>>, %arg9: memref<128xi32, #tpu.memory_space<vmem>>, %arg10: memref<128x128xf32, #tpu.memory_space<vmem>>, %arg11: memref<128x128xf32, #tpu.memory_space<vmem>>, %arg12: memref<10240x128xf32, #tpu.memory_space<vmem_shared>>, %arg13: memref<!tpu.dma_semaphore, #tpu.memory_space<semaphore_mem>>, %arg14: memref<!tpu.dma_semaphore, #tpu.memory_space<semaphore_mem>>, %arg15: memref<!tpu.dma_semaphore, #tpu.memory_space<semaphore_mem>>, %arg16: memref<!tpu.dma_semaphore, #tpu.memory_space<semaphore_mem>>, %arg17: memref<!tpu.dma_semaphore, #tpu.memory_space<semaphore_mem>>, %arg18: memref<!tpu.dma_semaphore, #tpu.memory_space<semaphore_mem>>) attributes {dimension_semantics = [#tpu.dimension_semantics<core_parallel>, #tpu.dimension_semantics<subcore_parallel>], iteration_bounds = array<i64: 2, 16>, scalar_prefetch = 0 : i64, scratch_operands = 13 : i64, tpu.core_type = #tpu.core_type<sc_vector_subcore>, window_params = [{transform_indices = #map}, {transform_indices = #map}, {transform_indices = #map}, {transform_indices = #map1}]} {
    %eq3A = arith.constant 0 : i32
    %eq3A_0 = arith.cmpi eq, %arg0, %eq3A : i32
    %jit3A = arith.constant 128 : i32
    %jit3A_1 = arith.constant 32 : i32
    %select_n3A = arith.select %eq3A_0, %jit3A, %jit3A_1 : i32
    %eq3A_2 = arith.constant 0 : i32
    %eq3A_3 = arith.cmpi eq, %arg0, %eq3A_2 : i32
    %mul3A = arith.constant 128 : i32
    %mul3A_4 = arith.muli %arg1, %mul3A : i32
    %mul3A_5 = arith.constant 32 : i32
    %mul3A_6 = arith.muli %arg1, %mul3A_5 : i32
    %add3A = arith.constant 2048 : i32
    %add3A_7 = arith.addi %add3A, %mul3A_6 : i32
    %select_n3A_8 = arith.select %eq3A_3, %mul3A_4, %add3A_7 : i32
    %mul3A_9 = arith.constant 640 : i32
    %mul3A_10 = arith.muli %arg1, %mul3A_9 : i32
    %mul3A_11 = arith.constant 640 : i32
    %mul3A_12 = arith.muli %arg1, %mul3A_11 : i32
    "tpu.region"() ({
      %run_scoped3A = tpu.sem_alloc : memref<!tpu.dma_semaphore, #tpu.memory_space<semaphore_mem>>
      %dma_start3A_54 = arith.constant 0 : i32
      %dma_start3A_55 = tpu.memref_slice %arg12[%mul3A_12, %dma_start3A_54] : memref<10240x128xf32, #tpu.memory_space<vmem_shared>> -> memref<640x128xf32, #tpu.memory_space<vmem_shared>>
      %dma_start3A_56 = arith.constant 0 : i32
      %dma_start3A_57 = tpu.memref_slice %arg2[%mul3A_10, %dma_start3A_56] : memref<10240x128xf32, #tpu.memory_space<hbm>> -> memref<640x128xf32, #tpu.memory_space<hbm>>
      tpu.enqueue_dma source(%dma_start3A_57 : memref<640x128xf32, #tpu.memory_space<hbm>>) target(%dma_start3A_55 : memref<640x128xf32, #tpu.memory_space<vmem_shared>>) target_semaphore(%run_scoped3A : memref<!tpu.dma_semaphore, #tpu.memory_space<semaphore_mem>>)
      %dma_wait3A = arith.constant 0 : i32
      %dma_wait3A_58 = tpu.memref_slice %arg12[%mul3A_12, %dma_wait3A] : memref<10240x128xf32, #tpu.memory_space<vmem_shared>> -> memref<640x128xf32, #tpu.memory_space<vmem_shared>>
      %dma_wait3A_59 = arith.constant 0 : i32
      %dma_wait3A_60 = tpu.memref_slice %arg2[%mul3A_10, %dma_wait3A_59] : memref<10240x128xf32, #tpu.memory_space<hbm>> -> memref<640x128xf32, #tpu.memory_space<hbm>>
      tpu.wait_dma2 semaphore(%run_scoped3A : memref<!tpu.dma_semaphore, #tpu.memory_space<semaphore_mem>>) src(%dma_wait3A_60 : memref<640x128xf32, #tpu.memory_space<hbm>>) dst(%dma_wait3A_58 : memref<640x128xf32, #tpu.memory_space<vmem_shared>>)
      tpu.yield
    }) : () -> ()
    %barrier3A = arith.constant 0 : index
    tpu.barrier barrier_id(%barrier3A)
    "tpu.region"() ({
      %run_scoped3A = tpu.sem_alloc : memref<!tpu.dma_semaphore, #tpu.memory_space<semaphore_mem>>
      %dma_start3A_54 = arith.constant 0 : i32
      %dma_start3A_55 = tpu.memref_slice %arg3[%select_n3A_8, %dma_start3A_54] : memref<2560x128xi32, #tpu.memory_space<hbm>> -> memref<1x128xi32, #tpu.memory_space<hbm>>
      %dma_start3A_56 = tpu.memref_squeeze %dma_start3A_55 : memref<1x128xi32, #tpu.memory_space<hbm>> -> memref<128xi32, #tpu.memory_space<hbm>>
      %dma_start3A_57 = arith.constant 0 : i32
      %dma_start3A_58 = tpu.memref_slice %arg3[%select_n3A_8, %dma_start3A_57] : memref<2560x128xi32, #tpu.memory_space<hbm>> -> memref<1x128xi32, #tpu.memory_space<hbm>>
      %dma_start3A_59 = tpu.memref_squeeze %dma_start3A_58 : memref<1x128xi32, #tpu.memory_space<hbm>> -> memref<128xi32, #tpu.memory_space<hbm>>
      tpu.enqueue_dma source(%dma_start3A_59 : memref<128xi32, #tpu.memory_space<hbm>>) target(%arg6 : memref<128xi32, #tpu.memory_space<vmem>>) target_semaphore(%run_scoped3A : memref<!tpu.dma_semaphore, #tpu.memory_space<semaphore_mem>>)
      %dma_wait3A = arith.constant 0 : i32
      %dma_wait3A_60 = tpu.memref_slice %arg3[%select_n3A_8, %dma_wait3A] : memref<2560x128xi32, #tpu.memory_space<hbm>> -> memref<1x128xi32, #tpu.memory_space<hbm>>
      %dma_wait3A_61 = tpu.memref_squeeze %dma_wait3A_60 : memref<1x128xi32, #tpu.memory_space<hbm>> -> memref<128xi32, #tpu.memory_space<hbm>>
      %dma_wait3A_62 = arith.constant 0 : i32
      %dma_wait3A_63 = tpu.memref_slice %arg3[%select_n3A_8, %dma_wait3A_62] : memref<2560x128xi32, #tpu.memory_space<hbm>> -> memref<1x128xi32, #tpu.memory_space<hbm>>
      %dma_wait3A_64 = tpu.memref_squeeze %dma_wait3A_63 : memref<1x128xi32, #tpu.memory_space<hbm>> -> memref<128xi32, #tpu.memory_space<hbm>>
      tpu.wait_dma2 semaphore(%run_scoped3A : memref<!tpu.dma_semaphore, #tpu.memory_space<semaphore_mem>>) src(%dma_wait3A_64 : memref<128xi32, #tpu.memory_space<hbm>>) dst(%arg6 : memref<128xi32, #tpu.memory_space<vmem>>)
      tpu.yield
    }) : () -> ()
    %add3A_13 = arith.constant 1 : i32
    %add3A_14 = arith.addi %select_n3A_8, %add3A_13 : i32
    "tpu.region"() ({
      %run_scoped3A = tpu.sem_alloc : memref<!tpu.dma_semaphore, #tpu.memory_space<semaphore_mem>>
      %dma_start3A_54 = arith.constant 0 : i32
      %dma_start3A_55 = tpu.memref_slice %arg3[%add3A_14, %dma_start3A_54] : memref<2560x128xi32, #tpu.memory_space<hbm>> -> memref<1x128xi32, #tpu.memory_space<hbm>>
      %dma_start3A_56 = tpu.memref_squeeze %dma_start3A_55 : memref<1x128xi32, #tpu.memory_space<hbm>> -> memref<128xi32, #tpu.memory_space<hbm>>
      %dma_start3A_57 = arith.constant 0 : i32
      %dma_start3A_58 = tpu.memref_slice %arg3[%add3A_14, %dma_start3A_57] : memref<2560x128xi32, #tpu.memory_space<hbm>> -> memref<1x128xi32, #tpu.memory_space<hbm>>
      %dma_start3A_59 = tpu.memref_squeeze %dma_start3A_58 : memref<1x128xi32, #tpu.memory_space<hbm>> -> memref<128xi32, #tpu.memory_space<hbm>>
      tpu.enqueue_dma source(%dma_start3A_59 : memref<128xi32, #tpu.memory_space<hbm>>) target(%arg7 : memref<128xi32, #tpu.memory_space<vmem>>) target_semaphore(%run_scoped3A : memref<!tpu.dma_semaphore, #tpu.memory_space<semaphore_mem>>)
      %dma_wait3A = arith.constant 0 : i32
      %dma_wait3A_60 = tpu.memref_slice %arg3[%add3A_14, %dma_wait3A] : memref<2560x128xi32, #tpu.memory_space<hbm>> -> memref<1x128xi32, #tpu.memory_space<hbm>>
      %dma_wait3A_61 = tpu.memref_squeeze %dma_wait3A_60 : memref<1x128xi32, #tpu.memory_space<hbm>> -> memref<128xi32, #tpu.memory_space<hbm>>
      %dma_wait3A_62 = arith.constant 0 : i32
      %dma_wait3A_63 = tpu.memref_slice %arg3[%add3A_14, %dma_wait3A_62] : memref<2560x128xi32, #tpu.memory_space<hbm>> -> memref<1x128xi32, #tpu.memory_space<hbm>>
      %dma_wait3A_64 = tpu.memref_squeeze %dma_wait3A_63 : memref<1x128xi32, #tpu.memory_space<hbm>> -> memref<128xi32, #tpu.memory_space<hbm>>
      tpu.wait_dma2 semaphore(%run_scoped3A : memref<!tpu.dma_semaphore, #tpu.memory_space<semaphore_mem>>) src(%dma_wait3A_64 : memref<128xi32, #tpu.memory_space<hbm>>) dst(%arg7 : memref<128xi32, #tpu.memory_space<vmem>>)
      tpu.yield
    }) : () -> ()
    "tpu.region"() ({
      %run_scoped3A = tpu.sem_alloc : memref<!tpu.dma_semaphore, #tpu.memory_space<semaphore_mem>>
      %dma_start3A_54 = arith.constant 0 : i32
      %dma_start3A_55 = tpu.memref_slice %arg4[%select_n3A_8, %dma_start3A_54] : memref<2560x128xi32, #tpu.memory_space<hbm>> -> memref<1x128xi32, #tpu.memory_space<hbm>>
      %dma_start3A_56 = tpu.memref_squeeze %dma_start3A_55 : memref<1x128xi32, #tpu.memory_space<hbm>> -> memref<128xi32, #tpu.memory_space<hbm>>
      %dma_start3A_57 = arith.constant 0 : i32
      %dma_start3A_58 = tpu.memref_slice %arg4[%select_n3A_8, %dma_start3A_57] : memref<2560x128xi32, #tpu.memory_space<hbm>> -> memref<1x128xi32, #tpu.memory_space<hbm>>
      %dma_start3A_59 = tpu.memref_squeeze %dma_start3A_58 : memref<1x128xi32, #tpu.memory_space<hbm>> -> memref<128xi32, #tpu.memory_space<hbm>>
      tpu.enqueue_dma source(%dma_start3A_59 : memref<128xi32, #tpu.memory_space<hbm>>) target(%arg8 : memref<128xi32, #tpu.memory_space<vmem>>) target_semaphore(%run_scoped3A : memref<!tpu.dma_semaphore, #tpu.memory_space<semaphore_mem>>)
      %dma_wait3A = arith.constant 0 : i32
      %dma_wait3A_60 = tpu.memref_slice %arg4[%select_n3A_8, %dma_wait3A] : memref<2560x128xi32, #tpu.memory_space<hbm>> -> memref<1x128xi32, #tpu.memory_space<hbm>>
      %dma_wait3A_61 = tpu.memref_squeeze %dma_wait3A_60 : memref<1x128xi32, #tpu.memory_space<hbm>> -> memref<128xi32, #tpu.memory_space<hbm>>
      %dma_wait3A_62 = arith.constant 0 : i32
      %dma_wait3A_63 = tpu.memref_slice %arg4[%select_n3A_8, %dma_wait3A_62] : memref<2560x128xi32, #tpu.memory_space<hbm>> -> memref<1x128xi32, #tpu.memory_space<hbm>>
      %dma_wait3A_64 = tpu.memref_squeeze %dma_wait3A_63 : memref<1x128xi32, #tpu.memory_space<hbm>> -> memref<128xi32, #tpu.memory_space<hbm>>
      tpu.wait_dma2 semaphore(%run_scoped3A : memref<!tpu.dma_semaphore, #tpu.memory_space<semaphore_mem>>) src(%dma_wait3A_64 : memref<128xi32, #tpu.memory_space<hbm>>) dst(%arg8 : memref<128xi32, #tpu.memory_space<vmem>>)
      tpu.yield
    }) : () -> ()
    %add3A_15 = arith.constant 1 : i32
    %add3A_16 = arith.addi %select_n3A_8, %add3A_15 : i32
    "tpu.region"() ({
      %run_scoped3A = tpu.sem_alloc : memref<!tpu.dma_semaphore, #tpu.memory_space<semaphore_mem>>
      %dma_start3A_54 = arith.constant 0 : i32
      %dma_start3A_55 = tpu.memref_slice %arg4[%add3A_16, %dma_start3A_54] : memref<2560x128xi32, #tpu.memory_space<hbm>> -> memref<1x128xi32, #tpu.memory_space<hbm>>
      %dma_start3A_56 = tpu.memref_squeeze %dma_start3A_55 : memref<1x128xi32, #tpu.memory_space<hbm>> -> memref<128xi32, #tpu.memory_space<hbm>>
      %dma_start3A_57 = arith.constant 0 : i32
      %dma_start3A_58 = tpu.memref_slice %arg4[%add3A_16, %dma_start3A_57] : memref<2560x128xi32, #tpu.memory_space<hbm>> -> memref<1x128xi32, #tpu.memory_space<hbm>>
      %dma_start3A_59 = tpu.memref_squeeze %dma_start3A_58 : memref<1x128xi32, #tpu.memory_space<hbm>> -> memref<128xi32, #tpu.memory_space<hbm>>
      tpu.enqueue_dma source(%dma_start3A_59 : memref<128xi32, #tpu.memory_space<hbm>>) target(%arg9 : memref<128xi32, #tpu.memory_space<vmem>>) target_semaphore(%run_scoped3A : memref<!tpu.dma_semaphore, #tpu.memory_space<semaphore_mem>>)
      %dma_wait3A = arith.constant 0 : i32
      %dma_wait3A_60 = tpu.memref_slice %arg4[%add3A_16, %dma_wait3A] : memref<2560x128xi32, #tpu.memory_space<hbm>> -> memref<1x128xi32, #tpu.memory_space<hbm>>
      %dma_wait3A_61 = tpu.memref_squeeze %dma_wait3A_60 : memref<1x128xi32, #tpu.memory_space<hbm>> -> memref<128xi32, #tpu.memory_space<hbm>>
      %dma_wait3A_62 = arith.constant 0 : i32
      %dma_wait3A_63 = tpu.memref_slice %arg4[%add3A_16, %dma_wait3A_62] : memref<2560x128xi32, #tpu.memory_space<hbm>> -> memref<1x128xi32, #tpu.memory_space<hbm>>
      %dma_wait3A_64 = tpu.memref_squeeze %dma_wait3A_63 : memref<1x128xi32, #tpu.memory_space<hbm>> -> memref<128xi32, #tpu.memory_space<hbm>>
      tpu.wait_dma2 semaphore(%run_scoped3A : memref<!tpu.dma_semaphore, #tpu.memory_space<semaphore_mem>>) src(%dma_wait3A_64 : memref<128xi32, #tpu.memory_space<hbm>>) dst(%arg9 : memref<128xi32, #tpu.memory_space<vmem>>)
      tpu.yield
    }) : () -> ()
    %dma_start3A = arith.constant 0 : i32
    %dma_start3A_17 = arith.constant 0 : i32
    %dma_start3A_18 = tpu.memref_slice %arg2[%dma_start3A, %dma_start3A_17] : memref<10240x128xf32, #tpu.memory_space<hbm>> -> memref<10240x128xf32, #tpu.memory_space<hbm>>
    tpu.enqueue_indirect_dma source(%dma_start3A_18 : memref<10240x128xf32, #tpu.memory_space<hbm>>) target(%arg10 : memref<128x128xf32, #tpu.memory_space<vmem>>) offsets(%arg6 : memref<128xi32, #tpu.memory_space<vmem>>) semaphore(%arg13 : memref<!tpu.dma_semaphore, #tpu.memory_space<semaphore_mem>>)
    %dma_start3A_19 = arith.constant 0 : i32
    %dma_start3A_20 = arith.constant 0 : i32
    %dma_start3A_21 = tpu.memref_slice %arg2[%dma_start3A_19, %dma_start3A_20] : memref<10240x128xf32, #tpu.memory_space<hbm>> -> memref<10240x128xf32, #tpu.memory_space<hbm>>
    tpu.enqueue_indirect_dma source(%dma_start3A_21 : memref<10240x128xf32, #tpu.memory_space<hbm>>) target(%arg11 : memref<128x128xf32, #tpu.memory_space<vmem>>) offsets(%arg7 : memref<128xi32, #tpu.memory_space<vmem>>) semaphore(%arg14 : memref<!tpu.dma_semaphore, #tpu.memory_space<semaphore_mem>>)
    %jit3A_22 = arith.constant 2 : i32
    %div3A = arith.divsi %select_n3A, %jit3A_22 : i32
    %sign3A = arith.constant 0 : i32
    %sign3A_23 = arith.cmpi sgt, %select_n3A, %sign3A : i32
    %sign3A_24 = arith.extui %sign3A_23 : i1 to i32
    %sign3A_25 = arith.constant 0 : i32
    %sign3A_26 = arith.cmpi slt, %select_n3A, %sign3A_25 : i32
    %sign3A_27 = arith.extui %sign3A_26 : i1 to i32
    %sign3A_28 = arith.subi %sign3A_24, %sign3A_27 : i32
    %sign3A_29 = arith.constant 0 : i32
    %sign3A_30 = arith.cmpi sgt, %jit3A_22, %sign3A_29 : i32
    %sign3A_31 = arith.extui %sign3A_30 : i1 to i32
    %sign3A_32 = arith.constant 0 : i32
    %sign3A_33 = arith.cmpi slt, %jit3A_22, %sign3A_32 : i32
    %sign3A_34 = arith.extui %sign3A_33 : i1 to i32
    %sign3A_35 = arith.subi %sign3A_31, %sign3A_34 : i32
    %ne3A = arith.cmpi ne, %sign3A_28, %sign3A_35 : i32
    %rem3A = arith.remsi %select_n3A, %jit3A_22 : i32
    %ne3A_36 = arith.constant 0 : i32
    %ne3A_37 = arith.cmpi ne, %rem3A, %ne3A_36 : i32
    %and3A = arith.andi %ne3A, %ne3A_37 : i1
    %sub3A = arith.constant 1 : i32
    %sub3A_38 = arith.subi %div3A, %sub3A : i32
    %select_n3A_39 = arith.select %and3A, %sub3A_38, %div3A : i32
    %while3A = arith.constant 0 : i32
    %while3A_40 = arith.constant 0 : i32
    %while3A_41 = arith.subi %select_n3A_39, %while3A_40 : i32
    %while3A_42 = arith.addi %while3A_40, %while3A_41 : i32
    %while3A_43 = arith.constant 1 : i32
    %while3A_44 = arith.divsi %while3A_41, %while3A_43 : i32
    %while3A_45 = arith.muli %while3A_44, %while3A_43 : i32
    %while3A_46 = arith.addi %while3A_40, %while3A_45 : i32
    %while3A_47 = arith.constant 1 : i32
    scf.for %while3A_54 = %while3A_40 to %while3A_46 step %while3A_47  : i32 {
      %mul3A_55 = arith.constant 2 : i32
      %mul3A_56 = arith.muli %mul3A_55, %while3A_54 : i32
      %add3A_57 = arith.constant 0 : i32
      %add3A_58 = arith.addi %mul3A_56, %add3A_57 : i32
      %gt3A = arith.constant 0 : i32
      %gt3A_59 = arith.cmpi sgt, %while3A_54, %gt3A : i32
      %convert_element_type3A = arith.extui %gt3A_59 : i1 to i32
      %cond3A = arith.constant 0 : i32
      %cond3A_60 = arith.cmpi ne, %convert_element_type3A, %cond3A : i32
      scf.if %cond3A_60 {
        %dma_wait3A_98 = arith.constant 0 : i32
        %dma_wait3A_99 = tpu.memref_slice %arg4[%select_n3A_8, %dma_wait3A_98] : memref<2560x128xi32, #tpu.memory_space<hbm>> -> memref<1x128xi32, #tpu.memory_space<hbm>>
        %dma_wait3A_100 = tpu.memref_squeeze %dma_wait3A_99 : memref<1x128xi32, #tpu.memory_space<hbm>> -> memref<128xi32, #tpu.memory_space<hbm>>
        %dma_wait3A_101 = arith.constant 0 : i32
        %dma_wait3A_102 = tpu.memref_slice %arg4[%select_n3A_8, %dma_wait3A_101] : memref<2560x128xi32, #tpu.memory_space<hbm>> -> memref<1x128xi32, #tpu.memory_space<hbm>>
        %dma_wait3A_103 = tpu.memref_squeeze %dma_wait3A_102 : memref<1x128xi32, #tpu.memory_space<hbm>> -> memref<128xi32, #tpu.memory_space<hbm>>
        tpu.wait_dma2 semaphore(%arg17 : memref<!tpu.dma_semaphore, #tpu.memory_space<semaphore_mem>>) src(%dma_wait3A_103 : memref<128xi32, #tpu.memory_space<hbm>>) dst(%arg8 : memref<128xi32, #tpu.memory_space<vmem>>)
      } else {
      }
      %dma_wait3A = arith.constant 0 : i32
      %dma_wait3A_61 = arith.constant 0 : i32
      %dma_wait3A_62 = tpu.memref_slice %arg2[%dma_wait3A, %dma_wait3A_61] : memref<10240x128xf32, #tpu.memory_space<hbm>> -> memref<10240x128xf32, #tpu.memory_space<hbm>>
      tpu.wait_indirect_dma semaphore(%arg13 : memref<!tpu.dma_semaphore, #tpu.memory_space<semaphore_mem>>) src(%dma_wait3A_62 : memref<10240x128xf32, #tpu.memory_space<hbm>>) dst(%arg10 : memref<128x128xf32, #tpu.memory_space<vmem>>)
      %add3A_63 = arith.constant 2 : i32
      %add3A_64 = arith.addi %add3A_58, %add3A_63 : i32
      %lt3A = arith.cmpi slt, %add3A_64, %select_n3A : i32
      %convert_element_type3A_65 = arith.extui %lt3A : i1 to i32
      %cond3A_66 = arith.constant 0 : i32
      %cond3A_67 = arith.cmpi ne, %convert_element_type3A_65, %cond3A_66 : i32
      scf.if %cond3A_67 {
        %add3A_98 = arith.addi %select_n3A_8, %add3A_58 : i32
        %add3A_99 = arith.constant 2 : i32
        %add3A_100 = arith.addi %add3A_98, %add3A_99 : i32
        %dma_start3A_101 = arith.constant 0 : i32
        %dma_start3A_102 = tpu.memref_slice %arg3[%add3A_100, %dma_start3A_101] : memref<2560x128xi32, #tpu.memory_space<hbm>> -> memref<1x128xi32, #tpu.memory_space<hbm>>
        %dma_start3A_103 = tpu.memref_squeeze %dma_start3A_102 : memref<1x128xi32, #tpu.memory_space<hbm>> -> memref<128xi32, #tpu.memory_space<hbm>>
        %dma_start3A_104 = arith.constant 0 : i32
        %dma_start3A_105 = tpu.memref_slice %arg3[%add3A_100, %dma_start3A_104] : memref<2560x128xi32, #tpu.memory_space<hbm>> -> memref<1x128xi32, #tpu.memory_space<hbm>>
        %dma_start3A_106 = tpu.memref_squeeze %dma_start3A_105 : memref<1x128xi32, #tpu.memory_space<hbm>> -> memref<128xi32, #tpu.memory_space<hbm>>
        tpu.enqueue_dma source(%dma_start3A_106 : memref<128xi32, #tpu.memory_space<hbm>>) target(%arg6 : memref<128xi32, #tpu.memory_space<vmem>>) target_semaphore(%arg15 : memref<!tpu.dma_semaphore, #tpu.memory_space<semaphore_mem>>)
      } else {
      }
      "tpu.region"() ({
        %run_scoped3A = tpu.sem_alloc : memref<!tpu.dma_semaphore, #tpu.memory_space<semaphore_mem>>
        %dma_start3A_98 = arith.constant 0 : i32
        %dma_start3A_99 = arith.constant 0 : i32
        %dma_start3A_100 = tpu.memref_slice %arg12[%dma_start3A_98, %dma_start3A_99] : memref<10240x128xf32, #tpu.memory_space<vmem_shared>> -> memref<10240x128xf32, #tpu.memory_space<vmem_shared>>
        tpu.enqueue_indirect_dma source(%arg10 : memref<128x128xf32, #tpu.memory_space<vmem>>) target(%dma_start3A_100 : memref<10240x128xf32, #tpu.memory_space<vmem_shared>>) offsets(%arg8 : memref<128xi32, #tpu.memory_space<vmem>>) semaphore(%run_scoped3A : memref<!tpu.dma_semaphore, #tpu.memory_space<semaphore_mem>>) {add = true}
        %dma_wait3A_101 = arith.constant 0 : i32
        %dma_wait3A_102 = arith.constant 0 : i32
        %dma_wait3A_103 = tpu.memref_slice %arg12[%dma_wait3A_101, %dma_wait3A_102] : memref<10240x128xf32, #tpu.memory_space<vmem_shared>> -> memref<10240x128xf32, #tpu.memory_space<vmem_shared>>
        tpu.wait_indirect_dma semaphore(%run_scoped3A : memref<!tpu.dma_semaphore, #tpu.memory_space<semaphore_mem>>) src(%arg10 : memref<128x128xf32, #tpu.memory_space<vmem>>) dst(%dma_wait3A_103 : memref<10240x128xf32, #tpu.memory_space<vmem_shared>>)
        tpu.yield
      }) : () -> ()
      %add3A_68 = arith.constant 2 : i32
      %add3A_69 = arith.addi %add3A_58, %add3A_68 : i32
      %lt3A_70 = arith.cmpi slt, %add3A_69, %select_n3A : i32
      %convert_element_type3A_71 = arith.extui %lt3A_70 : i1 to i32
      %cond3A_72 = arith.constant 0 : i32
      %cond3A_73 = arith.cmpi ne, %convert_element_type3A_71, %cond3A_72 : i32
      scf.if %cond3A_73 {
        %add3A_98 = arith.addi %select_n3A_8, %add3A_58 : i32
        %add3A_99 = arith.constant 2 : i32
        %add3A_100 = arith.addi %add3A_98, %add3A_99 : i32
        %dma_start3A_101 = arith.constant 0 : i32
        %dma_start3A_102 = tpu.memref_slice %arg4[%add3A_100, %dma_start3A_101] : memref<2560x128xi32, #tpu.memory_space<hbm>> -> memref<1x128xi32, #tpu.memory_space<hbm>>
        %dma_start3A_103 = tpu.memref_squeeze %dma_start3A_102 : memref<1x128xi32, #tpu.memory_space<hbm>> -> memref<128xi32, #tpu.memory_space<hbm>>
        %dma_start3A_104 = arith.constant 0 : i32
        %dma_start3A_105 = tpu.memref_slice %arg4[%add3A_100, %dma_start3A_104] : memref<2560x128xi32, #tpu.memory_space<hbm>> -> memref<1x128xi32, #tpu.memory_space<hbm>>
        %dma_start3A_106 = tpu.memref_squeeze %dma_start3A_105 : memref<1x128xi32, #tpu.memory_space<hbm>> -> memref<128xi32, #tpu.memory_space<hbm>>
        tpu.enqueue_dma source(%dma_start3A_106 : memref<128xi32, #tpu.memory_space<hbm>>) target(%arg8 : memref<128xi32, #tpu.memory_space<vmem>>) target_semaphore(%arg17 : memref<!tpu.dma_semaphore, #tpu.memory_space<semaphore_mem>>)
        %dma_wait3A_107 = arith.constant 0 : i32
        %dma_wait3A_108 = tpu.memref_slice %arg3[%select_n3A_8, %dma_wait3A_107] : memref<2560x128xi32, #tpu.memory_space<hbm>> -> memref<1x128xi32, #tpu.memory_space<hbm>>
        %dma_wait3A_109 = tpu.memref_squeeze %dma_wait3A_108 : memref<1x128xi32, #tpu.memory_space<hbm>> -> memref<128xi32, #tpu.memory_space<hbm>>
        %dma_wait3A_110 = arith.constant 0 : i32
        %dma_wait3A_111 = tpu.memref_slice %arg3[%select_n3A_8, %dma_wait3A_110] : memref<2560x128xi32, #tpu.memory_space<hbm>> -> memref<1x128xi32, #tpu.memory_space<hbm>>
        %dma_wait3A_112 = tpu.memref_squeeze %dma_wait3A_111 : memref<1x128xi32, #tpu.memory_space<hbm>> -> memref<128xi32, #tpu.memory_space<hbm>>
        tpu.wait_dma2 semaphore(%arg15 : memref<!tpu.dma_semaphore, #tpu.memory_space<semaphore_mem>>) src(%dma_wait3A_112 : memref<128xi32, #tpu.memory_space<hbm>>) dst(%arg6 : memref<128xi32, #tpu.memory_space<vmem>>)
        %dma_start3A_113 = arith.constant 0 : i32
        %dma_start3A_114 = arith.constant 0 : i32
        %dma_start3A_115 = tpu.memref_slice %arg2[%dma_start3A_113, %dma_start3A_114] : memref<10240x128xf32, #tpu.memory_space<hbm>> -> memref<10240x128xf32, #tpu.memory_space<hbm>>
        tpu.enqueue_indirect_dma source(%dma_start3A_115 : memref<10240x128xf32, #tpu.memory_space<hbm>>) target(%arg10 : memref<128x128xf32, #tpu.memory_space<vmem>>) offsets(%arg6 : memref<128xi32, #tpu.memory_space<vmem>>) semaphore(%arg13 : memref<!tpu.dma_semaphore, #tpu.memory_space<semaphore_mem>>)
      } else {
      }
      %mul3A_74 = arith.constant 2 : i32
      %mul3A_75 = arith.muli %mul3A_74, %while3A_54 : i32
      %add3A_76 = arith.constant 1 : i32
      %add3A_77 = arith.addi %mul3A_75, %add3A_76 : i32
      %gt3A_78 = arith.constant 0 : i32
      %gt3A_79 = arith.cmpi sgt, %while3A_54, %gt3A_78 : i32
      %convert_element_type3A_80 = arith.extui %gt3A_79 : i1 to i32
      %cond3A_81 = arith.constant 0 : i32
      %cond3A_82 = arith.cmpi ne, %convert_element_type3A_80, %cond3A_81 : i32
      scf.if %cond3A_82 {
        %dma_wait3A_98 = arith.constant 0 : i32
        %dma_wait3A_99 = tpu.memref_slice %arg4[%select_n3A_8, %dma_wait3A_98] : memref<2560x128xi32, #tpu.memory_space<hbm>> -> memref<1x128xi32, #tpu.memory_space<hbm>>
        %dma_wait3A_100 = tpu.memref_squeeze %dma_wait3A_99 : memref<1x128xi32, #tpu.memory_space<hbm>> -> memref<128xi32, #tpu.memory_space<hbm>>
        %dma_wait3A_101 = arith.constant 0 : i32
        %dma_wait3A_102 = tpu.memref_slice %arg4[%select_n3A_8, %dma_wait3A_101] : memref<2560x128xi32, #tpu.memory_space<hbm>> -> memref<1x128xi32, #tpu.memory_space<hbm>>
        %dma_wait3A_103 = tpu.memref_squeeze %dma_wait3A_102 : memref<1x128xi32, #tpu.memory_space<hbm>> -> memref<128xi32, #tpu.memory_space<hbm>>
        tpu.wait_dma2 semaphore(%arg18 : memref<!tpu.dma_semaphore, #tpu.memory_space<semaphore_mem>>) src(%dma_wait3A_103 : memref<128xi32, #tpu.memory_space<hbm>>) dst(%arg9 : memref<128xi32, #tpu.memory_space<vmem>>)
      } else {
      }
      %dma_wait3A_83 = arith.constant 0 : i32
      %dma_wait3A_84 = arith.constant 0 : i32
      %dma_wait3A_85 = tpu.memref_slice %arg2[%dma_wait3A_83, %dma_wait3A_84] : memref<10240x128xf32, #tpu.memory_space<hbm>> -> memref<10240x128xf32, #tpu.memory_space<hbm>>
      tpu.wait_indirect_dma semaphore(%arg14 : memref<!tpu.dma_semaphore, #tpu.memory_space<semaphore_mem>>) src(%dma_wait3A_85 : memref<10240x128xf32, #tpu.memory_space<hbm>>) dst(%arg11 : memref<128x128xf32, #tpu.memory_space<vmem>>)
      %add3A_86 = arith.constant 2 : i32
      %add3A_87 = arith.addi %add3A_77, %add3A_86 : i32
      %lt3A_88 = arith.cmpi slt, %add3A_87, %select_n3A : i32
      %convert_element_type3A_89 = arith.extui %lt3A_88 : i1 to i32
      %cond3A_90 = arith.constant 0 : i32
      %cond3A_91 = arith.cmpi ne, %convert_element_type3A_89, %cond3A_90 : i32
      scf.if %cond3A_91 {
        %add3A_98 = arith.addi %select_n3A_8, %add3A_77 : i32
        %add3A_99 = arith.constant 2 : i32
        %add3A_100 = arith.addi %add3A_98, %add3A_99 : i32
        %dma_start3A_101 = arith.constant 0 : i32
        %dma_start3A_102 = tpu.memref_slice %arg3[%add3A_100, %dma_start3A_101] : memref<2560x128xi32, #tpu.memory_space<hbm>> -> memref<1x128xi32, #tpu.memory_space<hbm>>
        %dma_start3A_103 = tpu.memref_squeeze %dma_start3A_102 : memref<1x128xi32, #tpu.memory_space<hbm>> -> memref<128xi32, #tpu.memory_space<hbm>>
        %dma_start3A_104 = arith.constant 0 : i32
        %dma_start3A_105 = tpu.memref_slice %arg3[%add3A_100, %dma_start3A_104] : memref<2560x128xi32, #tpu.memory_space<hbm>> -> memref<1x128xi32, #tpu.memory_space<hbm>>
        %dma_start3A_106 = tpu.memref_squeeze %dma_start3A_105 : memref<1x128xi32, #tpu.memory_space<hbm>> -> memref<128xi32, #tpu.memory_space<hbm>>
        tpu.enqueue_dma source(%dma_start3A_106 : memref<128xi32, #tpu.memory_space<hbm>>) target(%arg7 : memref<128xi32, #tpu.memory_space<vmem>>) target_semaphore(%arg16 : memref<!tpu.dma_semaphore, #tpu.memory_space<semaphore_mem>>)
      } else {
      }
      "tpu.region"() ({
        %run_scoped3A = tpu.sem_alloc : memref<!tpu.dma_semaphore, #tpu.memory_space<semaphore_mem>>
        %dma_start3A_98 = arith.constant 0 : i32
        %dma_start3A_99 = arith.constant 0 : i32
        %dma_start3A_100 = tpu.memref_slice %arg12[%dma_start3A_98, %dma_start3A_99] : memref<10240x128xf32, #tpu.memory_space<vmem_shared>> -> memref<10240x128xf32, #tpu.memory_space<vmem_shared>>
        tpu.enqueue_indirect_dma source(%arg11 : memref<128x128xf32, #tpu.memory_space<vmem>>) target(%dma_start3A_100 : memref<10240x128xf32, #tpu.memory_space<vmem_shared>>) offsets(%arg9 : memref<128xi32, #tpu.memory_space<vmem>>) semaphore(%run_scoped3A : memref<!tpu.dma_semaphore, #tpu.memory_space<semaphore_mem>>) {add = true}
        %dma_wait3A_101 = arith.constant 0 : i32
        %dma_wait3A_102 = arith.constant 0 : i32
        %dma_wait3A_103 = tpu.memref_slice %arg12[%dma_wait3A_101, %dma_wait3A_102] : memref<10240x128xf32, #tpu.memory_space<vmem_shared>> -> memref<10240x128xf32, #tpu.memory_space<vmem_shared>>
        tpu.wait_indirect_dma semaphore(%run_scoped3A : memref<!tpu.dma_semaphore, #tpu.memory_space<semaphore_mem>>) src(%arg11 : memref<128x128xf32, #tpu.memory_space<vmem>>) dst(%dma_wait3A_103 : memref<10240x128xf32, #tpu.memory_space<vmem_shared>>)
        tpu.yield
      }) : () -> ()
      %add3A_92 = arith.constant 2 : i32
      %add3A_93 = arith.addi %add3A_77, %add3A_92 : i32
      %lt3A_94 = arith.cmpi slt, %add3A_93, %select_n3A : i32
      %convert_element_type3A_95 = arith.extui %lt3A_94 : i1 to i32
      %cond3A_96 = arith.constant 0 : i32
      %cond3A_97 = arith.cmpi ne, %convert_element_type3A_95, %cond3A_96 : i32
      scf.if %cond3A_97 {
        %add3A_98 = arith.addi %select_n3A_8, %add3A_77 : i32
        %add3A_99 = arith.constant 2 : i32
        %add3A_100 = arith.addi %add3A_98, %add3A_99 : i32
        %dma_start3A_101 = arith.constant 0 : i32
        %dma_start3A_102 = tpu.memref_slice %arg4[%add3A_100, %dma_start3A_101] : memref<2560x128xi32, #tpu.memory_space<hbm>> -> memref<1x128xi32, #tpu.memory_space<hbm>>
        %dma_start3A_103 = tpu.memref_squeeze %dma_start3A_102 : memref<1x128xi32, #tpu.memory_space<hbm>> -> memref<128xi32, #tpu.memory_space<hbm>>
        %dma_start3A_104 = arith.constant 0 : i32
        %dma_start3A_105 = tpu.memref_slice %arg4[%add3A_100, %dma_start3A_104] : memref<2560x128xi32, #tpu.memory_space<hbm>> -> memref<1x128xi32, #tpu.memory_space<hbm>>
        %dma_start3A_106 = tpu.memref_squeeze %dma_start3A_105 : memref<1x128xi32, #tpu.memory_space<hbm>> -> memref<128xi32, #tpu.memory_space<hbm>>
        tpu.enqueue_dma source(%dma_start3A_106 : memref<128xi32, #tpu.memory_space<hbm>>) target(%arg9 : memref<128xi32, #tpu.memory_space<vmem>>) target_semaphore(%arg18 : memref<!tpu.dma_semaphore, #tpu.memory_space<semaphore_mem>>)
        %dma_wait3A_107 = arith.constant 0 : i32
        %dma_wait3A_108 = tpu.memref_slice %arg3[%select_n3A_8, %dma_wait3A_107] : memref<2560x128xi32, #tpu.memory_space<hbm>> -> memref<1x128xi32, #tpu.memory_space<hbm>>
        %dma_wait3A_109 = tpu.memref_squeeze %dma_wait3A_108 : memref<1x128xi32, #tpu.memory_space<hbm>> -> memref<128xi32, #tpu.memory_space<hbm>>
        %dma_wait3A_110 = arith.constant 0 : i32
        %dma_wait3A_111 = tpu.memref_slice %arg3[%select_n3A_8, %dma_wait3A_110] : memref<2560x128xi32, #tpu.memory_space<hbm>> -> memref<1x128xi32, #tpu.memory_space<hbm>>
        %dma_wait3A_112 = tpu.memref_squeeze %dma_wait3A_111 : memref<1x128xi32, #tpu.memory_space<hbm>> -> memref<128xi32, #tpu.memory_space<hbm>>
        tpu.wait_dma2 semaphore(%arg16 : memref<!tpu.dma_semaphore, #tpu.memory_space<semaphore_mem>>) src(%dma_wait3A_112 : memref<128xi32, #tpu.memory_space<hbm>>) dst(%arg7 : memref<128xi32, #tpu.memory_space<vmem>>)
        %dma_start3A_113 = arith.constant 0 : i32
        %dma_start3A_114 = arith.constant 0 : i32
        %dma_start3A_115 = tpu.memref_slice %arg2[%dma_start3A_113, %dma_start3A_114] : memref<10240x128xf32, #tpu.memory_space<hbm>> -> memref<10240x128xf32, #tpu.memory_space<hbm>>
        tpu.enqueue_indirect_dma source(%dma_start3A_115 : memref<10240x128xf32, #tpu.memory_space<hbm>>) target(%arg11 : memref<128x128xf32, #tpu.memory_space<vmem>>) offsets(%arg7 : memref<128xi32, #tpu.memory_space<vmem>>) semaphore(%arg14 : memref<!tpu.dma_semaphore, #tpu.memory_space<semaphore_mem>>)
      } else {
      }
    }
    %while3A_48 = arith.constant 1 : i32
    scf.for %while3A_54 = %while3A_46 to %while3A_42 step %while3A_48  : i32 {
      %mul3A_55 = arith.constant 2 : i32
      %mul3A_56 = arith.muli %mul3A_55, %while3A_54 : i32
      %add3A_57 = arith.constant 0 : i32
      %add3A_58 = arith.addi %mul3A_56, %add3A_57 : i32
      %gt3A = arith.constant 0 : i32
      %gt3A_59 = arith.cmpi sgt, %while3A_54, %gt3A : i32
      %convert_element_type3A = arith.extui %gt3A_59 : i1 to i32
      %cond3A = arith.constant 0 : i32
      %cond3A_60 = arith.cmpi ne, %convert_element_type3A, %cond3A : i32
      scf.if %cond3A_60 {
        %dma_wait3A_98 = arith.constant 0 : i32
        %dma_wait3A_99 = tpu.memref_slice %arg4[%select_n3A_8, %dma_wait3A_98] : memref<2560x128xi32, #tpu.memory_space<hbm>> -> memref<1x128xi32, #tpu.memory_space<hbm>>
        %dma_wait3A_100 = tpu.memref_squeeze %dma_wait3A_99 : memref<1x128xi32, #tpu.memory_space<hbm>> -> memref<128xi32, #tpu.memory_space<hbm>>
        %dma_wait3A_101 = arith.constant 0 : i32
        %dma_wait3A_102 = tpu.memref_slice %arg4[%select_n3A_8, %dma_wait3A_101] : memref<2560x128xi32, #tpu.memory_space<hbm>> -> memref<1x128xi32, #tpu.memory_space<hbm>>
        %dma_wait3A_103 = tpu.memref_squeeze %dma_wait3A_102 : memref<1x128xi32, #tpu.memory_space<hbm>> -> memref<128xi32, #tpu.memory_space<hbm>>
        tpu.wait_dma2 semaphore(%arg17 : memref<!tpu.dma_semaphore, #tpu.memory_space<semaphore_mem>>) src(%dma_wait3A_103 : memref<128xi32, #tpu.memory_space<hbm>>) dst(%arg8 : memref<128xi32, #tpu.memory_space<vmem>>)
      } else {
      }
      %dma_wait3A = arith.constant 0 : i32
      %dma_wait3A_61 = arith.constant 0 : i32
      %dma_wait3A_62 = tpu.memref_slice %arg2[%dma_wait3A, %dma_wait3A_61] : memref<10240x128xf32, #tpu.memory_space<hbm>> -> memref<10240x128xf32, #tpu.memory_space<hbm>>
      tpu.wait_indirect_dma semaphore(%arg13 : memref<!tpu.dma_semaphore, #tpu.memory_space<semaphore_mem>>) src(%dma_wait3A_62 : memref<10240x128xf32, #tpu.memory_space<hbm>>) dst(%arg10 : memref<128x128xf32, #tpu.memory_space<vmem>>)
      %add3A_63 = arith.constant 2 : i32
      %add3A_64 = arith.addi %add3A_58, %add3A_63 : i32
      %lt3A = arith.cmpi slt, %add3A_64, %select_n3A : i32
      %convert_element_type3A_65 = arith.extui %lt3A : i1 to i32
      %cond3A_66 = arith.constant 0 : i32
      %cond3A_67 = arith.cmpi ne, %convert_element_type3A_65, %cond3A_66 : i32
      scf.if %cond3A_67 {
        %add3A_98 = arith.addi %select_n3A_8, %add3A_58 : i32
        %add3A_99 = arith.constant 2 : i32
        %add3A_100 = arith.addi %add3A_98, %add3A_99 : i32
        %dma_start3A_101 = arith.constant 0 : i32
        %dma_start3A_102 = tpu.memref_slice %arg3[%add3A_100, %dma_start3A_101] : memref<2560x128xi32, #tpu.memory_space<hbm>> -> memref<1x128xi32, #tpu.memory_space<hbm>>
        %dma_start3A_103 = tpu.memref_squeeze %dma_start3A_102 : memref<1x128xi32, #tpu.memory_space<hbm>> -> memref<128xi32, #tpu.memory_space<hbm>>
        %dma_start3A_104 = arith.constant 0 : i32
        %dma_start3A_105 = tpu.memref_slice %arg3[%add3A_100, %dma_start3A_104] : memref<2560x128xi32, #tpu.memory_space<hbm>> -> memref<1x128xi32, #tpu.memory_space<hbm>>
        %dma_start3A_106 = tpu.memref_squeeze %dma_start3A_105 : memref<1x128xi32, #tpu.memory_space<hbm>> -> memref<128xi32, #tpu.memory_space<hbm>>
        tpu.enqueue_dma source(%dma_start3A_106 : memref<128xi32, #tpu.memory_space<hbm>>) target(%arg6 : memref<128xi32, #tpu.memory_space<vmem>>) target_semaphore(%arg15 : memref<!tpu.dma_semaphore, #tpu.memory_space<semaphore_mem>>)
      } else {
      }
      "tpu.region"() ({
        %run_scoped3A = tpu.sem_alloc : memref<!tpu.dma_semaphore, #tpu.memory_space<semaphore_mem>>
        %dma_start3A_98 = arith.constant 0 : i32
        %dma_start3A_99 = arith.constant 0 : i32
        %dma_start3A_100 = tpu.memref_slice %arg12[%dma_start3A_98, %dma_start3A_99] : memref<10240x128xf32, #tpu.memory_space<vmem_shared>> -> memref<10240x128xf32, #tpu.memory_space<vmem_shared>>
        tpu.enqueue_indirect_dma source(%arg10 : memref<128x128xf32, #tpu.memory_space<vmem>>) target(%dma_start3A_100 : memref<10240x128xf32, #tpu.memory_space<vmem_shared>>) offsets(%arg8 : memref<128xi32, #tpu.memory_space<vmem>>) semaphore(%run_scoped3A : memref<!tpu.dma_semaphore, #tpu.memory_space<semaphore_mem>>) {add = true}
        %dma_wait3A_101 = arith.constant 0 : i32
        %dma_wait3A_102 = arith.constant 0 : i32
        %dma_wait3A_103 = tpu.memref_slice %arg12[%dma_wait3A_101, %dma_wait3A_102] : memref<10240x128xf32, #tpu.memory_space<vmem_shared>> -> memref<10240x128xf32, #tpu.memory_space<vmem_shared>>
        tpu.wait_indirect_dma semaphore(%run_scoped3A : memref<!tpu.dma_semaphore, #tpu.memory_space<semaphore_mem>>) src(%arg10 : memref<128x128xf32, #tpu.memory_space<vmem>>) dst(%dma_wait3A_103 : memref<10240x128xf32, #tpu.memory_space<vmem_shared>>)
        tpu.yield
      }) : () -> ()
      %add3A_68 = arith.constant 2 : i32
      %add3A_69 = arith.addi %add3A_58, %add3A_68 : i32
      %lt3A_70 = arith.cmpi slt, %add3A_69, %select_n3A : i32
      %convert_element_type3A_71 = arith.extui %lt3A_70 : i1 to i32
      %cond3A_72 = arith.constant 0 : i32
      %cond3A_73 = arith.cmpi ne, %convert_element_type3A_71, %cond3A_72 : i32
      scf.if %cond3A_73 {
        %add3A_98 = arith.addi %select_n3A_8, %add3A_58 : i32
        %add3A_99 = arith.constant 2 : i32
        %add3A_100 = arith.addi %add3A_98, %add3A_99 : i32
        %dma_start3A_101 = arith.constant 0 : i32
        %dma_start3A_102 = tpu.memref_slice %arg4[%add3A_100, %dma_start3A_101] : memref<2560x128xi32, #tpu.memory_space<hbm>> -> memref<1x128xi32, #tpu.memory_space<hbm>>
        %dma_start3A_103 = tpu.memref_squeeze %dma_start3A_102 : memref<1x128xi32, #tpu.memory_space<hbm>> -> memref<128xi32, #tpu.memory_space<hbm>>
        %dma_start3A_104 = arith.constant 0 : i32
        %dma_start3A_105 = tpu.memref_slice %arg4[%add3A_100, %dma_start3A_104] : memref<2560x128xi32, #tpu.memory_space<hbm>> -> memref<1x128xi32, #tpu.memory_space<hbm>>
        %dma_start3A_106 = tpu.memref_squeeze %dma_start3A_105 : memref<1x128xi32, #tpu.memory_space<hbm>> -> memref<128xi32, #tpu.memory_space<hbm>>
        tpu.enqueue_dma source(%dma_start3A_106 : memref<128xi32, #tpu.memory_space<hbm>>) target(%arg8 : memref<128xi32, #tpu.memory_space<vmem>>) target_semaphore(%arg17 : memref<!tpu.dma_semaphore, #tpu.memory_space<semaphore_mem>>)
        %dma_wait3A_107 = arith.constant 0 : i32
        %dma_wait3A_108 = tpu.memref_slice %arg3[%select_n3A_8, %dma_wait3A_107] : memref<2560x128xi32, #tpu.memory_space<hbm>> -> memref<1x128xi32, #tpu.memory_space<hbm>>
        %dma_wait3A_109 = tpu.memref_squeeze %dma_wait3A_108 : memref<1x128xi32, #tpu.memory_space<hbm>> -> memref<128xi32, #tpu.memory_space<hbm>>
        %dma_wait3A_110 = arith.constant 0 : i32
        %dma_wait3A_111 = tpu.memref_slice %arg3[%select_n3A_8, %dma_wait3A_110] : memref<2560x128xi32, #tpu.memory_space<hbm>> -> memref<1x128xi32, #tpu.memory_space<hbm>>
        %dma_wait3A_112 = tpu.memref_squeeze %dma_wait3A_111 : memref<1x128xi32, #tpu.memory_space<hbm>> -> memref<128xi32, #tpu.memory_space<hbm>>
        tpu.wait_dma2 semaphore(%arg15 : memref<!tpu.dma_semaphore, #tpu.memory_space<semaphore_mem>>) src(%dma_wait3A_112 : memref<128xi32, #tpu.memory_space<hbm>>) dst(%arg6 : memref<128xi32, #tpu.memory_space<vmem>>)
        %dma_start3A_113 = arith.constant 0 : i32
        %dma_start3A_114 = arith.constant 0 : i32
        %dma_start3A_115 = tpu.memref_slice %arg2[%dma_start3A_113, %dma_start3A_114] : memref<10240x128xf32, #tpu.memory_space<hbm>> -> memref<10240x128xf32, #tpu.memory_space<hbm>>
        tpu.enqueue_indirect_dma source(%dma_start3A_115 : memref<10240x128xf32, #tpu.memory_space<hbm>>) target(%arg10 : memref<128x128xf32, #tpu.memory_space<vmem>>) offsets(%arg6 : memref<128xi32, #tpu.memory_space<vmem>>) semaphore(%arg13 : memref<!tpu.dma_semaphore, #tpu.memory_space<semaphore_mem>>)
      } else {
      }
      %mul3A_74 = arith.constant 2 : i32
      %mul3A_75 = arith.muli %mul3A_74, %while3A_54 : i32
      %add3A_76 = arith.constant 1 : i32
      %add3A_77 = arith.addi %mul3A_75, %add3A_76 : i32
      %gt3A_78 = arith.constant 0 : i32
      %gt3A_79 = arith.cmpi sgt, %while3A_54, %gt3A_78 : i32
      %convert_element_type3A_80 = arith.extui %gt3A_79 : i1 to i32
      %cond3A_81 = arith.constant 0 : i32
      %cond3A_82 = arith.cmpi ne, %convert_element_type3A_80, %cond3A_81 : i32
      scf.if %cond3A_82 {
        %dma_wait3A_98 = arith.constant 0 : i32
        %dma_wait3A_99 = tpu.memref_slice %arg4[%select_n3A_8, %dma_wait3A_98] : memref<2560x128xi32, #tpu.memory_space<hbm>> -> memref<1x128xi32, #tpu.memory_space<hbm>>
        %dma_wait3A_100 = tpu.memref_squeeze %dma_wait3A_99 : memref<1x128xi32, #tpu.memory_space<hbm>> -> memref<128xi32, #tpu.memory_space<hbm>>
        %dma_wait3A_101 = arith.constant 0 : i32
        %dma_wait3A_102 = tpu.memref_slice %arg4[%select_n3A_8, %dma_wait3A_101] : memref<2560x128xi32, #tpu.memory_space<hbm>> -> memref<1x128xi32, #tpu.memory_space<hbm>>
        %dma_wait3A_103 = tpu.memref_squeeze %dma_wait3A_102 : memref<1x128xi32, #tpu.memory_space<hbm>> -> memref<128xi32, #tpu.memory_space<hbm>>
        tpu.wait_dma2 semaphore(%arg18 : memref<!tpu.dma_semaphore, #tpu.memory_space<semaphore_mem>>) src(%dma_wait3A_103 : memref<128xi32, #tpu.memory_space<hbm>>) dst(%arg9 : memref<128xi32, #tpu.memory_space<vmem>>)
      } else {
      }
      %dma_wait3A_83 = arith.constant 0 : i32
      %dma_wait3A_84 = arith.constant 0 : i32
      %dma_wait3A_85 = tpu.memref_slice %arg2[%dma_wait3A_83, %dma_wait3A_84] : memref<10240x128xf32, #tpu.memory_space<hbm>> -> memref<10240x128xf32, #tpu.memory_space<hbm>>
      tpu.wait_indirect_dma semaphore(%arg14 : memref<!tpu.dma_semaphore, #tpu.memory_space<semaphore_mem>>) src(%dma_wait3A_85 : memref<10240x128xf32, #tpu.memory_space<hbm>>) dst(%arg11 : memref<128x128xf32, #tpu.memory_space<vmem>>)
      %add3A_86 = arith.constant 2 : i32
      %add3A_87 = arith.addi %add3A_77, %add3A_86 : i32
      %lt3A_88 = arith.cmpi slt, %add3A_87, %select_n3A : i32
      %convert_element_type3A_89 = arith.extui %lt3A_88 : i1 to i32
      %cond3A_90 = arith.constant 0 : i32
      %cond3A_91 = arith.cmpi ne, %convert_element_type3A_89, %cond3A_90 : i32
      scf.if %cond3A_91 {
        %add3A_98 = arith.addi %select_n3A_8, %add3A_77 : i32
        %add3A_99 = arith.constant 2 : i32
        %add3A_100 = arith.addi %add3A_98, %add3A_99 : i32
        %dma_start3A_101 = arith.constant 0 : i32
        %dma_start3A_102 = tpu.memref_slice %arg3[%add3A_100, %dma_start3A_101] : memref<2560x128xi32, #tpu.memory_space<hbm>> -> memref<1x128xi32, #tpu.memory_space<hbm>>
        %dma_start3A_103 = tpu.memref_squeeze %dma_start3A_102 : memref<1x128xi32, #tpu.memory_space<hbm>> -> memref<128xi32, #tpu.memory_space<hbm>>
        %dma_start3A_104 = arith.constant 0 : i32
        %dma_start3A_105 = tpu.memref_slice %arg3[%add3A_100, %dma_start3A_104] : memref<2560x128xi32, #tpu.memory_space<hbm>> -> memref<1x128xi32, #tpu.memory_space<hbm>>
        %dma_start3A_106 = tpu.memref_squeeze %dma_start3A_105 : memref<1x128xi32, #tpu.memory_space<hbm>> -> memref<128xi32, #tpu.memory_space<hbm>>
        tpu.enqueue_dma source(%dma_start3A_106 : memref<128xi32, #tpu.memory_space<hbm>>) target(%arg7 : memref<128xi32, #tpu.memory_space<vmem>>) target_semaphore(%arg16 : memref<!tpu.dma_semaphore, #tpu.memory_space<semaphore_mem>>)
      } else {
      }
      "tpu.region"() ({
        %run_scoped3A = tpu.sem_alloc : memref<!tpu.dma_semaphore, #tpu.memory_space<semaphore_mem>>
        %dma_start3A_98 = arith.constant 0 : i32
        %dma_start3A_99 = arith.constant 0 : i32
        %dma_start3A_100 = tpu.memref_slice %arg12[%dma_start3A_98, %dma_start3A_99] : memref<10240x128xf32, #tpu.memory_space<vmem_shared>> -> memref<10240x128xf32, #tpu.memory_space<vmem_shared>>
        tpu.enqueue_indirect_dma source(%arg11 : memref<128x128xf32, #tpu.memory_space<vmem>>) target(%dma_start3A_100 : memref<10240x128xf32, #tpu.memory_space<vmem_shared>>) offsets(%arg9 : memref<128xi32, #tpu.memory_space<vmem>>) semaphore(%run_scoped3A : memref<!tpu.dma_semaphore, #tpu.memory_space<semaphore_mem>>) {add = true}
        %dma_wait3A_101 = arith.constant 0 : i32
        %dma_wait3A_102 = arith.constant 0 : i32
        %dma_wait3A_103 = tpu.memref_slice %arg12[%dma_wait3A_101, %dma_wait3A_102] : memref<10240x128xf32, #tpu.memory_space<vmem_shared>> -> memref<10240x128xf32, #tpu.memory_space<vmem_shared>>
        tpu.wait_indirect_dma semaphore(%run_scoped3A : memref<!tpu.dma_semaphore, #tpu.memory_space<semaphore_mem>>) src(%arg11 : memref<128x128xf32, #tpu.memory_space<vmem>>) dst(%dma_wait3A_103 : memref<10240x128xf32, #tpu.memory_space<vmem_shared>>)
        tpu.yield
      }) : () -> ()
      %add3A_92 = arith.constant 2 : i32
      %add3A_93 = arith.addi %add3A_77, %add3A_92 : i32
      %lt3A_94 = arith.cmpi slt, %add3A_93, %select_n3A : i32
      %convert_element_type3A_95 = arith.extui %lt3A_94 : i1 to i32
      %cond3A_96 = arith.constant 0 : i32
      %cond3A_97 = arith.cmpi ne, %convert_element_type3A_95, %cond3A_96 : i32
      scf.if %cond3A_97 {
        %add3A_98 = arith.addi %select_n3A_8, %add3A_77 : i32
        %add3A_99 = arith.constant 2 : i32
        %add3A_100 = arith.addi %add3A_98, %add3A_99 : i32
        %dma_start3A_101 = arith.constant 0 : i32
        %dma_start3A_102 = tpu.memref_slice %arg4[%add3A_100, %dma_start3A_101] : memref<2560x128xi32, #tpu.memory_space<hbm>> -> memref<1x128xi32, #tpu.memory_space<hbm>>
        %dma_start3A_103 = tpu.memref_squeeze %dma_start3A_102 : memref<1x128xi32, #tpu.memory_space<hbm>> -> memref<128xi32, #tpu.memory_space<hbm>>
        %dma_start3A_104 = arith.constant 0 : i32
        %dma_start3A_105 = tpu.memref_slice %arg4[%add3A_100, %dma_start3A_104] : memref<2560x128xi32, #tpu.memory_space<hbm>> -> memref<1x128xi32, #tpu.memory_space<hbm>>
        %dma_start3A_106 = tpu.memref_squeeze %dma_start3A_105 : memref<1x128xi32, #tpu.memory_space<hbm>> -> memref<128xi32, #tpu.memory_space<hbm>>
        tpu.enqueue_dma source(%dma_start3A_106 : memref<128xi32, #tpu.memory_space<hbm>>) target(%arg9 : memref<128xi32, #tpu.memory_space<vmem>>) target_semaphore(%arg18 : memref<!tpu.dma_semaphore, #tpu.memory_space<semaphore_mem>>)
        %dma_wait3A_107 = arith.constant 0 : i32
        %dma_wait3A_108 = tpu.memref_slice %arg3[%select_n3A_8, %dma_wait3A_107] : memref<2560x128xi32, #tpu.memory_space<hbm>> -> memref<1x128xi32, #tpu.memory_space<hbm>>
        %dma_wait3A_109 = tpu.memref_squeeze %dma_wait3A_108 : memref<1x128xi32, #tpu.memory_space<hbm>> -> memref<128xi32, #tpu.memory_space<hbm>>
        %dma_wait3A_110 = arith.constant 0 : i32
        %dma_wait3A_111 = tpu.memref_slice %arg3[%select_n3A_8, %dma_wait3A_110] : memref<2560x128xi32, #tpu.memory_space<hbm>> -> memref<1x128xi32, #tpu.memory_space<hbm>>
        %dma_wait3A_112 = tpu.memref_squeeze %dma_wait3A_111 : memref<1x128xi32, #tpu.memory_space<hbm>> -> memref<128xi32, #tpu.memory_space<hbm>>
        tpu.wait_dma2 semaphore(%arg16 : memref<!tpu.dma_semaphore, #tpu.memory_space<semaphore_mem>>) src(%dma_wait3A_112 : memref<128xi32, #tpu.memory_space<hbm>>) dst(%arg7 : memref<128xi32, #tpu.memory_space<vmem>>)
        %dma_start3A_113 = arith.constant 0 : i32
        %dma_start3A_114 = arith.constant 0 : i32
        %dma_start3A_115 = tpu.memref_slice %arg2[%dma_start3A_113, %dma_start3A_114] : memref<10240x128xf32, #tpu.memory_space<hbm>> -> memref<10240x128xf32, #tpu.memory_space<hbm>>
        tpu.enqueue_indirect_dma source(%dma_start3A_115 : memref<10240x128xf32, #tpu.memory_space<hbm>>) target(%arg11 : memref<128x128xf32, #tpu.memory_space<vmem>>) offsets(%arg7 : memref<128xi32, #tpu.memory_space<vmem>>) semaphore(%arg14 : memref<!tpu.dma_semaphore, #tpu.memory_space<semaphore_mem>>)
      } else {
      }
    }
    %barrier3A_49 = arith.constant 0 : index
    tpu.barrier barrier_id(%barrier3A_49)
    %mul3A_50 = arith.constant 640 : i32
    %mul3A_51 = arith.muli %arg1, %mul3A_50 : i32
    %mul3A_52 = arith.constant 640 : i32
    %mul3A_53 = arith.muli %arg1, %mul3A_52 : i32
    "tpu.region"() ({
      %run_scoped3A = tpu.sem_alloc : memref<!tpu.dma_semaphore, #tpu.memory_space<semaphore_mem>>
      %dma_start3A_54 = arith.constant 0 : i32
      %dma_start3A_55 = tpu.memref_slice %arg5[%arg0, %mul3A_53, %dma_start3A_54] : memref<2x10240x128xf32, #tpu.memory_space<hbm>> -> memref<1x640x128xf32, #tpu.memory_space<hbm>>
      %dma_start3A_56 = tpu.memref_squeeze %dma_start3A_55 : memref<1x640x128xf32, #tpu.memory_space<hbm>> -> memref<640x128xf32, #tpu.memory_space<hbm>>
      %dma_start3A_57 = arith.constant 0 : i32
      %dma_start3A_58 = tpu.memref_slice %arg12[%mul3A_51, %dma_start3A_57] : memref<10240x128xf32, #tpu.memory_space<vmem_shared>> -> memref<640x128xf32, #tpu.memory_space<vmem_shared>>
      tpu.enqueue_dma source(%dma_start3A_58 : memref<640x128xf32, #tpu.memory_space<vmem_shared>>) target(%dma_start3A_56 : memref<640x128xf32, #tpu.memory_space<hbm>>) target_semaphore(%run_scoped3A : memref<!tpu.dma_semaphore, #tpu.memory_space<semaphore_mem>>)
      %dma_wait3A = arith.constant 0 : i32
      %dma_wait3A_59 = tpu.memref_slice %arg5[%arg0, %mul3A_53, %dma_wait3A] : memref<2x10240x128xf32, #tpu.memory_space<hbm>> -> memref<1x640x128xf32, #tpu.memory_space<hbm>>
      %dma_wait3A_60 = tpu.memref_squeeze %dma_wait3A_59 : memref<1x640x128xf32, #tpu.memory_space<hbm>> -> memref<640x128xf32, #tpu.memory_space<hbm>>
      %dma_wait3A_61 = arith.constant 0 : i32
      %dma_wait3A_62 = tpu.memref_slice %arg12[%mul3A_51, %dma_wait3A_61] : memref<10240x128xf32, #tpu.memory_space<vmem_shared>> -> memref<640x128xf32, #tpu.memory_space<vmem_shared>>
      tpu.wait_dma2 semaphore(%run_scoped3A : memref<!tpu.dma_semaphore, #tpu.memory_space<semaphore_mem>>) src(%dma_wait3A_62 : memref<640x128xf32, #tpu.memory_space<vmem_shared>>) dst(%dma_wait3A_60 : memref<640x128xf32, #tpu.memory_space<hbm>>)
      tpu.yield
    }) : () -> ()
    return
  }
}

module attributes {stable_mosaic.version = 14 : i64} {
  func.func @body(%arg0: i32, %arg1: memref<2x2048x128xf32, #tpu.memory_space<vmem>>, %arg2: memref<2048x128xf32, #tpu.memory_space<vmem>>, %arg3: memref<2048x2xf32, #tpu.memory_space<vmem>>, %arg4: memref<1x128xf32, #tpu.memory_space<vmem>>, %arg5: memref<128x128xf32, #tpu.memory_space<vmem>>, %arg6: memref<2048x128xf32, #tpu.memory_space<vmem>>) attributes {dimension_semantics = [#tpu.dimension_semantics<arbitrary>], iteration_bounds = array<i64: 5>, scalar_prefetch = 0 : i64, scratch_operands = 0 : i64, tpu.core_type = #tpu.core_type<tc>, window_params = [{transform_indices = @transform_0, window_bounds = array<i64: 2, 2048, 128>}, {transform_indices = @transform_1, window_bounds = array<i64: 2048, 128>}, {transform_indices = @transform_2, window_bounds = array<i64: 2048, 2>}, {pipeline_mode = #tpu.pipeline_mode<synchronous>, transform_indices = @transform_3, window_bounds = array<i64: 1, 128>}, {pipeline_mode = #tpu.pipeline_mode<synchronous>, transform_indices = @transform_4, window_bounds = array<i64: 128, 128>}, {transform_indices = @transform_5, window_bounds = array<i64: 2048, 128>}]} {
    %get3A = arith.constant 0 : index
    %get3A_0 = arith.constant 0 : index
    %get3A_1 = vector.load %arg3[%get3A, %get3A_0] : memref<2048x2xf32, #tpu.memory_space<vmem>>, vector<2048x2xf32>
    %reduce_sum3A = arith.constant dense<0.000000e+00> : vector<2048xf32>
    %reduce_sum3A_2 = vector.multi_reduction <add>, %get3A_1, %reduce_sum3A [1] : vector<2048x2xf32> to vector<2048xf32>
    %broadcast_in_dim3A = vector.shape_cast %reduce_sum3A_2 : vector<2048xf32> to vector<2048x1xf32>
    %add3A = arith.constant 1.000000e+00 : f32
    %add3A_3 = vector.broadcast %add3A : f32 to vector<2048x1xf32>
    %add3A_4 = arith.addf %broadcast_in_dim3A, %add3A_3 : vector<2048x1xf32>
    %iota3A = tpu.iota {dimensions = array<i32: 0>} : vector<2048x1xi32>
    %mul3A = arith.constant 2048 : i32
    %mul3A_5 = arith.muli %arg0, %mul3A : i32
    %add3A_6 = vector.broadcast %mul3A_5 : i32 to vector<2048x1xi32>
    %add3A_7 = arith.addi %iota3A, %add3A_6 : vector<2048x1xi32>
    %lt3A = arith.constant 10000 : i32
    %lt3A_8 = vector.broadcast %lt3A : i32 to vector<2048x1xi32>
    %lt3A_9 = arith.cmpi slt, %add3A_7, %lt3A_8 : vector<2048x1xi32>
    %rsqrt3A = math.rsqrt %add3A_4 : vector<2048x1xf32>
    %jit3A = arith.constant 0.000000e+00 : f32
    %broadcast_in_dim3A_10 = vector.broadcast %jit3A : f32 to vector<2048x1xf32>
    %select_n3A = arith.select %lt3A_9, %rsqrt3A, %broadcast_in_dim3A_10 : vector<2048x1xi1>, vector<2048x1xf32>
    %get3A_11 = arith.constant 0 : index
    %get3A_12 = arith.constant 0 : index
    %get3A_13 = arith.constant 0 : index
    %get3A_14 = vector.load %arg1[%get3A_11, %get3A_12, %get3A_13] : memref<2x2048x128xf32, #tpu.memory_space<vmem>>, vector<1x2048x128xf32>
    %get3A_15 = vector.shape_cast %get3A_14 : vector<1x2048x128xf32> to vector<2048x128xf32>
    %get3A_16 = arith.constant 1 : index
    %get3A_17 = arith.constant 0 : index
    %get3A_18 = arith.constant 0 : index
    %get3A_19 = vector.load %arg1[%get3A_16, %get3A_17, %get3A_18] : memref<2x2048x128xf32, #tpu.memory_space<vmem>>, vector<1x2048x128xf32>
    %get3A_20 = vector.shape_cast %get3A_19 : vector<1x2048x128xf32> to vector<2048x128xf32>
    %add3A_21 = arith.addf %get3A_15, %get3A_20 : vector<2048x128xf32>
    %get3A_22 = arith.constant 0 : index
    %get3A_23 = arith.constant 0 : index
    %get3A_24 = vector.load %arg2[%get3A_22, %get3A_23] : memref<2048x128xf32, #tpu.memory_space<vmem>>, vector<2048x128xf32>
    %sub3A = arith.subf %add3A_21, %get3A_24 : vector<2048x128xf32>
    %mul3A_25 = vector.broadcast %select_n3A : vector<2048x1xf32> to vector<2048x128xf32>
    %mul3A_26 = arith.mulf %mul3A_25, %sub3A : vector<2048x128xf32>
    %get3A_27 = arith.constant 0 : index
    %get3A_28 = arith.constant 0 : index
    %get3A_29 = vector.load %arg4[%get3A_27, %get3A_28] : memref<1x128xf32, #tpu.memory_space<vmem>>, vector<1x128xf32>
    %add3A_30 = vector.broadcast %get3A_29 : vector<1x128xf32> to vector<2048x128xf32>
    %add3A_31 = arith.addf %mul3A_26, %add3A_30 : vector<2048x128xf32>
    %max3A = arith.constant 0.000000e+00 : f32
    %max3A_32 = vector.broadcast %max3A : f32 to vector<2048x128xf32>
    %max3A_33 = arith.maximumf %add3A_31, %max3A_32 : vector<2048x128xf32>
    %get3A_34 = arith.constant 0 : index
    %get3A_35 = arith.constant 0 : index
    %get3A_36 = vector.load %arg5[%get3A_34, %get3A_35] : memref<128x128xf32, #tpu.memory_space<vmem>>, vector<128x128xf32>
    %dot_general3A = arith.constant dense<0.000000e+00> : vector<2048x128xf32>
    %dot_general3A_37 = tpu.matmul %max3A_33, %get3A_36, %dot_general3A {dimension_numbers = #tpu.dot_dimension_numbers<[1], [0], [0], [1], [0, 0, 1, 1], [], []>, transpose_lhs_hint = false} : vector<2048x128xf32>, vector<128x128xf32>, vector<2048x128xf32> -> vector<2048x128xf32>
    %mul3A_38 = vector.broadcast %select_n3A : vector<2048x1xf32> to vector<2048x128xf32>
    %mul3A_39 = arith.mulf %dot_general3A_37, %mul3A_38 : vector<2048x128xf32>
    %swap3A = arith.constant 0 : index
    %swap3A_40 = arith.constant 0 : index
    %swap3A_41 = vector.load %arg6[%swap3A, %swap3A_40] : memref<2048x128xf32, #tpu.memory_space<vmem>>, vector<2048x128xf32>
    tpu.vector_store %arg6[%swap3A, %swap3A_40], %mul3A_39 {strides = array<i32>} : memref<2048x128xf32, #tpu.memory_space<vmem>>, vector<2048x128xf32>,
    return
  }
  func.func @transform_0(%arg0: i32) -> (i32, i32, i32) {
    %c0_i32 = arith.constant 0 : i32
    %c0_i32_0 = arith.constant 0 : i32
    %c0_i32_1 = arith.constant 0 : i32
    return %c0_i32, %arg0, %c0_i32_0 : i32, i32, i32
  }
  func.func @transform_1(%arg0: i32) -> (i32, i32) {
    %c0_i32 = arith.constant 0 : i32
    %c0_i32_0 = arith.constant 0 : i32
    return %arg0, %c0_i32 : i32, i32
  }
  func.func @transform_2(%arg0: i32) -> (i32, i32) {
    %c0_i32 = arith.constant 0 : i32
    %c0_i32_0 = arith.constant 0 : i32
    return %arg0, %c0_i32 : i32, i32
  }
  func.func @transform_3(%arg0: i32) -> (i32, i32) {
    %c0_i32 = arith.constant 0 : i32
    %c0_i32_0 = arith.constant 0 : i32
    %c0_i32_1 = arith.constant 0 : i32
    return %c0_i32, %c0_i32_0 : i32, i32
  }
  func.func @transform_4(%arg0: i32) -> (i32, i32) {
    %c0_i32 = arith.constant 0 : i32
    %c0_i32_0 = arith.constant 0 : i32
    %c0_i32_1 = arith.constant 0 : i32
    return %c0_i32, %c0_i32_0 : i32, i32
  }
  func.func @transform_5(%arg0: i32) -> (i32, i32) {
    %c0_i32 = arith.constant 0 : i32
    %c0_i32_0 = arith.constant 0 : i32
    return %arg0, %c0_i32 : i32, i32
  }
}

module attributes {stable_mosaic.version = 14 : i64} {
  func.func @body(%arg0: i32, %arg1: memref<2048x128xf32, #tpu.memory_space<vmem>>, %arg2: memref<128x128xf32, #tpu.memory_space<vmem>>, %arg3: memref<2048x2xf32, #tpu.memory_space<vmem>>, %arg4: memref<2048x128xf32, #tpu.memory_space<vmem>>) attributes {dimension_semantics = [#tpu.dimension_semantics<arbitrary>], iteration_bounds = array<i64: 5>, scalar_prefetch = 0 : i64, scratch_operands = 0 : i64, tpu.core_type = #tpu.core_type<tc>, window_params = [{transform_indices = @transform_0, window_bounds = array<i64: 2048, 128>}, {pipeline_mode = #tpu.pipeline_mode<synchronous>, transform_indices = @transform_1, window_bounds = array<i64: 128, 128>}, {transform_indices = @transform_2, window_bounds = array<i64: 2048, 2>}, {transform_indices = @transform_3, window_bounds = array<i64: 2048, 128>}]} {
    %get3A = arith.constant 0 : index
    %get3A_0 = arith.constant 0 : index
    %get3A_1 = vector.load %arg3[%get3A, %get3A_0] : memref<2048x2xf32, #tpu.memory_space<vmem>>, vector<2048x2xf32>
    %reduce_sum3A = arith.constant dense<0.000000e+00> : vector<2048xf32>
    %reduce_sum3A_2 = vector.multi_reduction <add>, %get3A_1, %reduce_sum3A [1] : vector<2048x2xf32> to vector<2048xf32>
    %broadcast_in_dim3A = vector.shape_cast %reduce_sum3A_2 : vector<2048xf32> to vector<2048x1xf32>
    %add3A = arith.constant 1.000000e+00 : f32
    %add3A_3 = vector.broadcast %add3A : f32 to vector<2048x1xf32>
    %add3A_4 = arith.addf %broadcast_in_dim3A, %add3A_3 : vector<2048x1xf32>
    %iota3A = tpu.iota {dimensions = array<i32: 0>} : vector<2048x1xi32>
    %mul3A = arith.constant 2048 : i32
    %mul3A_5 = arith.muli %arg0, %mul3A : i32
    %add3A_6 = vector.broadcast %mul3A_5 : i32 to vector<2048x1xi32>
    %add3A_7 = arith.addi %iota3A, %add3A_6 : vector<2048x1xi32>
    %lt3A = arith.constant 10000 : i32
    %lt3A_8 = vector.broadcast %lt3A : i32 to vector<2048x1xi32>
    %lt3A_9 = arith.cmpi slt, %add3A_7, %lt3A_8 : vector<2048x1xi32>
    %rsqrt3A = math.rsqrt %add3A_4 : vector<2048x1xf32>
    %jit3A = arith.constant 0.000000e+00 : f32
    %broadcast_in_dim3A_10 = vector.broadcast %jit3A : f32 to vector<2048x1xf32>
    %select_n3A = arith.select %lt3A_9, %rsqrt3A, %broadcast_in_dim3A_10 : vector<2048x1xi1>, vector<2048x1xf32>
    %get3A_11 = arith.constant 0 : index
    %get3A_12 = arith.constant 0 : index
    %get3A_13 = vector.load %arg1[%get3A_11, %get3A_12] : memref<2048x128xf32, #tpu.memory_space<vmem>>, vector<2048x128xf32>
    %get3A_14 = arith.constant 0 : index
    %get3A_15 = arith.constant 0 : index
    %get3A_16 = vector.load %arg2[%get3A_14, %get3A_15] : memref<128x128xf32, #tpu.memory_space<vmem>>, vector<128x128xf32>
    %dot_general3A = arith.constant dense<0.000000e+00> : vector<2048x128xf32>
    %dot_general3A_17 = tpu.matmul %get3A_13, %get3A_16, %dot_general3A {dimension_numbers = #tpu.dot_dimension_numbers<[1], [0], [0], [1], [0, 0, 1, 1], [], []>, transpose_lhs_hint = false} : vector<2048x128xf32>, vector<128x128xf32>, vector<2048x128xf32> -> vector<2048x128xf32>
    %mul3A_18 = vector.broadcast %select_n3A : vector<2048x1xf32> to vector<2048x128xf32>
    %mul3A_19 = arith.mulf %dot_general3A_17, %mul3A_18 : vector<2048x128xf32>
    %swap3A = arith.constant 0 : index
    %swap3A_20 = arith.constant 0 : index
    %swap3A_21 = vector.load %arg4[%swap3A, %swap3A_20] : memref<2048x128xf32, #tpu.memory_space<vmem>>, vector<2048x128xf32>
    tpu.vector_store %arg4[%swap3A, %swap3A_20], %mul3A_19 {strides = array<i32>} : memref<2048x128xf32, #tpu.memory_space<vmem>>, vector<2048x128xf32>,
    return
  }
  func.func @transform_0(%arg0: i32) -> (i32, i32) {
    %c0_i32 = arith.constant 0 : i32
    %c0_i32_0 = arith.constant 0 : i32
    return %arg0, %c0_i32 : i32, i32
  }
  func.func @transform_1(%arg0: i32) -> (i32, i32) {
    %c0_i32 = arith.constant 0 : i32
    %c0_i32_0 = arith.constant 0 : i32
    %c0_i32_1 = arith.constant 0 : i32
    return %c0_i32, %c0_i32_0 : i32, i32
  }
  func.func @transform_2(%arg0: i32) -> (i32, i32) {
    %c0_i32 = arith.constant 0 : i32
    %c0_i32_0 = arith.constant 0 : i32
    return %arg0, %c0_i32 : i32, i32
  }
  func.func @transform_3(%arg0: i32) -> (i32, i32) {
    %c0_i32 = arith.constant 0 : i32
    %c0_i32_0 = arith.constant 0 : i32
    return %arg0, %c0_i32 : i32, i32
  }
}

module attributes {stable_mosaic.version = 14 : i64} {
  func.func @body(%arg0: i32, %arg1: memref<2x2048x128xf32, #tpu.memory_space<vmem>>, %arg2: memref<2048x128xf32, #tpu.memory_space<vmem>>, %arg3: memref<2048x2xf32, #tpu.memory_space<vmem>>, %arg4: memref<1x128xf32, #tpu.memory_space<vmem>>, %arg5: memref<2048x1xi32, #tpu.memory_space<vmem>>, %arg6: memref<128x1xf32, #tpu.memory_space<vmem>>, %arg7: memref<1x1xf32, #tpu.memory_space<vmem>>, %arg8: memref<64x1xf32, #tpu.memory_space<vmem>>, %arg9: memref<64x128xf32, #tpu.memory_space<vmem>>, %arg10: memref<64x128xf32, #tpu.memory_space<vmem>>) attributes {dimension_semantics = [#tpu.dimension_semantics<arbitrary>], iteration_bounds = array<i64: 5>, scalar_prefetch = 0 : i64, scratch_operands = 2 : i64, tpu.core_type = #tpu.core_type<tc>, window_params = [{transform_indices = @transform_0, window_bounds = array<i64: 2, 2048, 128>}, {transform_indices = @transform_1, window_bounds = array<i64: 2048, 128>}, {transform_indices = @transform_2, window_bounds = array<i64: 2048, 2>}, {pipeline_mode = #tpu.pipeline_mode<synchronous>, transform_indices = @transform_3, window_bounds = array<i64: 1, 128>}, {transform_indices = @transform_4, window_bounds = array<i64: 2048, 1>}, {pipeline_mode = #tpu.pipeline_mode<synchronous>, transform_indices = @transform_5, window_bounds = array<i64: 128, 1>}, {pipeline_mode = #tpu.pipeline_mode<synchronous>, transform_indices = @transform_6, window_bounds = array<i64: 1, 1>}, {pipeline_mode = #tpu.pipeline_mode<synchronous>, transform_indices = @transform_7, window_bounds = array<i64: 64, 1>}]} {
    %eq3A = arith.constant 0 : i32
    %eq3A_0 = arith.cmpi eq, %arg0, %eq3A : i32
    %convert_element_type3A = arith.extui %eq3A_0 : i1 to i32
    %cond3A = arith.constant 0 : i32
    %cond3A_1 = arith.cmpi ne, %convert_element_type3A, %cond3A : i32
    scf.if %cond3A_1 {
      %broadcast_in_dim3A_71 = arith.constant 0.000000e+00 : f32
      %broadcast_in_dim3A_72 = vector.broadcast %broadcast_in_dim3A_71 : f32 to vector<64x128xf32>
      %swap3A_73 = arith.constant 0 : index
      %swap3A_74 = arith.constant 0 : index
      %swap3A_75 = vector.load %arg9[%swap3A_73, %swap3A_74] : memref<64x128xf32, #tpu.memory_space<vmem>>, vector<64x128xf32>
      tpu.vector_store %arg9[%swap3A_73, %swap3A_74], %broadcast_in_dim3A_72 {strides = array<i32>} : memref<64x128xf32, #tpu.memory_space<vmem>>, vector<64x128xf32>,
      %broadcast_in_dim3A_76 = arith.constant 0.000000e+00 : f32
      %broadcast_in_dim3A_77 = vector.broadcast %broadcast_in_dim3A_76 : f32 to vector<64x128xf32>
      %swap3A_78 = arith.constant 0 : index
      %swap3A_79 = arith.constant 0 : index
      %swap3A_80 = vector.load %arg10[%swap3A_78, %swap3A_79] : memref<64x128xf32, #tpu.memory_space<vmem>>, vector<64x128xf32>
      tpu.vector_store %arg10[%swap3A_78, %swap3A_79], %broadcast_in_dim3A_77 {strides = array<i32>} : memref<64x128xf32, #tpu.memory_space<vmem>>, vector<64x128xf32>,
    } else {
    }
    %get3A = arith.constant 0 : index
    %get3A_2 = arith.constant 0 : index
    %get3A_3 = vector.load %arg3[%get3A, %get3A_2] : memref<2048x2xf32, #tpu.memory_space<vmem>>, vector<2048x2xf32>
    %reduce_sum3A = arith.constant dense<0.000000e+00> : vector<2048xf32>
    %reduce_sum3A_4 = vector.multi_reduction <add>, %get3A_3, %reduce_sum3A [1] : vector<2048x2xf32> to vector<2048xf32>
    %broadcast_in_dim3A = vector.shape_cast %reduce_sum3A_4 : vector<2048xf32> to vector<2048x1xf32>
    %add3A = arith.constant 1.000000e+00 : f32
    %add3A_5 = vector.broadcast %add3A : f32 to vector<2048x1xf32>
    %add3A_6 = arith.addf %broadcast_in_dim3A, %add3A_5 : vector<2048x1xf32>
    %iota3A = tpu.iota {dimensions = array<i32: 0>} : vector<2048x1xi32>
    %mul3A = arith.constant 2048 : i32
    %mul3A_7 = arith.muli %arg0, %mul3A : i32
    %add3A_8 = vector.broadcast %mul3A_7 : i32 to vector<2048x1xi32>
    %add3A_9 = arith.addi %iota3A, %add3A_8 : vector<2048x1xi32>
    %lt3A = arith.constant 10000 : i32
    %lt3A_10 = vector.broadcast %lt3A : i32 to vector<2048x1xi32>
    %lt3A_11 = arith.cmpi slt, %add3A_9, %lt3A_10 : vector<2048x1xi32>
    %rsqrt3A = math.rsqrt %add3A_6 : vector<2048x1xf32>
    %jit3A = arith.constant 0.000000e+00 : f32
    %broadcast_in_dim3A_12 = vector.broadcast %jit3A : f32 to vector<2048x1xf32>
    %select_n3A = arith.select %lt3A_11, %rsqrt3A, %broadcast_in_dim3A_12 : vector<2048x1xi1>, vector<2048x1xf32>
    %get3A_13 = arith.constant 0 : index
    %get3A_14 = arith.constant 0 : index
    %get3A_15 = arith.constant 0 : index
    %get3A_16 = vector.load %arg1[%get3A_13, %get3A_14, %get3A_15] : memref<2x2048x128xf32, #tpu.memory_space<vmem>>, vector<1x2048x128xf32>
    %get3A_17 = vector.shape_cast %get3A_16 : vector<1x2048x128xf32> to vector<2048x128xf32>
    %get3A_18 = arith.constant 1 : index
    %get3A_19 = arith.constant 0 : index
    %get3A_20 = arith.constant 0 : index
    %get3A_21 = vector.load %arg1[%get3A_18, %get3A_19, %get3A_20] : memref<2x2048x128xf32, #tpu.memory_space<vmem>>, vector<1x2048x128xf32>
    %get3A_22 = vector.shape_cast %get3A_21 : vector<1x2048x128xf32> to vector<2048x128xf32>
    %add3A_23 = arith.addf %get3A_17, %get3A_22 : vector<2048x128xf32>
    %get3A_24 = arith.constant 0 : index
    %get3A_25 = arith.constant 0 : index
    %get3A_26 = vector.load %arg2[%get3A_24, %get3A_25] : memref<2048x128xf32, #tpu.memory_space<vmem>>, vector<2048x128xf32>
    %sub3A = arith.subf %add3A_23, %get3A_26 : vector<2048x128xf32>
    %mul3A_27 = vector.broadcast %select_n3A : vector<2048x1xf32> to vector<2048x128xf32>
    %mul3A_28 = arith.mulf %mul3A_27, %sub3A : vector<2048x128xf32>
    %get3A_29 = arith.constant 0 : index
    %get3A_30 = arith.constant 0 : index
    %get3A_31 = vector.load %arg4[%get3A_29, %get3A_30] : memref<1x128xf32, #tpu.memory_space<vmem>>, vector<1x128xf32>
    %add3A_32 = vector.broadcast %get3A_31 : vector<1x128xf32> to vector<2048x128xf32>
    %add3A_33 = arith.addf %mul3A_28, %add3A_32 : vector<2048x128xf32>
    %max3A = arith.constant 0.000000e+00 : f32
    %max3A_34 = vector.broadcast %max3A : f32 to vector<2048x128xf32>
    %max3A_35 = arith.maximumf %add3A_33, %max3A_34 : vector<2048x128xf32>
    %get3A_36 = arith.constant 0 : index
    %get3A_37 = arith.constant 0 : index
    %get3A_38 = vector.load %arg5[%get3A_36, %get3A_37] : memref<2048x1xi32, #tpu.memory_space<vmem>>, vector<2048x1xi32>
    %iota3A_39 = tpu.iota {dimensions = array<i32: 1>} : vector<2048x64xi32>
    %eq3A_40 = vector.broadcast %get3A_38 : vector<2048x1xi32> to vector<2048x64xi32>
    %eq3A_41 = arith.cmpi eq, %eq3A_40, %iota3A_39 : vector<2048x64xi32>
    %and3A = vector.broadcast %lt3A_11 : vector<2048x1xi1> to vector<2048x64xi1>
    %and3A_42 = arith.andi %eq3A_41, %and3A : vector<2048x64xi1>
    %jit3A_43 = arith.constant 1.000000e+00 : f32
    %jit3A_44 = arith.constant 0.000000e+00 : f32
    %broadcast_in_dim3A_45 = vector.broadcast %jit3A_43 : f32 to vector<2048x64xf32>
    %broadcast_in_dim3A_46 = vector.broadcast %jit3A_44 : f32 to vector<2048x64xf32>
    %select_n3A_47 = arith.select %and3A_42, %broadcast_in_dim3A_45, %broadcast_in_dim3A_46 : vector<2048x64xi1>, vector<2048x64xf32>
    %get3A_48 = arith.constant 0 : index
    %get3A_49 = arith.constant 0 : index
    %get3A_50 = vector.load %arg9[%get3A_48, %get3A_49] : memref<64x128xf32, #tpu.memory_space<vmem>>, vector<64x128xf32>
    %dot_general3A = arith.constant dense<0.000000e+00> : vector<64x128xf32>
    %dot_general3A_51 = tpu.matmul %select_n3A_47, %max3A_35, %dot_general3A {dimension_numbers = #tpu.dot_dimension_numbers<[0], [0], [1], [1], [0, 1, 1, 1], [], []>, transpose_lhs_hint = false} : vector<2048x64xf32>, vector<2048x128xf32>, vector<64x128xf32> -> vector<64x128xf32>
    %add3A_52 = arith.addf %get3A_50, %dot_general3A_51 : vector<64x128xf32>
    %swap3A = arith.constant 0 : index
    %swap3A_53 = arith.constant 0 : index
    %swap3A_54 = vector.load %arg9[%swap3A, %swap3A_53] : memref<64x128xf32, #tpu.memory_space<vmem>>, vector<64x128xf32>
    tpu.vector_store %arg9[%swap3A, %swap3A_53], %add3A_52 {strides = array<i32>} : memref<64x128xf32, #tpu.memory_space<vmem>>, vector<64x128xf32>,
    %get3A_55 = arith.constant 0 : index
    %get3A_56 = arith.constant 0 : index
    %get3A_57 = vector.load %arg10[%get3A_55, %get3A_56] : memref<64x128xf32, #tpu.memory_space<vmem>>, vector<64x128xf32>
    %broadcast_in_dim3A_58 = arith.constant 1.000000e+00 : f32
    %broadcast_in_dim3A_59 = vector.broadcast %broadcast_in_dim3A_58 : f32 to vector<2048x128xf32>
    %dot_general3A_60 = arith.constant dense<0.000000e+00> : vector<64x128xf32>
    %dot_general3A_61 = tpu.matmul %select_n3A_47, %broadcast_in_dim3A_59, %dot_general3A_60 {dimension_numbers = #tpu.dot_dimension_numbers<[0], [0], [1], [1], [0, 1, 1, 1], [], []>, transpose_lhs_hint = false} : vector<2048x64xf32>, vector<2048x128xf32>, vector<64x128xf32> -> vector<64x128xf32>
    %add3A_62 = arith.addf %get3A_57, %dot_general3A_61 : vector<64x128xf32>
    %swap3A_63 = arith.constant 0 : index
    %swap3A_64 = arith.constant 0 : index
    %swap3A_65 = vector.load %arg10[%swap3A_63, %swap3A_64] : memref<64x128xf32, #tpu.memory_space<vmem>>, vector<64x128xf32>
    tpu.vector_store %arg10[%swap3A_63, %swap3A_64], %add3A_62 {strides = array<i32>} : memref<64x128xf32, #tpu.memory_space<vmem>>, vector<64x128xf32>,
    %eq3A_66 = arith.constant 4 : i32
    %eq3A_67 = arith.cmpi eq, %arg0, %eq3A_66 : i32
    %convert_element_type3A_68 = arith.extui %eq3A_67 : i1 to i32
    %cond3A_69 = arith.constant 0 : i32
    %cond3A_70 = arith.cmpi ne, %convert_element_type3A_68, %cond3A_69 : i32
    scf.if %cond3A_70 {
      %get3A_71 = arith.constant 0 : index
      %get3A_72 = arith.constant 0 : index
      %get3A_73 = vector.load %arg9[%get3A_71, %get3A_72] : memref<64x128xf32, #tpu.memory_space<vmem>>, vector<64x128xf32>
      %get3A_74 = arith.constant 0 : index
      %get3A_75 = arith.constant 0 : index
      %get3A_76 = vector.load %arg10[%get3A_74, %get3A_75] : memref<64x128xf32, #tpu.memory_space<vmem>>, vector<64x128xf32>
      %max3A_77 = arith.constant 1.000000e+00 : f32
      %max3A_78 = vector.broadcast %max3A_77 : f32 to vector<64x128xf32>
      %max3A_79 = arith.maximumf %get3A_76, %max3A_78 : vector<64x128xf32>
      %div3A = arith.divf %get3A_73, %max3A_79 : vector<64x128xf32>
      %get3A_80 = arith.constant 0 : index
      %get3A_81 = arith.constant 0 : index
      %get3A_82 = vector.load %arg6[%get3A_80, %get3A_81] : memref<128x1xf32, #tpu.memory_space<vmem>>, vector<128x1xf32>
      %dot_general3A_83 = arith.constant dense<0.000000e+00> : vector<64x1xf32>
      %dot_general3A_84 = tpu.matmul %div3A, %get3A_82, %dot_general3A_83 {dimension_numbers = #tpu.dot_dimension_numbers<[1], [0], [0], [1], [0, 0, 1, 1], [], []>, transpose_lhs_hint = false} : vector<64x128xf32>, vector<128x1xf32>, vector<64x1xf32> -> vector<64x1xf32>
      %get3A_85 = arith.constant 0 : index
      %get3A_86 = arith.constant 0 : index
      %get3A_87 = vector.load %arg7[%get3A_85, %get3A_86] : memref<1x1xf32, #tpu.memory_space<vmem>>, vector<1x1xf32>
      %add3A_88 = vector.broadcast %get3A_87 : vector<1x1xf32> to vector<64x1xf32>
      %add3A_89 = arith.addf %dot_general3A_84, %add3A_88 : vector<64x1xf32>
      %swap3A_90 = arith.constant 0 : index
      %swap3A_91 = arith.constant 0 : index
      %swap3A_92 = vector.load %arg8[%swap3A_90, %swap3A_91] : memref<64x1xf32, #tpu.memory_space<vmem>>, vector<64x1xf32>
      tpu.vector_store %arg8[%swap3A_90, %swap3A_91], %add3A_89 {strides = array<i32>} : memref<64x1xf32, #tpu.memory_space<vmem>>, vector<64x1xf32>,
    } else {
    }
    return
  }
  func.func @transform_0(%arg0: i32) -> (i32, i32, i32) {
    %c0_i32 = arith.constant 0 : i32
    %c0_i32_0 = arith.constant 0 : i32
    %c0_i32_1 = arith.constant 0 : i32
    return %c0_i32, %arg0, %c0_i32_0 : i32, i32, i32
  }
  func.func @transform_1(%arg0: i32) -> (i32, i32) {
    %c0_i32 = arith.constant 0 : i32
    %c0_i32_0 = arith.constant 0 : i32
    return %arg0, %c0_i32 : i32, i32
  }
  func.func @transform_2(%arg0: i32) -> (i32, i32) {
    %c0_i32 = arith.constant 0 : i32
    %c0_i32_0 = arith.constant 0 : i32
    return %arg0, %c0_i32 : i32, i32
  }
  func.func @transform_3(%arg0: i32) -> (i32, i32) {
    %c0_i32 = arith.constant 0 : i32
    %c0_i32_0 = arith.constant 0 : i32
    %c0_i32_1 = arith.constant 0 : i32
    return %c0_i32, %c0_i32_0 : i32, i32
  }
  func.func @transform_4(%arg0: i32) -> (i32, i32) {
    %c0_i32 = arith.constant 0 : i32
    %c0_i32_0 = arith.constant 0 : i32
    return %arg0, %c0_i32 : i32, i32
  }
  func.func @transform_5(%arg0: i32) -> (i32, i32) {
    %c0_i32 = arith.constant 0 : i32
    %c0_i32_0 = arith.constant 0 : i32
    %c0_i32_1 = arith.constant 0 : i32
    return %c0_i32, %c0_i32_0 : i32, i32
  }
  func.func @transform_6(%arg0: i32) -> (i32, i32) {
    %c0_i32 = arith.constant 0 : i32
    %c0_i32_0 = arith.constant 0 : i32
    %c0_i32_1 = arith.constant 0 : i32
    return %c0_i32, %c0_i32_0 : i32, i32
  }
  func.func @transform_7(%arg0: i32) -> (i32, i32) {
    %c0_i32 = arith.constant 0 : i32
    %c0_i32_0 = arith.constant 0 : i32
    %c0_i32_1 = arith.constant 0 : i32
    return %c0_i32, %c0_i32_0 : i32, i32
  }
}

</mosaic_0001>

<sc_bundles>
// kernel: kernel.11.cloned.1.call-start
scs
__scs_entry_jumppad:
0x0: {  	(pc) =	sbr.rel $0x88, $3  }
0x1: {  	(tag) =	ssettag $0x0;
	lr =	simm.s32 $0x1  }
0x2: {  	[smem:$0x3F98] =	sst lr;
	_ =	strace $0xD0000000  }
0x3: {  	_ = 	snop  }
0x4: {  	_ = 	snop  }
0x5: {  	_ = 	snop  }
0x6: {  	_ = 	snop  }
0x7: {  	_ = 	snop  }
__scs_overlays_trampoline_lowered:
0x8: {  	[smem:$0x3FA7] =	sst s0  }
0x9: {  	[smem:$0x3FA8] =	sst s1  }
0xa: {  	[smem:$0x3FA9] =	sst s2  }
0xb: {  	[smem:$0x3FAA] =	sst s3  }
0xc: {  	[smem:$0x3FAB] =	sst s4  }
0xd: {  	[smem:$0x3FAC] =	sst s5  }
0xe: {  	[smem:$0x3FAD] =	sst s6  }
0xf: {  	[smem:$0x3FAE] =	sst s7  }
0x10: {  	[smem:$0x3FAF] =	sst s8  }
0x11: {  	[smem:$0x3FB0] =	sst s9;
	s0 =	simm.s32 @!p0 $0x0  }
0x12: {  	s1 =	sld [smem:$0x3F96];
	s0 =	simm.s32 @p0 $0x1  }
0x13: {  	[smem:$0x3FB1] =	sst s0;
	s0 =	simm.s32 @!p1 $0x0  }
0x14: {  	s2 =	sld [smem:$0x3F95];
	s0 =	simm.s32 @p1 $0x1  }
0x15: {  	[smem:$0x3FB2] =	sst s0;
	s0 =	simm.s32 @!p2 $0x0  }
0x16: {  	s3 =	sld [smem:$0x3FDB];
	s0 =	simm.s32 @p2 $0x1  }
0x17: {  	s4 =	simm.s32 $0x1BF5;
	[smem:$0x3FB4] =	sst s0  }
0x18: {  	s0 =	sld [smem:$0x3F97];
	_ =	swait.ge [sflag:s4], $0x0  }
0x19: {  	s7 =	sld [smem:$0x3F98]  }
0x1a: {  	s8 =	sadd.s32 $0xFFFFE003, lr  }
0x1b: {  	s9 =	sadd.s32 $0xFFFFFEF7, lr;
	s5 =	simm.s32 $0xFFFFFFFF;
	p2 =	slt.u32 s8, $0xFFFFF086  }
0x1c: {  	p1 =	slt.u32 s9, $0xF7A;
	s5 =	simm.s32 @!p2 $0x0  }
0x1d: {  	s5 =	simm.s32 @p1 $0x1;
	p0 =	seq.s32 s7, s2  }
0x1e: {  	s7 =	smul.u32 @!p0 $0xF7A, s2;
	p2 =	seq.s32 @!p0 s5, $0x0  }
0x1f: {  	s9 =	smul.u32 $0xF7A, s1;
	s8 =	simm.s32 @!p0 $0x1BF5;
	p2 =	por !p2, p0  }
0x20: {  	[sflag:s8] =	ssyncset.s32 @!p0 $0xFFFFF086;
	s6 =	sadd.s32 @!p0 s3, s7;
	s7 =	simm.s32 @!p0 $0x108  }
0x21: {  	s3 =	sadd.s32 s3, s9;
	s6 =	sadd.s32 @!p0 $0x88, s6;
	s7 =	simm.s32 @p2 $0x1082  }
0x22: {  	[simem:s7], [sflag:s8] =	dma.local @!p0 [hbm:s6], $0xF7A  }
0x23: {  	s9 =	sor.u32 $0xD0000000, s2;
	s6 =	simm.s32 $0x108;
	_ =	swait.ge @!p0 [sflag:s8], $0x0  }
0x24: {  	s3 =	sadd.s32 $0x88, s3;
	s6 =	simm.s32 @!p1 $0x1082;
	[sflag:s4] =	ssyncset.s32 $0xFFFFF086  }
0x25: {  	[simem:s6], [sflag:s4] =	dma.local [hbm:s3], $0xF7A  }
0x26: {  	[smem:$0x3F98] =	sst s1;
	(tag) =	ssettag s2;
	_ =	strace s9  }
0x27: {  	s1 =	sld [smem:$0x3FA8]  }
0x28: {  	s2 =	sld [smem:$0x3FA9]  }
0x29: {  	s4 =	sld [smem:$0x3FAB]  }
0x2a: {  	p0 =	seq.s32 s5, $0x0;
	s5 =	sld [smem:$0x3FAC]  }
0x2b: {  	s6 =	sld [smem:$0x3FAD]  }
0x2c: {  	s7 =	sld [smem:$0x3FAE]  }
0x2d: {  	s3 =	simm.s32 $0x108;
	s8 =	sld [smem:$0x3FAF]  }
0x2e: {  	s3 =	simm.s32 @!p0 $0x1082;
	s9 =	sld [smem:$0x3FB0]  }
0x2f: {  	lr =	sadd.s32 s0, s3;
	s0 =	sld [smem:$0x3FA7]  }
0x30: {  	s3 =	sld [smem:$0x3FAA]  }
0x31: {  	[smem:$0x3FB3] =	sst s10  }
0x32: {  	s10 =	sld [smem:$0x3FB1];
	_ =	sdelay $0x3  }
0x33: {  	p0 =	seq.s32 s10, $0x1;
	s10 =	sld [smem:$0x3FB3];
	_ =	sdelay $0x3  }
0x34: {  	[smem:$0x3FB3] =	sst s10  }
0x35: {  	s10 =	sld [smem:$0x3FB2];
	_ =	sdelay $0x3  }
0x36: {  	p1 =	seq.s32 s10, $0x1;
	s10 =	sld [smem:$0x3FB3];
	_ =	sdelay $0x3  }
0x37: {  	[smem:$0x3FB3] =	sst s10  }
0x38: {  	s10 =	sld [smem:$0x3FB4]  }
0x39: {  	_ = 	snop;
	(pc) =	sbr.ind lr, $3  }
0x3a: {  	_ = 	snop  }
0x3b: {  	_ = 	snop  }
0x3c: {  	p2 =	seq.s32 s10, $0x1;
	s10 =	sld [smem:$0x3FB3]  }
0x3d: {  	_ =	shalt  }
0x3e: {  	_ =	shalt  }
0x3f: {  	_ =	shalt  }
0x40: {  	_ =	shalt  }
0x41: {  	_ =	shalt  }
0x42: {  	_ =	shalt  }
0x43: {  	_ =	shalt  }
0x44: {  	_ =	shalt  }
0x45: {  	_ =	shalt  }
0x46: {  	_ =	shalt  }
0x47: {  	_ =	shalt  }
0x48: {  	_ =	shalt  }
0x49: {  	_ =	shalt  }
0x4a: {  	_ =	shalt  }
0x4b: {  	_ =	shalt  }
0x4c: {  	_ =	shalt  }
0x4d: {  	_ =	shalt  }
0x4e: {  	_ =	shalt  }
0x4f: {  	_ =	shalt  }
0x50: {  	_ =	shalt  }
0x51: {  	_ =	shalt  }
0x52: {  	_ =	shalt  }
0x53: {  	_ =	shalt  }
0x54: {  	_ =	shalt  }
0x55: {  	_ =	shalt  }
0x56: {  	_ =	shalt  }
0x57: {  	_ =	shalt  }
0x58: {  	_ =	shalt  }
0x59: {  	_ =	shalt  }
0x5a: {  	_ =	shalt  }
0x5b: {  	_ =	shalt  }
0x5c: {  	_ =	shalt  }
0x5d: {  	_ =	shalt  }
0x5e: {  	_ =	shalt  }
0x5f: {  	_ =	shalt  }
0x60: {  	_ =	shalt  }
0x61: {  	_ =	shalt  }
0x62: {  	_ =	shalt  }
0x63: {  	_ =	shalt  }
0x64: {  	_ =	shalt  }
0x65: {  	_ =	shalt  }
0x66: {  	_ =	shalt  }
0x67: {  	_ =	shalt  }
0x68: {  	_ =	shalt  }
0x69: {  	_ =	shalt  }
0x6a: {  	_ =	shalt  }
0x6b: {  	_ =	shalt  }
0x6c: {  	_ =	shalt  }
0x6d: {  	_ =	shalt  }
0x6e: {  	_ =	shalt  }
0x6f: {  	_ =	shalt  }
0x70: {  	_ =	shalt  }
0x71: {  	_ =	shalt  }
0x72: {  	_ =	shalt  }
0x73: {  	_ =	shalt  }
0x74: {  	_ =	shalt  }
0x75: {  	_ =	shalt  }
0x76: {  	_ =	shalt  }
0x77: {  	_ =	shalt  }
0x78: {  	_ =	shalt  }
0x79: {  	_ =	shalt  }
0x7a: {  	_ =	shalt  }
0x7b: {  	_ =	shalt  }
0x7c: {  	_ =	shalt  }
0x7d: {  	_ =	shalt  }
0x7e: {  	_ =	shalt  }
0x7f: {  	_ =	shalt  }
0x80: {  	_ =	shalt  }
0x81: {  	_ =	shalt  }
0x82: {  	_ =	shalt  }
0x83: {  	_ =	shalt  }
0x84: {  	_ =	shalt  }
0x85: {  	_ =	shalt  }
0x86: {  	_ =	shalt  }
0x87: {  	_ =	shalt  }
.Lfunc_end0:
.L_simem_size_0:
called_computation.1_lowered:
.L_overlay_start_0:
0x88: {  	s2 =	sld [smem:$0x3FD9]  }
0x89: {  	s3 =	sld [smem:$0x3FFE];
	_ =	sdelay $0x1  }
0x8a: {  	s1 =	srdreg.scid  }
0x8b: {  	s0 =	sand.u32 $0x1, s1  }
0x8c: {  	s16 =	sshll.u32 s0, $0xA;
	s2 =	sadd.s32 s3, s2  }
0x8d: {  	s2 =	sadd.s32 s2, s16  }
0x8e: {  	[smem:$0x3FBF] =	sst s2  }
0x8f: {  	_ = 	snop  }
0x90: {  	(tm) =	ssettm $0x1  }
0x91: {  	s17 =	sld [smem:$0x3FFB];
	_ =	sdelay $0x3  }
0x92: {  	_ =	strace s17  }
0x93: {  	s2 =	sld [smem:$0x3FFC];
	_ =	sdelay $0x3  }
0x94: {  	_ =	strace s2  }
0x95: {  	s2 =	sld [smem:$0x3FFD];
	_ =	sdelay $0x3  }
0x96: {  	_ =	strace s2  }
0x97: {  	_ =	strace $0x8FFFFFFF  }
0x98: {  	s18 =	sld [smem:$0x3FDB];
	_ =	sdelay $0x1  }
0x99: {  	s19 =	simm.s32 $_scs_section_size  }
0x9a: {  	s4 =	simm.s32 $_size__tile_overlayer_lowered;
	s5 =	simm.s32 $_tile_overlayer_lowered  }
0x9b: {  	s22 =	simm.s32 $0x1BFF;
	s21 =	sshll.u32 s5, $0x1;
	s2 =	sadd.s32 s19, s18  }
0x9c: {  	s6 =	simm.s32 $0x0;
	s20 =	sshll.u32 s4, $0x1;
	s4 =	sadd.s32 s21, s2  }
0x9d: {  	[timem:s6], [sflag:s22] =	dma.local [hbm:s4], s20  }
0x9e: {  	_ =	swait.ge [sflag:s22], s20  }
0x9f: {  	s3 =	ssub.s32 $0x0, s20;
	[sflag:s22] =	ssyncset.done $0x0  }
0xa0: {  	[sflag:s22] =	ssyncadd.s32 s3;
	_ =	sdelay $0x1  }
0xa1: {  	s23 =	simm.s32 $0x1B8B  }
0xa2: {  	_ =	swait.ge [sflag:s23], $0x1  }
0xa3: {  	[sflag:s23] =	ssyncset.done $0x0  }
0xa4: {  	s25 =	simm.s32 $0x1B8E;
	s24 =	sld [smem:$0x3FFE];
	[sflag:s23] =	ssyncadd.s32 $0xFFFFFFFF  }
0xa5: {  	s26 =	simm.s32 $execute0_lowered;
	[smem:$0x3FD2] =	sst s25  }
0xa6: {  	s4 =	sshll.u32 s26, $0x1;
	_ =	strace $0x80000049;
	[dreg:$0x1] =	wrdreg $0xFFFFFFFF  }
0xa7: {  	s28 =	simm.s32 $_size_execute0_lowered;
	s2 =	sadd.s32 s2, s4;
	[dreg:$0x0] =	wrdreg $0x0  }
0xa8: {  	s4 =	sshll.u32 s28, $0x1;
	[dreg:$0x2] =	wrdreg s2  }
0xa9: {  	[dreg:$0x3] =	wrdreg s4  }
0xaa: {  	[dreg:$0x4] =	wrdreg $0xC0  }
0xab: {  	_ =	task [dreg:s6], $0x5FFFF  }
0xac: {  	[dreg:$0x1] =	wrdreg $0xFFFFFFFF  }
0xad: {  	[dreg:$0x0] =	wrdreg $0x60  }
0xae: {  	[dreg:$0x2] =	wrdreg s24  }
0xaf: {  	[dreg:$0x3] =	wrdreg $0x82000  }
0xb0: {  	[dreg:$0x4] =	wrdreg $0x9  }
0xb1: {  	_ =	task.clear_ibuf [dreg:s6], $0x5FFFF;
	_ =	strace $0x90000049  }
0xb2: {  	s29 =	simm.s32 $0x9;
	_ =	strace $0x8000004B  }
0xb3: {  	_ =	swait.ge [sflag:s29], $0x1  }
0xb4: {  	[sflag:s29] =	ssyncadd.s32 $0xFFFFFFFF  }
0xb5: {  	_ =	strace $0x9000004B  }
0xb6: {  	_ =	sfence  }
0xb7: {  	s30 =	sld [smem:$0x0];
	_ =	sdelay $0x2  }
0xb8: {  	s31 =	sshll.u32 s1, $0xD;
	s1 =	sshrl.u32 s1, $0x2  }
0xb9: {  	s3 =	sand.u32 $0x4000, s31;
	s1 =	sadd.s32 s1, s30  }
0xba: {  	s0 =	sor.u32 s3, s0;
	s1 =	sshll.u32 s1, $0x11  }
0xbb: {  	s0 =	sor.u32 s1, s0  }
0xbc: {  	s0 =	sadd.s32 $0x8F2B, s0  }
0xbd: {  	[sflag:s0] =	ssyncadd.remote.s32 $0x1  }
0xbe: {  	_ =	sfence.sel $0xFFFF  }
0xbf: {  	[dreg:$0x0] =	wrdreg $0xFFFFFFFF;
	(pc) =	sbr.abs _section_cstart, $3  }
0xc0: {  	[dreg:$0x1] =	wrdreg $0xFFFFFFFF  }
0xc1: {  	_ =	task.clear_ibuf [dreg:s6], $0x2FFFF;
	_ =	strace $0x9FFFFFFF  }
0xc2: {  	(tm) =	ssettm $0x7FFFFFFF  }
0xc3: {  	_ =	shalt  }
tec
execute0_lowered:
.L_overlay_start_1:
0x0: {  	(tag) =	ssettag $0x1  }
0x1: {  	s7 =	rddreg [dreg:$0x0];
	s1 =	srdreg.scid  }
0x2: {  	s0 =	stileid.u32;
	s2 =	rddreg [dreg:$0x1]  }
0x3: {  	s3 =	simm.s32 $0x0;
	s16 =	simm.s32 $0x80;
	s21 =	simm.s32 $0x200  }
0x4: {  	s22 =	simm.s32 $0x4200;
	s23 =	simm.s32 $0x1;
	s24 =	simm.s32 $0x2  }
0x5: {  	s8 =	sand.u32 $0x1, s1;
	s9 =	smul.u32 $0x14000, s0;
	[smem:$0x7FF] =	sst s3  }
0x6: {  	s4 =	sadd.s32 $0x16E00, s7;
	s26 =	smul.u32 $0x50000, s0;
	s28 =	sshll.u32 s0, $0x5  }
0x7: {  	s30 =	sshll.u32 s0, $0x6;
	s5 =	smul.u32 $0x140000, s8;
	_ =	strace $0x8000004A  }
0x8: {  	s11 =	ssub.s32 $0x2, s8;
	p0 =	seq.s32 s8, $0x0;
	s17 =	sor.u32 $0x800, s28  }
0x9: {  	s25 =	sshrl.u32 s11, $0x1;
	s8 =	sshrl.u32 s26, $0x2;
	s16 =	simm.s32 @!p0 $0x20  }
0xa: {  	s29 =	sshrl.u32 s9, $0x3;
	s6 =	sadd.s32 s9, s5;
	s5 =	sadd.s32 $0x2E00, s7  }
0xb: {  	s15 =	ssub.s32 s11, s25;
	s11 =	sshll.u32 s0, $0x7;
	s18 =	sadd.s32 s8, s2  }
0xc: {  	s8 =	sadd.s32 s4, s29;
	s9 =	sor.u32 $0x1C07, s30;
	s19 =	sshrl.u32 s16, $0x1  }
0xd: {  	s20 =	sadd.s32 $0xFFFFFFFE, s16;
	s16 =	sadd.s32 $0xFFFFFFFD, s16;
	s25 =	simm.s32 $0x0  }
0xe: {  	s10 =	sshrl.u32 s6, $0x3;
	s6 =	sadd.s32 $0xCE00, s7;
	[dreg:$0x3] =	wrdreg s20  }
0xf: {  	s17 =	smov.u32 @p0 s11;
	[dreg:$0x4] =	wrdreg s16;
	s31 =	ssub.s32 $0x0, s19  }
0x10: {  	s15 =	smax.u32 s15, $0x1;
	s14 =	sadd.s32 s10, s7;
	s7 =	simm.s32 $0x80  }
0x11: {  	s12 =	sshll.u32 s17, $0x4;
	s17 =	sshll.u32 s17, $0x7;
	[dreg:$0x5] =	wrdreg s31  }
0x12: {  	s13 =	sor.u32 $0x10, s12;
	s10 =	sadd.s32 s5, s12;
	s12 =	sadd.s32 s6, s12  }
0x13: {  	s14 =	sadd.s32 $0x3EE00, s14;
	s16 =	sor.u32 $0x180, s17;
	s17 =	sshrl.u32 s18, $0x3  }
0x14: {  	s18 =	simm.s32 $0x7;
	s11 =	sadd.s32 s5, s13;
	s13 =	sadd.s32 s6, s13  }
.LBB2_1:
0x15: {  	[spmem:s17], [sflag:s9] =	dma.local [hbm:s8], $0x2800  }
0x16: {  	_ =	swait.ge [sflag:s18], $0x2800  }
0x17: {  	[sflag:s18] =	ssyncset.done $0x0  }
0x18: {  	[sflag:s18] =	ssyncadd.s32 $0xFFFFD800  }
0x19: {  	[bflag:$0x0] =	sbarrier.arrive $0xFFFF  }
0x1a: {  	[tilespmem:s3], [sflag:$0x7] =	stream.linear.gather [hbm4b:s10+s3], $0x80, $0x38;
	[tilespmem:$0x1C200] =	vst v63  }
0x1b: {  	_ =	swait.ge [sflag:s18], $0x80  }
0x1c: {  	[sflag:s18] =	ssyncset.done $0x0  }
0x1d: {  	[sflag:s18] =	ssyncadd.s32 $0xFFFFFF80  }
0x1e: {  	[tilespmem:s7], [sflag:$0x7] =	stream.linear.gather [hbm4b:s11+s3], $0x80, $0x38;
	[tilespmem:$0x1C200] =	vst v63  }
0x1f: {  	_ =	swait.ge [sflag:s18], $0x80  }
0x20: {  	[sflag:s18] =	ssyncset.done $0x0  }
0x21: {  	s0 =	simm.s32 $0x100;
	[sflag:s18] =	ssyncadd.s32 $0xFFFFFF80  }
0x22: {  	[tilespmem:s0], [sflag:$0x7] =	stream.linear.gather [hbm4b:s12+s3], $0x80, $0x38;
	[tilespmem:$0x1C200] =	vst v63  }
0x23: {  	_ =	swait.ge [sflag:s18], $0x80  }
0x24: {  	[sflag:s18] =	ssyncset.done $0x0  }
0x25: {  	s31 =	simm.s32 $0x180;
	[sflag:s18] =	ssyncadd.s32 $0xFFFFFF80  }
0x26: {  	[tilespmem:s31], [sflag:$0x7] =	stream.linear.gather [hbm4b:s13+s3], $0x80, $0x38;
	[tilespmem:$0x1C200] =	vst v63  }
0x27: {  	_ =	swait.ge [sflag:s18], $0x80  }
0x28: {  	[sflag:s18] =	ssyncset.done $0x0  }
0x29: {  	[sflag:s18] =	ssyncadd.s32 $0xFFFFFF80  }
0x2a: {  	[tilespmem:s21], [sflag:$0x1] =	stream.indirect.gather [hbm4b:s4+s7], $0x80, s3, s7, $0xb8;
	[tilespmem:$0x1C200] =	vst v63  }
0x2b: {  	s26 =	smov.u32 s16;
	s28 =	simm.s32 $0x0;
	s29 =	simm.s32 $0x0  }
0x2c: {  	[tilespmem:s22], [sflag:$0x2] =	stream.indirect.gather [hbm4b:s4+s7], $0x80, s7, s7, $0xb8;
	[tilespmem:$0x1C200] =	vst v63  }
.LBB2_2:
0x2d: {  	p0 =	seq.s32 s29, $0x0  }
0x2e: {  	s30 =	simm.s32 @!p0 $0x5  }
0x2f: {  	_ =	swait.ge @!p0 [sflag:s30], $0x80  }
0x30: {  	[sflag:s30] =	ssyncset.done @!p0 $0x0  }
0x31: {  	[sflag:s30] =	ssyncadd.s32 @!p0 $0xFFFFFF80  }
0x32: {  	_ =	swait.ge [sflag:s23], $0x4000  }
0x33: {  	s20 =	rddreg [dreg:$0x3];
	[sflag:s23] =	ssyncset.done $0x0  }
0x34: {  	[sflag:s23] =	ssyncadd.s32 $0xFFFFC000;
	p1 =	sge.u32 s28, s20  }
0x35: {  	s30 =	simm.s32 @p1 $0x80;
	s31 =	simm.s32 @p1 $0x100;
	s1 =	simm.s32 @p1 $0x200  }
0x36: {  	[spmem:s2] =	stream.indirect.scatter.add.f32 @p1 [tilespmem:s1], [sflag:$0x7], $0x80, s31, s30, $0xb8;
	[tilespmem:$0x1C200] =	vst v63  }
0x37: {  	s1 =	simm.s32 @p1 $0x7  }
0x38: {  	s30 =	sadd.s32 @!p1 $0xFFFFFF80, s26;
	_ =	swait.ge @p1 [sflag:s1], $0x4000  }
0x39: {  	s0 =	simm.s32 @!p1 $0x100;
	s30 =	sshrl.u32 @!p1 s30, $0x3;
	[sflag:s1] =	ssyncset.done @p1 $0x0  }
0x3a: {  	s31 =	simm.s32 @!p1 $0x0;
	[sflag:s1] =	ssyncadd.s32 @p1 $0xFFFFC000;
	s1 =	sadd.s32 @!p1 s5, s30  }
0x3b: {  	[tilespmem:s31], [sflag:$0x3] =	stream.linear.gather @!p1 [hbm4b:s1+s31], $0x80, $0x38;
	[tilespmem:$0x1C200] =	vst v63  }
0x3c: {  	s19 =	simm.s32 @!p1 $0x200;
	s20 =	simm.s32 @!p1 $0x7;
	s1 =	simm.s32 @!p1 $0x80  }
0x3d: {  	[spmem:s2] =	stream.indirect.scatter.add.f32 @!p1 [tilespmem:s19], [sflag:$0x7], $0x80, s0, s1, $0xb8;
	[tilespmem:$0x1C200] =	vst v63  }
0x3e: {  	_ =	swait.ge @!p1 [sflag:s20], $0x4000  }
0x3f: {  	[sflag:s20] =	ssyncset.done @!p1 $0x0  }
0x40: {  	[sflag:s20] =	ssyncadd.s32 @!p1 $0xFFFFC000;
	s20 =	sadd.s32 @!p1 s6, s30  }
0x41: {  	[tilespmem:s0], [sflag:$0x5] =	stream.linear.gather @!p1 [hbm4b:s20+s31], $0x80, $0x38;
	[tilespmem:$0x1C200] =	vst v63  }
0x42: {  	s0 =	simm.s32 @!p1 $0x3  }
0x43: {  	_ =	swait.ge @!p1 [sflag:s0], $0x80  }
0x44: {  	[sflag:s0] =	ssyncset.done @!p1 $0x0  }
0x45: {  	[sflag:s0] =	ssyncadd.s32 @!p1 $0xFFFFFF80;
	s0 =	simm.s32 @!p0 $0x6  }
0x46: {  	[tilespmem:s19], [sflag:$0x1] =	stream.indirect.gather @!p1 [hbm4b:s4+s1], $0x80, s31, s1, $0xb8;
	[tilespmem:$0x1C200] =	vst v63  }
0x47: {  	_ =	swait.ge @!p0 [sflag:s0], $0x80  }
0x48: {  	[sflag:s0] =	ssyncset.done @!p0 $0x0  }
0x49: {  	[sflag:s0] =	ssyncadd.s32 @!p0 $0xFFFFFF80  }
0x4a: {  	_ =	swait.ge [sflag:s24], $0x4000  }
0x4b: {  	s30 =	rddreg [dreg:$0x4];
	[sflag:s24] =	ssyncset.done $0x0  }
0x4c: {  	[sflag:s24] =	ssyncadd.s32 $0xFFFFC000;
	p0 =	sge.u32 s28, s30  }
0x4d: {  	s0 =	simm.s32 @p0 $0x80;
	s1 =	simm.s32 @p0 $0x180;
	s19 =	simm.s32 @p0 $0x4200  }
0x4e: {  	[spmem:s2] =	stream.indirect.scatter.add.f32 @p0 [tilespmem:s19], [sflag:$0x7], $0x80, s1, s0, $0xb8;
	[tilespmem:$0x1C200] =	vst v63  }
0x4f: {  	s0 =	simm.s32 @p0 $0x7  }
0x50: {  	_ =	swait.ge @p0 [sflag:s0], $0x4000  }
0x51: {  	[sflag:s0] =	ssyncset.done @p0 $0x0  }
0x52: {  	[sflag:s0] =	ssyncadd.s32 @p0 $0xFFFFC000;
	s0 =	sshrl.u32 @!p0 s26, $0x3  }
0x53: {  	s20 =	simm.s32 @!p0 $0x80;
	s19 =	simm.s32 @!p0 $0x0;
	s1 =	sadd.s32 @!p0 s5, s0  }
0x54: {  	[tilespmem:s20], [sflag:$0x4] =	stream.linear.gather @!p0 [hbm4b:s1+s19], $0x80, $0x38;
	[tilespmem:$0x1C200] =	vst v63  }
0x55: {  	s30 =	simm.s32 @!p0 $0x4200;
	s31 =	simm.s32 @!p0 $0x7;
	s1 =	simm.s32 @!p0 $0x180  }
0x56: {  	[spmem:s2] =	stream.indirect.scatter.add.f32 @!p0 [tilespmem:s30], [sflag:$0x7], $0x80, s1, s20, $0xb8;
	[tilespmem:$0x1C200] =	vst v63  }
0x57: {  	_ =	swait.ge @!p0 [sflag:s31], $0x4000  }
0x58: {  	[sflag:s31] =	ssyncset.done @!p0 $0x0  }
0x59: {  	s0 =	sadd.s32 @!p0 s6, s0;
	[sflag:s31] =	ssyncadd.s32 @!p0 $0xFFFFC000  }
0x5a: {  	[tilespmem:s1], [sflag:$0x6] =	stream.linear.gather @!p0 [hbm4b:s0+s19], $0x80, $0x38;
	[tilespmem:$0x1C200] =	vst v63  }
0x5b: {  	s0 =	simm.s32 @!p0 $0x4  }
0x5c: {  	_ =	swait.ge @!p0 [sflag:s0], $0x80  }
0x5d: {  	[sflag:s0] =	ssyncset.done @!p0 $0x0  }
0x5e: {  	s29 =	sadd.s32 $0xFFFFFFFF, s29;
	s31 =	rddreg [dreg:$0x5];
	[sflag:s0] =	ssyncadd.s32 @!p0 $0xFFFFFF80  }
0x5f: {  	[tilespmem:s30], [sflag:$0x2] =	stream.indirect.gather @!p0 [hbm4b:s4+s20], $0x80, s20, s20, $0xb8;
	[tilespmem:$0x1C200] =	vst v63  }
0x60: {  	p0 =	sne.s32 s31, s29  }
.Ltmp0:
0x61: {  	_ = 	snop;
	(pc) =	sbr.rel @p0 .LBB2_2-.Ltmp0, $2  }
0x62: {  	_ =	sdelay $0x2  }
0x63: {  	s28 =	sadd.s32 $0x2, s28;
	s26 =	sadd.s32 $0x100, s26  }
0x64: {  	s25 =	sadd.s32 $0x1, s25  }
0x65: {  	p0 =	sne.s32 s25, s15  }
.Ltmp1:
0x66: {  	[bflag:$0x0] =	sbarrier.arrive $0xFFFF;
	(pc) =	sbr.rel @p0 .LBB2_1-.Ltmp1, $4  }
0x67: {  	[hbm:s14], [sflag:s9] =	dma.local [spmem:s17], $0x2800  }
0x68: {  	_ =	swait.ge [sflag:s18], $0x2800  }
0x69: {  	[sflag:s18] =	ssyncset.done $0x0  }
0x6a: {  	[sflag:s18] =	ssyncadd.s32 $0xFFFFD800  }
0x6b: {  	_ =	sfence.sel $0x180000  }
0x6c: {  	[bflag:$0x0] =	sbarrier.arrive $0xFFFF  }
0x6d: {  	_ =	strace $0x9000004A  }
0x6e: {  	s0 =	stileid.u32;
	[bflag:$0x2] =	sbarrier.arrive $0xFFFF  }
0x6f: {  	p0 =	sne.s32 s0, $0x0;
	s0 =	rddreg [dreg:$0x2]  }
0x70: {  	s0 =	sadd.s32 @!p0 $0x100000, s0  }
0x71: {  	[sflag:s0] =	ssyncadd.tile.s32 @!p0 $0x1;
	_ =	shalt  }
.Lfunc_end2:
_tile_overlayer_lowered:
.L_overlay_start_2:
0x72: {  	(tag) =	ssettag $0x2  }
0x73: {  	s0 =	rddreg [dreg:$0x0];
	s2 =	stileid.u32  }
0x74: {  	s1 =	rddreg [dreg:$0x1];
	p0 =	sne.s32 s2, $0x0  }
0x75: {  	s3 =	rddreg [dreg:$0x2];
	[bflag:$0x3] =	sbarrier.arrive $0xFFFF;
	s2 =	simm.s32 @!p0 $0x1C07  }
0x76: {  	[timem:s3], [sflag:s2] =	dma.local @!p0 [hbm:s0], s1  }
0x77: {  	s0 =	simm.s32 @!p0 $0x7  }
0x78: {  	_ =	swait.ge @!p0 [sflag:s0], s1  }
0x79: {  	s1 =	ssub.s32 @!p0 $0x0, s1;
	[sflag:s0] =	ssyncset.done @!p0 $0x0  }
0x7a: {  	[sflag:s0] =	ssyncadd.s32 @!p0 s1  }
0x7b: {  	[bflag:$0x3] =	sbarrier.arrive $0xFFFF  }
0x7c: {  	_ =	shalt  }

// kernel: kernel.14.cloned.1.call-start
scs
__scs_entry_jumppad:
0x0: {  	(pc) =	sbr.rel $0x88, $3  }
0x1: {  	(tag) =	ssettag $0x0;
	lr =	simm.s32 $0x1  }
0x2: {  	[smem:$0x3F98] =	sst lr;
	_ =	strace $0xD0000000  }
0x3: {  	_ = 	snop  }
0x4: {  	_ = 	snop  }
0x5: {  	_ = 	snop  }
0x6: {  	_ = 	snop  }
0x7: {  	_ = 	snop  }
__scs_overlays_trampoline_lowered:
0x8: {  	[smem:$0x3FA7] =	sst s0  }
0x9: {  	[smem:$0x3FA8] =	sst s1  }
0xa: {  	[smem:$0x3FA9] =	sst s2  }
0xb: {  	[smem:$0x3FAA] =	sst s3  }
0xc: {  	[smem:$0x3FAB] =	sst s4  }
0xd: {  	[smem:$0x3FAC] =	sst s5  }
0xe: {  	[smem:$0x3FAD] =	sst s6  }
0xf: {  	[smem:$0x3FAE] =	sst s7  }
0x10: {  	[smem:$0x3FAF] =	sst s8  }
0x11: {  	[smem:$0x3FB0] =	sst s9;
	s0 =	simm.s32 @!p0 $0x0  }
0x12: {  	s1 =	sld [smem:$0x3F96];
	s0 =	simm.s32 @p0 $0x1  }
0x13: {  	[smem:$0x3FB1] =	sst s0;
	s0 =	simm.s32 @!p1 $0x0  }
0x14: {  	s2 =	sld [smem:$0x3F95];
	s0 =	simm.s32 @p1 $0x1  }
0x15: {  	[smem:$0x3FB2] =	sst s0;
	s0 =	simm.s32 @!p2 $0x0  }
0x16: {  	s3 =	sld [smem:$0x3FDB];
	s0 =	simm.s32 @p2 $0x1  }
0x17: {  	s4 =	simm.s32 $0x1BF5;
	[smem:$0x3FB4] =	sst s0  }
0x18: {  	s0 =	sld [smem:$0x3F97];
	_ =	swait.ge [sflag:s4], $0x0  }
0x19: {  	s7 =	sld [smem:$0x3F98]  }
0x1a: {  	s8 =	sadd.s32 $0xFFFFE003, lr  }
0x1b: {  	s9 =	sadd.s32 $0xFFFFFEF7, lr;
	s5 =	simm.s32 $0xFFFFFFFF;
	p2 =	slt.u32 s8, $0xFFFFF086  }
0x1c: {  	p1 =	slt.u32 s9, $0xF7A;
	s5 =	simm.s32 @!p2 $0x0  }
0x1d: {  	s5 =	simm.s32 @p1 $0x1;
	p0 =	seq.s32 s7, s2  }
0x1e: {  	s7 =	smul.u32 @!p0 $0xF7A, s2;
	p2 =	seq.s32 @!p0 s5, $0x0  }
0x1f: {  	s9 =	smul.u32 $0xF7A, s1;
	s8 =	simm.s32 @!p0 $0x1BF5;
	p2 =	por !p2, p0  }
0x20: {  	[sflag:s8] =	ssyncset.s32 @!p0 $0xFFFFF086;
	s6 =	sadd.s32 @!p0 s3, s7;
	s7 =	simm.s32 @!p0 $0x108  }
0x21: {  	s3 =	sadd.s32 s3, s9;
	s6 =	sadd.s32 @!p0 $0x88, s6;
	s7 =	simm.s32 @p2 $0x1082  }
0x22: {  	[simem:s7], [sflag:s8] =	dma.local @!p0 [hbm:s6], $0xF7A  }
0x23: {  	s9 =	sor.u32 $0xD0000000, s2;
	s6 =	simm.s32 $0x108;
	_ =	swait.ge @!p0 [sflag:s8], $0x0  }
0x24: {  	s3 =	sadd.s32 $0x88, s3;
	s6 =	simm.s32 @!p1 $0x1082;
	[sflag:s4] =	ssyncset.s32 $0xFFFFF086  }
0x25: {  	[simem:s6], [sflag:s4] =	dma.local [hbm:s3], $0xF7A  }
0x26: {  	[smem:$0x3F98] =	sst s1;
	(tag) =	ssettag s2;
	_ =	strace s9  }
0x27: {  	s1 =	sld [smem:$0x3FA8]  }
0x28: {  	s2 =	sld [smem:$0x3FA9]  }
0x29: {  	s4 =	sld [smem:$0x3FAB]  }
0x2a: {  	p0 =	seq.s32 s5, $0x0;
	s5 =	sld [smem:$0x3FAC]  }
0x2b: {  	s6 =	sld [smem:$0x3FAD]  }
0x2c: {  	s7 =	sld [smem:$0x3FAE]  }
0x2d: {  	s3 =	simm.s32 $0x108;
	s8 =	sld [smem:$0x3FAF]  }
0x2e: {  	s3 =	simm.s32 @!p0 $0x1082;
	s9 =	sld [smem:$0x3FB0]  }
0x2f: {  	lr =	sadd.s32 s0, s3;
	s0 =	sld [smem:$0x3FA7]  }
0x30: {  	s3 =	sld [smem:$0x3FAA]  }
0x31: {  	[smem:$0x3FB3] =	sst s10  }
0x32: {  	s10 =	sld [smem:$0x3FB1];
	_ =	sdelay $0x3  }
0x33: {  	p0 =	seq.s32 s10, $0x1;
	s10 =	sld [smem:$0x3FB3];
	_ =	sdelay $0x3  }
0x34: {  	[smem:$0x3FB3] =	sst s10  }
0x35: {  	s10 =	sld [smem:$0x3FB2];
	_ =	sdelay $0x3  }
0x36: {  	p1 =	seq.s32 s10, $0x1;
	s10 =	sld [smem:$0x3FB3];
	_ =	sdelay $0x3  }
0x37: {  	[smem:$0x3FB3] =	sst s10  }
0x38: {  	s10 =	sld [smem:$0x3FB4]  }
0x39: {  	_ = 	snop;
	(pc) =	sbr.ind lr, $3  }
0x3a: {  	_ = 	snop  }
0x3b: {  	_ = 	snop  }
0x3c: {  	p2 =	seq.s32 s10, $0x1;
	s10 =	sld [smem:$0x3FB3]  }
0x3d: {  	_ =	shalt  }
0x3e: {  	_ =	shalt  }
0x3f: {  	_ =	shalt  }
0x40: {  	_ =	shalt  }
0x41: {  	_ =	shalt  }
0x42: {  	_ =	shalt  }
0x43: {  	_ =	shalt  }
0x44: {  	_ =	shalt  }
0x45: {  	_ =	shalt  }
0x46: {  	_ =	shalt  }
0x47: {  	_ =	shalt  }
0x48: {  	_ =	shalt  }
0x49: {  	_ =	shalt  }
0x4a: {  	_ =	shalt  }
0x4b: {  	_ =	shalt  }
0x4c: {  	_ =	shalt  }
0x4d: {  	_ =	shalt  }
0x4e: {  	_ =	shalt  }
0x4f: {  	_ =	shalt  }
0x50: {  	_ =	shalt  }
0x51: {  	_ =	shalt  }
0x52: {  	_ =	shalt  }
0x53: {  	_ =	shalt  }
0x54: {  	_ =	shalt  }
0x55: {  	_ =	shalt  }
0x56: {  	_ =	shalt  }
0x57: {  	_ =	shalt  }
0x58: {  	_ =	shalt  }
0x59: {  	_ =	shalt  }
0x5a: {  	_ =	shalt  }
0x5b: {  	_ =	shalt  }
0x5c: {  	_ =	shalt  }
0x5d: {  	_ =	shalt  }
0x5e: {  	_ =	shalt  }
0x5f: {  	_ =	shalt  }
0x60: {  	_ =	shalt  }
0x61: {  	_ =	shalt  }
0x62: {  	_ =	shalt  }
0x63: {  	_ =	shalt  }
0x64: {  	_ =	shalt  }
0x65: {  	_ =	shalt  }
0x66: {  	_ =	shalt  }
0x67: {  	_ =	shalt  }
0x68: {  	_ =	shalt  }
0x69: {  	_ =	shalt  }
0x6a: {  	_ =	shalt  }
0x6b: {  	_ =	shalt  }
0x6c: {  	_ =	shalt  }
0x6d: {  	_ =	shalt  }
0x6e: {  	_ =	shalt  }
0x6f: {  	_ =	shalt  }
0x70: {  	_ =	shalt  }
0x71: {  	_ =	shalt  }
0x72: {  	_ =	shalt  }
0x73: {  	_ =	shalt  }
0x74: {  	_ =	shalt  }
0x75: {  	_ =	shalt  }
0x76: {  	_ =	shalt  }
0x77: {  	_ =	shalt  }
0x78: {  	_ =	shalt  }
0x79: {  	_ =	shalt  }
0x7a: {  	_ =	shalt  }
0x7b: {  	_ =	shalt  }
0x7c: {  	_ =	shalt  }
0x7d: {  	_ =	shalt  }
0x7e: {  	_ =	shalt  }
0x7f: {  	_ =	shalt  }
0x80: {  	_ =	shalt  }
0x81: {  	_ =	shalt  }
0x82: {  	_ =	shalt  }
0x83: {  	_ =	shalt  }
0x84: {  	_ =	shalt  }
0x85: {  	_ =	shalt  }
0x86: {  	_ =	shalt  }
0x87: {  	_ =	shalt  }
.Lfunc_end0:
.L_simem_size_0:
called_computation.2_lowered:
.L_overlay_start_0:
0x88: {  	s2 =	sld [smem:$0x3FD9]  }
0x89: {  	s3 =	sld [smem:$0x3FFE];
	_ =	sdelay $0x1  }
0x8a: {  	s1 =	srdreg.scid  }
0x8b: {  	s0 =	sand.u32 $0x1, s1  }
0x8c: {  	s16 =	sshll.u32 s0, $0xA;
	s2 =	sadd.s32 s3, s2  }
0x8d: {  	s2 =	sadd.s32 s2, s16  }
0x8e: {  	[smem:$0x3FBF] =	sst s2  }
0x8f: {  	_ = 	snop  }
0x90: {  	(tm) =	ssettm $0x1  }
0x91: {  	s17 =	sld [smem:$0x3FFB];
	_ =	sdelay $0x3  }
0x92: {  	_ =	strace s17  }
0x93: {  	s2 =	sld [smem:$0x3FFC];
	_ =	sdelay $0x3  }
0x94: {  	_ =	strace s2  }
0x95: {  	s2 =	sld [smem:$0x3FFD];
	_ =	sdelay $0x3  }
0x96: {  	_ =	strace s2  }
0x97: {  	_ =	strace $0x8FFFFFFF  }
0x98: {  	s18 =	sld [smem:$0x3FDB];
	_ =	sdelay $0x1  }
0x99: {  	s19 =	simm.s32 $_scs_section_size  }
0x9a: {  	s4 =	simm.s32 $_size__tile_overlayer_lowered;
	s5 =	simm.s32 $_tile_overlayer_lowered  }
0x9b: {  	s22 =	simm.s32 $0x1BFF;
	s21 =	sshll.u32 s5, $0x1;
	s2 =	sadd.s32 s19, s18  }
0x9c: {  	s6 =	simm.s32 $0x0;
	s20 =	sshll.u32 s4, $0x1;
	s4 =	sadd.s32 s21, s2  }
0x9d: {  	[timem:s6], [sflag:s22] =	dma.local [hbm:s4], s20  }
0x9e: {  	_ =	swait.ge [sflag:s22], s20  }
0x9f: {  	s3 =	ssub.s32 $0x0, s20;
	[sflag:s22] =	ssyncset.done $0x0  }
0xa0: {  	[sflag:s22] =	ssyncadd.s32 s3;
	_ =	sdelay $0x1  }
0xa1: {  	s23 =	simm.s32 $0x1B8B  }
0xa2: {  	_ =	swait.ge [sflag:s23], $0x1  }
0xa3: {  	[sflag:s23] =	ssyncset.done $0x0  }
0xa4: {  	s25 =	simm.s32 $0x1B8E;
	s24 =	sld [smem:$0x3FFE];
	[sflag:s23] =	ssyncadd.s32 $0xFFFFFFFF  }
0xa5: {  	s26 =	simm.s32 $execute0_lowered;
	[smem:$0x3FD2] =	sst s25  }
0xa6: {  	s4 =	sshll.u32 s26, $0x1;
	_ =	strace $0x8000004C;
	[dreg:$0x1] =	wrdreg $0xFFFFFFFF  }
0xa7: {  	s28 =	simm.s32 $_size_execute0_lowered;
	s2 =	sadd.s32 s2, s4;
	[dreg:$0x0] =	wrdreg $0x0  }
0xa8: {  	s4 =	sshll.u32 s28, $0x1;
	[dreg:$0x2] =	wrdreg s2  }
0xa9: {  	[dreg:$0x3] =	wrdreg s4  }
0xaa: {  	[dreg:$0x4] =	wrdreg $0xC0  }
0xab: {  	_ =	task [dreg:s6], $0x5FFFF  }
0xac: {  	[dreg:$0x1] =	wrdreg $0xFFFFFFFF  }
0xad: {  	[dreg:$0x0] =	wrdreg $0x60  }
0xae: {  	[dreg:$0x2] =	wrdreg s24  }
0xaf: {  	[dreg:$0x3] =	wrdreg $0x82000  }
0xb0: {  	[dreg:$0x4] =	wrdreg $0x9  }
0xb1: {  	_ =	task.clear_ibuf [dreg:s6], $0x5FFFF;
	_ =	strace $0x9000004C  }
0xb2: {  	s29 =	simm.s32 $0x9;
	_ =	strace $0x8000004E  }
0xb3: {  	_ =	swait.ge [sflag:s29], $0x1  }
0xb4: {  	[sflag:s29] =	ssyncadd.s32 $0xFFFFFFFF  }
0xb5: {  	_ =	strace $0x9000004E  }
0xb6: {  	_ =	sfence  }
0xb7: {  	s30 =	sld [smem:$0x0];
	_ =	sdelay $0x2  }
0xb8: {  	s31 =	sshll.u32 s1, $0xD;
	s1 =	sshrl.u32 s1, $0x2  }
0xb9: {  	s3 =	sand.u32 $0x4000, s31;
	s1 =	sadd.s32 s1, s30  }
0xba: {  	s0 =	sor.u32 s3, s0;
	s1 =	sshll.u32 s1, $0x11  }
0xbb: {  	s0 =	sor.u32 s1, s0  }
0xbc: {  	s0 =	sadd.s32 $0x8F2B, s0  }
0xbd: {  	[sflag:s0] =	ssyncadd.remote.s32 $0x1  }
0xbe: {  	_ =	sfence.sel $0xFFFF  }
0xbf: {  	[dreg:$0x0] =	wrdreg $0xFFFFFFFF;
	(pc) =	sbr.abs _section_cstart, $3  }
0xc0: {  	[dreg:$0x1] =	wrdreg $0xFFFFFFFF  }
0xc1: {  	_ =	task.clear_ibuf [dreg:s6], $0x2FFFF;
	_ =	strace $0x9FFFFFFF  }
0xc2: {  	(tm) =	ssettm $0x7FFFFFFF  }
0xc3: {  	_ =	shalt  }
tec
execute0_lowered:
.L_overlay_start_1:
0x0: {  	(tag) =	ssettag $0x1  }
0x1: {  	s7 =	rddreg [dreg:$0x0];
	s1 =	srdreg.scid  }
0x2: {  	s0 =	stileid.u32;
	s2 =	rddreg [dreg:$0x1]  }
0x3: {  	s3 =	simm.s32 $0x0;
	s16 =	simm.s32 $0x80;
	s21 =	simm.s32 $0x200  }
0x4: {  	s22 =	simm.s32 $0x4200;
	s23 =	simm.s32 $0x1;
	s24 =	simm.s32 $0x2  }
0x5: {  	s8 =	sand.u32 $0x1, s1;
	s9 =	smul.u32 $0x14000, s0;
	[smem:$0x7FF] =	sst s3  }
0x6: {  	s4 =	sadd.s32 $0x16E00, s7;
	s26 =	smul.u32 $0x50000, s0;
	s28 =	sshll.u32 s0, $0x5  }
0x7: {  	s30 =	sshll.u32 s0, $0x6;
	s5 =	smul.u32 $0x140000, s8;
	_ =	strace $0x8000004D  }
0x8: {  	s11 =	ssub.s32 $0x2, s8;
	p0 =	seq.s32 s8, $0x0;
	s17 =	sor.u32 $0x800, s28  }
0x9: {  	s25 =	sshrl.u32 s11, $0x1;
	s8 =	sshrl.u32 s26, $0x2;
	s16 =	simm.s32 @!p0 $0x20  }
0xa: {  	s29 =	sshrl.u32 s9, $0x3;
	s6 =	sadd.s32 s9, s5;
	s5 =	sadd.s32 $0x2E00, s7  }
0xb: {  	s15 =	ssub.s32 s11, s25;
	s11 =	sshll.u32 s0, $0x7;
	s18 =	sadd.s32 s8, s2  }
0xc: {  	s8 =	sadd.s32 s4, s29;
	s9 =	sor.u32 $0x1C07, s30;
	s19 =	sshrl.u32 s16, $0x1  }
0xd: {  	s20 =	sadd.s32 $0xFFFFFFFE, s16;
	s16 =	sadd.s32 $0xFFFFFFFD, s16;
	s25 =	simm.s32 $0x0  }
0xe: {  	s10 =	sshrl.u32 s6, $0x3;
	s6 =	sadd.s32 $0xCE00, s7;
	[dreg:$0x3] =	wrdreg s20  }
0xf: {  	s17 =	smov.u32 @p0 s11;
	[dreg:$0x4] =	wrdreg s16;
	s31 =	ssub.s32 $0x0, s19  }
0x10: {  	s15 =	smax.u32 s15, $0x1;
	s14 =	sadd.s32 s10, s7;
	s7 =	simm.s32 $0x80  }
0x11: {  	s12 =	sshll.u32 s17, $0x4;
	s17 =	sshll.u32 s17, $0x7;
	[dreg:$0x5] =	wrdreg s31  }
0x12: {  	s13 =	sor.u32 $0x10, s12;
	s10 =	sadd.s32 s5, s12;
	s12 =	sadd.s32 s6, s12  }
0x13: {  	s14 =	sadd.s32 $0x3EE00, s14;
	s16 =	sor.u32 $0x180, s17;
	s17 =	sshrl.u32 s18, $0x3  }
0x14: {  	s18 =	simm.s32 $0x7;
	s11 =	sadd.s32 s5, s13;
	s13 =	sadd.s32 s6, s13  }
.LBB2_1:
0x15: {  	[spmem:s17], [sflag:s9] =	dma.local [hbm:s8], $0x2800  }
0x16: {  	_ =	swait.ge [sflag:s18], $0x2800  }
0x17: {  	[sflag:s18] =	ssyncset.done $0x0  }
0x18: {  	[sflag:s18] =	ssyncadd.s32 $0xFFFFD800  }
0x19: {  	[bflag:$0x0] =	sbarrier.arrive $0xFFFF  }
0x1a: {  	[tilespmem:s3], [sflag:$0x7] =	stream.linear.gather [hbm4b:s10+s3], $0x80, $0x38;
	[tilespmem:$0x1C200] =	vst v63  }
0x1b: {  	_ =	swait.ge [sflag:s18], $0x80  }
0x1c: {  	[sflag:s18] =	ssyncset.done $0x0  }
0x1d: {  	[sflag:s18] =	ssyncadd.s32 $0xFFFFFF80  }
0x1e: {  	[tilespmem:s7], [sflag:$0x7] =	stream.linear.gather [hbm4b:s11+s3], $0x80, $0x38;
	[tilespmem:$0x1C200] =	vst v63  }
0x1f: {  	_ =	swait.ge [sflag:s18], $0x80  }
0x20: {  	[sflag:s18] =	ssyncset.done $0x0  }
0x21: {  	s0 =	simm.s32 $0x100;
	[sflag:s18] =	ssyncadd.s32 $0xFFFFFF80  }
0x22: {  	[tilespmem:s0], [sflag:$0x7] =	stream.linear.gather [hbm4b:s12+s3], $0x80, $0x38;
	[tilespmem:$0x1C200] =	vst v63  }
0x23: {  	_ =	swait.ge [sflag:s18], $0x80  }
0x24: {  	[sflag:s18] =	ssyncset.done $0x0  }
0x25: {  	s31 =	simm.s32 $0x180;
	[sflag:s18] =	ssyncadd.s32 $0xFFFFFF80  }
0x26: {  	[tilespmem:s31], [sflag:$0x7] =	stream.linear.gather [hbm4b:s13+s3], $0x80, $0x38;
	[tilespmem:$0x1C200] =	vst v63  }
0x27: {  	_ =	swait.ge [sflag:s18], $0x80  }
0x28: {  	[sflag:s18] =	ssyncset.done $0x0  }
0x29: {  	[sflag:s18] =	ssyncadd.s32 $0xFFFFFF80  }
0x2a: {  	[tilespmem:s21], [sflag:$0x1] =	stream.indirect.gather [hbm4b:s4+s7], $0x80, s3, s7, $0xb8;
	[tilespmem:$0x1C200] =	vst v63  }
0x2b: {  	s26 =	smov.u32 s16;
	s28 =	simm.s32 $0x0;
	s29 =	simm.s32 $0x0  }
0x2c: {  	[tilespmem:s22], [sflag:$0x2] =	stream.indirect.gather [hbm4b:s4+s7], $0x80, s7, s7, $0xb8;
	[tilespmem:$0x1C200] =	vst v63  }
.LBB2_2:
0x2d: {  	p0 =	seq.s32 s29, $0x0  }
0x2e: {  	s30 =	simm.s32 @!p0 $0x5  }
0x2f: {  	_ =	swait.ge @!p0 [sflag:s30], $0x80  }
0x30: {  	[sflag:s30] =	ssyncset.done @!p0 $0x0  }
0x31: {  	[sflag:s30] =	ssyncadd.s32 @!p0 $0xFFFFFF80  }
0x32: {  	_ =	swait.ge [sflag:s23], $0x4000  }
0x33: {  	s20 =	rddreg [dreg:$0x3];
	[sflag:s23] =	ssyncset.done $0x0  }
0x34: {  	[sflag:s23] =	ssyncadd.s32 $0xFFFFC000;
	p1 =	sge.u32 s28, s20  }
0x35: {  	s30 =	simm.s32 @p1 $0x80;
	s31 =	simm.s32 @p1 $0x100;
	s1 =	simm.s32 @p1 $0x200  }
0x36: {  	[spmem:s2] =	stream.indirect.scatter.add.f32 @p1 [tilespmem:s1], [sflag:$0x7], $0x80, s31, s30, $0xb8;
	[tilespmem:$0x1C200] =	vst v63  }
0x37: {  	s1 =	simm.s32 @p1 $0x7  }
0x38: {  	s30 =	sadd.s32 @!p1 $0xFFFFFF80, s26;
	_ =	swait.ge @p1 [sflag:s1], $0x4000  }
0x39: {  	s0 =	simm.s32 @!p1 $0x100;
	s30 =	sshrl.u32 @!p1 s30, $0x3;
	[sflag:s1] =	ssyncset.done @p1 $0x0  }
0x3a: {  	s31 =	simm.s32 @!p1 $0x0;
	[sflag:s1] =	ssyncadd.s32 @p1 $0xFFFFC000;
	s1 =	sadd.s32 @!p1 s5, s30  }
0x3b: {  	[tilespmem:s31], [sflag:$0x3] =	stream.linear.gather @!p1 [hbm4b:s1+s31], $0x80, $0x38;
	[tilespmem:$0x1C200] =	vst v63  }
0x3c: {  	s19 =	simm.s32 @!p1 $0x200;
	s20 =	simm.s32 @!p1 $0x7;
	s1 =	simm.s32 @!p1 $0x80  }
0x3d: {  	[spmem:s2] =	stream.indirect.scatter.add.f32 @!p1 [tilespmem:s19], [sflag:$0x7], $0x80, s0, s1, $0xb8;
	[tilespmem:$0x1C200] =	vst v63  }
0x3e: {  	_ =	swait.ge @!p1 [sflag:s20], $0x4000  }
0x3f: {  	[sflag:s20] =	ssyncset.done @!p1 $0x0  }
0x40: {  	[sflag:s20] =	ssyncadd.s32 @!p1 $0xFFFFC000;
	s20 =	sadd.s32 @!p1 s6, s30  }
0x41: {  	[tilespmem:s0], [sflag:$0x5] =	stream.linear.gather @!p1 [hbm4b:s20+s31], $0x80, $0x38;
	[tilespmem:$0x1C200] =	vst v63  }
0x42: {  	s0 =	simm.s32 @!p1 $0x3  }
0x43: {  	_ =	swait.ge @!p1 [sflag:s0], $0x80  }
0x44: {  	[sflag:s0] =	ssyncset.done @!p1 $0x0  }
0x45: {  	[sflag:s0] =	ssyncadd.s32 @!p1 $0xFFFFFF80;
	s0 =	simm.s32 @!p0 $0x6  }
0x46: {  	[tilespmem:s19], [sflag:$0x1] =	stream.indirect.gather @!p1 [hbm4b:s4+s1], $0x80, s31, s1, $0xb8;
	[tilespmem:$0x1C200] =	vst v63  }
0x47: {  	_ =	swait.ge @!p0 [sflag:s0], $0x80  }
0x48: {  	[sflag:s0] =	ssyncset.done @!p0 $0x0  }
0x49: {  	[sflag:s0] =	ssyncadd.s32 @!p0 $0xFFFFFF80  }
0x4a: {  	_ =	swait.ge [sflag:s24], $0x4000  }
0x4b: {  	s30 =	rddreg [dreg:$0x4];
	[sflag:s24] =	ssyncset.done $0x0  }
0x4c: {  	[sflag:s24] =	ssyncadd.s32 $0xFFFFC000;
	p0 =	sge.u32 s28, s30  }
0x4d: {  	s0 =	simm.s32 @p0 $0x80;
	s1 =	simm.s32 @p0 $0x180;
	s19 =	simm.s32 @p0 $0x4200  }
0x4e: {  	[spmem:s2] =	stream.indirect.scatter.add.f32 @p0 [tilespmem:s19], [sflag:$0x7], $0x80, s1, s0, $0xb8;
	[tilespmem:$0x1C200] =	vst v63  }
0x4f: {  	s0 =	simm.s32 @p0 $0x7  }
0x50: {  	_ =	swait.ge @p0 [sflag:s0], $0x4000  }
0x51: {  	[sflag:s0] =	ssyncset.done @p0 $0x0  }
0x52: {  	[sflag:s0] =	ssyncadd.s32 @p0 $0xFFFFC000;
	s0 =	sshrl.u32 @!p0 s26, $0x3  }
0x53: {  	s20 =	simm.s32 @!p0 $0x80;
	s19 =	simm.s32 @!p0 $0x0;
	s1 =	sadd.s32 @!p0 s5, s0  }
0x54: {  	[tilespmem:s20], [sflag:$0x4] =	stream.linear.gather @!p0 [hbm4b:s1+s19], $0x80, $0x38;
	[tilespmem:$0x1C200] =	vst v63  }
0x55: {  	s30 =	simm.s32 @!p0 $0x4200;
	s31 =	simm.s32 @!p0 $0x7;
	s1 =	simm.s32 @!p0 $0x180  }
0x56: {  	[spmem:s2] =	stream.indirect.scatter.add.f32 @!p0 [tilespmem:s30], [sflag:$0x7], $0x80, s1, s20, $0xb8;
	[tilespmem:$0x1C200] =	vst v63  }
0x57: {  	_ =	swait.ge @!p0 [sflag:s31], $0x4000  }
0x58: {  	[sflag:s31] =	ssyncset.done @!p0 $0x0  }
0x59: {  	s0 =	sadd.s32 @!p0 s6, s0;
	[sflag:s31] =	ssyncadd.s32 @!p0 $0xFFFFC000  }
0x5a: {  	[tilespmem:s1], [sflag:$0x6] =	stream.linear.gather @!p0 [hbm4b:s0+s19], $0x80, $0x38;
	[tilespmem:$0x1C200] =	vst v63  }
0x5b: {  	s0 =	simm.s32 @!p0 $0x4  }
0x5c: {  	_ =	swait.ge @!p0 [sflag:s0], $0x80  }
0x5d: {  	[sflag:s0] =	ssyncset.done @!p0 $0x0  }
0x5e: {  	s29 =	sadd.s32 $0xFFFFFFFF, s29;
	s31 =	rddreg [dreg:$0x5];
	[sflag:s0] =	ssyncadd.s32 @!p0 $0xFFFFFF80  }
0x5f: {  	[tilespmem:s30], [sflag:$0x2] =	stream.indirect.gather @!p0 [hbm4b:s4+s20], $0x80, s20, s20, $0xb8;
	[tilespmem:$0x1C200] =	vst v63  }
0x60: {  	p0 =	sne.s32 s31, s29  }
.Ltmp0:
0x61: {  	_ = 	snop;
	(pc) =	sbr.rel @p0 .LBB2_2-.Ltmp0, $2  }
0x62: {  	_ =	sdelay $0x2  }
0x63: {  	s28 =	sadd.s32 $0x2, s28;
	s26 =	sadd.s32 $0x100, s26  }
0x64: {  	s25 =	sadd.s32 $0x1, s25  }
0x65: {  	p0 =	sne.s32 s25, s15  }
.Ltmp1:
0x66: {  	[bflag:$0x0] =	sbarrier.arrive $0xFFFF;
	(pc) =	sbr.rel @p0 .LBB2_1-.Ltmp1, $4  }
0x67: {  	[hbm:s14], [sflag:s9] =	dma.local [spmem:s17], $0x2800  }
0x68: {  	_ =	swait.ge [sflag:s18], $0x2800  }
0x69: {  	[sflag:s18] =	ssyncset.done $0x0  }
0x6a: {  	[sflag:s18] =	ssyncadd.s32 $0xFFFFD800  }
0x6b: {  	_ =	sfence.sel $0x180000  }
0x6c: {  	[bflag:$0x0] =	sbarrier.arrive $0xFFFF  }
0x6d: {  	_ =	strace $0x9000004D  }
0x6e: {  	s0 =	stileid.u32;
	[bflag:$0x2] =	sbarrier.arrive $0xFFFF  }
0x6f: {  	p0 =	sne.s32 s0, $0x0;
	s0 =	rddreg [dreg:$0x2]  }
0x70: {  	s0 =	sadd.s32 @!p0 $0x100000, s0  }
0x71: {  	[sflag:s0] =	ssyncadd.tile.s32 @!p0 $0x1;
	_ =	shalt  }
.Lfunc_end2:
_tile_overlayer_lowered:
.L_overlay_start_2:
0x72: {  	(tag) =	ssettag $0x2  }
0x73: {  	s0 =	rddreg [dreg:$0x0];
	s2 =	stileid.u32  }
0x74: {  	s1 =	rddreg [dreg:$0x1];
	p0 =	sne.s32 s2, $0x0  }
0x75: {  	s3 =	rddreg [dreg:$0x2];
	[bflag:$0x3] =	sbarrier.arrive $0xFFFF;
	s2 =	simm.s32 @!p0 $0x1C07  }
0x76: {  	[timem:s3], [sflag:s2] =	dma.local @!p0 [hbm:s0], s1  }
0x77: {  	s0 =	simm.s32 @!p0 $0x7  }
0x78: {  	_ =	swait.ge @!p0 [sflag:s0], s1  }
0x79: {  	s1 =	ssub.s32 @!p0 $0x0, s1;
	[sflag:s0] =	ssyncset.done @!p0 $0x0  }
0x7a: {  	[sflag:s0] =	ssyncadd.s32 @!p0 s1  }
0x7b: {  	[bflag:$0x3] =	sbarrier.arrive $0xFFFF  }
0x7c: {  	_ =	shalt  }

// kernel: kernel.8.cloned.1.call-start
scs
__scs_entry_jumppad:
0x0: {  	(pc) =	sbr.rel $0x88, $3  }
0x1: {  	(tag) =	ssettag $0x0;
	lr =	simm.s32 $0x1  }
0x2: {  	[smem:$0x3F98] =	sst lr;
	_ =	strace $0xD0000000  }
0x3: {  	_ = 	snop  }
0x4: {  	_ = 	snop  }
0x5: {  	_ = 	snop  }
0x6: {  	_ = 	snop  }
0x7: {  	_ = 	snop  }
__scs_overlays_trampoline_lowered:
0x8: {  	[smem:$0x3FA7] =	sst s0  }
0x9: {  	[smem:$0x3FA8] =	sst s1  }
0xa: {  	[smem:$0x3FA9] =	sst s2  }
0xb: {  	[smem:$0x3FAA] =	sst s3  }
0xc: {  	[smem:$0x3FAB] =	sst s4  }
0xd: {  	[smem:$0x3FAC] =	sst s5  }
0xe: {  	[smem:$0x3FAD] =	sst s6  }
0xf: {  	[smem:$0x3FAE] =	sst s7  }
0x10: {  	[smem:$0x3FAF] =	sst s8  }
0x11: {  	[smem:$0x3FB0] =	sst s9;
	s0 =	simm.s32 @!p0 $0x0  }
0x12: {  	s1 =	sld [smem:$0x3F96];
	s0 =	simm.s32 @p0 $0x1  }
0x13: {  	[smem:$0x3FB1] =	sst s0;
	s0 =	simm.s32 @!p1 $0x0  }
0x14: {  	s2 =	sld [smem:$0x3F95];
	s0 =	simm.s32 @p1 $0x1  }
0x15: {  	[smem:$0x3FB2] =	sst s0;
	s0 =	simm.s32 @!p2 $0x0  }
0x16: {  	s3 =	sld [smem:$0x3FDB];
	s0 =	simm.s32 @p2 $0x1  }
0x17: {  	s4 =	simm.s32 $0x1BF5;
	[smem:$0x3FB4] =	sst s0  }
0x18: {  	s0 =	sld [smem:$0x3F97];
	_ =	swait.ge [sflag:s4], $0x0  }
0x19: {  	s7 =	sld [smem:$0x3F98]  }
0x1a: {  	s8 =	sadd.s32 $0xFFFFE003, lr  }
0x1b: {  	s9 =	sadd.s32 $0xFFFFFEF7, lr;
	s5 =	simm.s32 $0xFFFFFFFF;
	p2 =	slt.u32 s8, $0xFFFFF086  }
0x1c: {  	p1 =	slt.u32 s9, $0xF7A;
	s5 =	simm.s32 @!p2 $0x0  }
0x1d: {  	s5 =	simm.s32 @p1 $0x1;
	p0 =	seq.s32 s7, s2  }
0x1e: {  	s7 =	smul.u32 @!p0 $0xF7A, s2;
	p2 =	seq.s32 @!p0 s5, $0x0  }
0x1f: {  	s9 =	smul.u32 $0xF7A, s1;
	s8 =	simm.s32 @!p0 $0x1BF5;
	p2 =	por !p2, p0  }
0x20: {  	[sflag:s8] =	ssyncset.s32 @!p0 $0xFFFFF086;
	s6 =	sadd.s32 @!p0 s3, s7;
	s7 =	simm.s32 @!p0 $0x108  }
0x21: {  	s3 =	sadd.s32 s3, s9;
	s6 =	sadd.s32 @!p0 $0x88, s6;
	s7 =	simm.s32 @p2 $0x1082  }
0x22: {  	[simem:s7], [sflag:s8] =	dma.local @!p0 [hbm:s6], $0xF7A  }
0x23: {  	s9 =	sor.u32 $0xD0000000, s2;
	s6 =	simm.s32 $0x108;
	_ =	swait.ge @!p0 [sflag:s8], $0x0  }
0x24: {  	s3 =	sadd.s32 $0x88, s3;
	s6 =	simm.s32 @!p1 $0x1082;
	[sflag:s4] =	ssyncset.s32 $0xFFFFF086  }
0x25: {  	[simem:s6], [sflag:s4] =	dma.local [hbm:s3], $0xF7A  }
0x26: {  	[smem:$0x3F98] =	sst s1;
	(tag) =	ssettag s2;
	_ =	strace s9  }
0x27: {  	s1 =	sld [smem:$0x3FA8]  }
0x28: {  	s2 =	sld [smem:$0x3FA9]  }
0x29: {  	s4 =	sld [smem:$0x3FAB]  }
0x2a: {  	p0 =	seq.s32 s5, $0x0;
	s5 =	sld [smem:$0x3FAC]  }
0x2b: {  	s6 =	sld [smem:$0x3FAD]  }
0x2c: {  	s7 =	sld [smem:$0x3FAE]  }
0x2d: {  	s3 =	simm.s32 $0x108;
	s8 =	sld [smem:$0x3FAF]  }
0x2e: {  	s3 =	simm.s32 @!p0 $0x1082;
	s9 =	sld [smem:$0x3FB0]  }
0x2f: {  	lr =	sadd.s32 s0, s3;
	s0 =	sld [smem:$0x3FA7]  }
0x30: {  	s3 =	sld [smem:$0x3FAA]  }
0x31: {  	[smem:$0x3FB3] =	sst s10  }
0x32: {  	s10 =	sld [smem:$0x3FB1];
	_ =	sdelay $0x3  }
0x33: {  	p0 =	seq.s32 s10, $0x1;
	s10 =	sld [smem:$0x3FB3];
	_ =	sdelay $0x3  }
0x34: {  	[smem:$0x3FB3] =	sst s10  }
0x35: {  	s10 =	sld [smem:$0x3FB2];
	_ =	sdelay $0x3  }
0x36: {  	p1 =	seq.s32 s10, $0x1;
	s10 =	sld [smem:$0x3FB3];
	_ =	sdelay $0x3  }
0x37: {  	[smem:$0x3FB3] =	sst s10  }
0x38: {  	s10 =	sld [smem:$0x3FB4]  }
0x39: {  	_ = 	snop;
	(pc) =	sbr.ind lr, $3  }
0x3a: {  	_ = 	snop  }
0x3b: {  	_ = 	snop  }
0x3c: {  	p2 =	seq.s32 s10, $0x1;
	s10 =	sld [smem:$0x3FB3]  }
0x3d: {  	_ =	shalt  }
0x3e: {  	_ =	shalt  }
0x3f: {  	_ =	shalt  }
0x40: {  	_ =	shalt  }
0x41: {  	_ =	shalt  }
0x42: {  	_ =	shalt  }
0x43: {  	_ =	shalt  }
0x44: {  	_ =	shalt  }
0x45: {  	_ =	shalt  }
0x46: {  	_ =	shalt  }
0x47: {  	_ =	shalt  }
0x48: {  	_ =	shalt  }
0x49: {  	_ =	shalt  }
0x4a: {  	_ =	shalt  }
0x4b: {  	_ =	shalt  }
0x4c: {  	_ =	shalt  }
0x4d: {  	_ =	shalt  }
0x4e: {  	_ =	shalt  }
0x4f: {  	_ =	shalt  }
0x50: {  	_ =	shalt  }
0x51: {  	_ =	shalt  }
0x52: {  	_ =	shalt  }
0x53: {  	_ =	shalt  }
0x54: {  	_ =	shalt  }
0x55: {  	_ =	shalt  }
0x56: {  	_ =	shalt  }
0x57: {  	_ =	shalt  }
0x58: {  	_ =	shalt  }
0x59: {  	_ =	shalt  }
0x5a: {  	_ =	shalt  }
0x5b: {  	_ =	shalt  }
0x5c: {  	_ =	shalt  }
0x5d: {  	_ =	shalt  }
0x5e: {  	_ =	shalt  }
0x5f: {  	_ =	shalt  }
0x60: {  	_ =	shalt  }
0x61: {  	_ =	shalt  }
0x62: {  	_ =	shalt  }
0x63: {  	_ =	shalt  }
0x64: {  	_ =	shalt  }
0x65: {  	_ =	shalt  }
0x66: {  	_ =	shalt  }
0x67: {  	_ =	shalt  }
0x68: {  	_ =	shalt  }
0x69: {  	_ =	shalt  }
0x6a: {  	_ =	shalt  }
0x6b: {  	_ =	shalt  }
0x6c: {  	_ =	shalt  }
0x6d: {  	_ =	shalt  }
0x6e: {  	_ =	shalt  }
0x6f: {  	_ =	shalt  }
0x70: {  	_ =	shalt  }
0x71: {  	_ =	shalt  }
0x72: {  	_ =	shalt  }
0x73: {  	_ =	shalt  }
0x74: {  	_ =	shalt  }
0x75: {  	_ =	shalt  }
0x76: {  	_ =	shalt  }
0x77: {  	_ =	shalt  }
0x78: {  	_ =	shalt  }
0x79: {  	_ =	shalt  }
0x7a: {  	_ =	shalt  }
0x7b: {  	_ =	shalt  }
0x7c: {  	_ =	shalt  }
0x7d: {  	_ =	shalt  }
0x7e: {  	_ =	shalt  }
0x7f: {  	_ =	shalt  }
0x80: {  	_ =	shalt  }
0x81: {  	_ =	shalt  }
0x82: {  	_ =	shalt  }
0x83: {  	_ =	shalt  }
0x84: {  	_ =	shalt  }
0x85: {  	_ =	shalt  }
0x86: {  	_ =	shalt  }
0x87: {  	_ =	shalt  }
.Lfunc_end0:
.L_simem_size_0:
called_computation_lowered:
.L_overlay_start_0:
0x88: {  	s2 =	sld [smem:$0x3FD9]  }
0x89: {  	s3 =	sld [smem:$0x3FFE];
	_ =	sdelay $0x1  }
0x8a: {  	s1 =	srdreg.scid  }
0x8b: {  	s0 =	sand.u32 $0x1, s1  }
0x8c: {  	s16 =	sshll.u32 s0, $0xA;
	s2 =	sadd.s32 s3, s2  }
0x8d: {  	s2 =	sadd.s32 s2, s16  }
0x8e: {  	[smem:$0x3FBF] =	sst s2  }
0x8f: {  	_ = 	snop  }
0x90: {  	(tm) =	ssettm $0x1  }
0x91: {  	s17 =	sld [smem:$0x3FFB];
	_ =	sdelay $0x3  }
0x92: {  	_ =	strace s17  }
0x93: {  	s2 =	sld [smem:$0x3FFC];
	_ =	sdelay $0x3  }
0x94: {  	_ =	strace s2  }
0x95: {  	s2 =	sld [smem:$0x3FFD];
	_ =	sdelay $0x3  }
0x96: {  	_ =	strace s2  }
0x97: {  	_ =	strace $0x8FFFFFFF  }
0x98: {  	s18 =	sld [smem:$0x3FDB];
	_ =	sdelay $0x1  }
0x99: {  	s19 =	simm.s32 $_scs_section_size  }
0x9a: {  	s4 =	simm.s32 $_size__tile_overlayer_lowered;
	s5 =	simm.s32 $_tile_overlayer_lowered  }
0x9b: {  	s22 =	simm.s32 $0x1BFF;
	s21 =	sshll.u32 s5, $0x1;
	s2 =	sadd.s32 s19, s18  }
0x9c: {  	s6 =	simm.s32 $0x0;
	s20 =	sshll.u32 s4, $0x1;
	s4 =	sadd.s32 s21, s2  }
0x9d: {  	[timem:s6], [sflag:s22] =	dma.local [hbm:s4], s20  }
0x9e: {  	_ =	swait.ge [sflag:s22], s20  }
0x9f: {  	s3 =	ssub.s32 $0x0, s20;
	[sflag:s22] =	ssyncset.done $0x0  }
0xa0: {  	[sflag:s22] =	ssyncadd.s32 s3;
	_ =	sdelay $0x1  }
0xa1: {  	s23 =	simm.s32 $0x1B8B  }
0xa2: {  	_ =	swait.ge [sflag:s23], $0x1  }
0xa3: {  	[sflag:s23] =	ssyncset.done $0x0  }
0xa4: {  	s25 =	simm.s32 $0x1B8E;
	s24 =	sld [smem:$0x3FFE];
	[sflag:s23] =	ssyncadd.s32 $0xFFFFFFFF  }
0xa5: {  	s26 =	simm.s32 $execute0_lowered;
	[smem:$0x3FD2] =	sst s25  }
0xa6: {  	s4 =	sshll.u32 s26, $0x1;
	_ =	strace $0x80000046;
	[dreg:$0x1] =	wrdreg $0xFFFFFFFF  }
0xa7: {  	s28 =	simm.s32 $_size_execute0_lowered;
	s2 =	sadd.s32 s2, s4;
	[dreg:$0x0] =	wrdreg $0x0  }
0xa8: {  	s4 =	sshll.u32 s28, $0x1;
	[dreg:$0x2] =	wrdreg s2  }
0xa9: {  	[dreg:$0x3] =	wrdreg s4  }
0xaa: {  	[dreg:$0x4] =	wrdreg $0xC0  }
0xab: {  	_ =	task [dreg:s6], $0x5FFFF  }
0xac: {  	[dreg:$0x1] =	wrdreg $0xFFFFFFFF  }
0xad: {  	[dreg:$0x0] =	wrdreg $0x60  }
0xae: {  	[dreg:$0x2] =	wrdreg s24  }
0xaf: {  	[dreg:$0x3] =	wrdreg $0x43000  }
0xb0: {  	[dreg:$0x4] =	wrdreg $0x9  }
0xb1: {  	_ =	task.clear_ibuf [dreg:s6], $0x5FFFF;
	_ =	strace $0x90000046  }
0xb2: {  	s29 =	simm.s32 $0x9;
	_ =	strace $0x80000048  }
0xb3: {  	_ =	swait.ge [sflag:s29], $0x1  }
0xb4: {  	[sflag:s29] =	ssyncadd.s32 $0xFFFFFFFF  }
0xb5: {  	_ =	strace $0x90000048  }
0xb6: {  	_ =	sfence  }
0xb7: {  	s30 =	sld [smem:$0x0];
	_ =	sdelay $0x2  }
0xb8: {  	s31 =	sshll.u32 s1, $0xD;
	s1 =	sshrl.u32 s1, $0x2  }
0xb9: {  	s3 =	sand.u32 $0x4000, s31;
	s1 =	sadd.s32 s1, s30  }
0xba: {  	s0 =	sor.u32 s3, s0;
	s1 =	sshll.u32 s1, $0x11  }
0xbb: {  	s0 =	sor.u32 s1, s0  }
0xbc: {  	s0 =	sadd.s32 $0x8F2B, s0  }
0xbd: {  	[sflag:s0] =	ssyncadd.remote.s32 $0x1  }
0xbe: {  	_ =	sfence.sel $0xFFFF  }
0xbf: {  	[dreg:$0x0] =	wrdreg $0xFFFFFFFF;
	(pc) =	sbr.abs _section_cstart, $3  }
0xc0: {  	[dreg:$0x1] =	wrdreg $0xFFFFFFFF  }
0xc1: {  	_ =	task.clear_ibuf [dreg:s6], $0x2FFFF;
	_ =	strace $0x9FFFFFFF  }
0xc2: {  	(tm) =	ssettm $0x7FFFFFFF  }
0xc3: {  	_ =	shalt  }
tec
execute0_lowered:
.L_overlay_start_1:
0x0: {  	(tag) =	ssettag $0x1  }
0x1: {  	s4 =	rddreg [dreg:$0x0]  }
0x2: {  	s2 =	rddreg [dreg:$0x1]  }
0x3: {  	s0 =	rddreg [dreg:$0x2];
	s3 =	simm.s32 $0x0;
	s5 =	srdreg.scid  }
0x4: {  	s1 =	stileid.u32;
	s12 =	simm.s32 $0x4000;
	s13 =	simm.s32 $0x1  }
0x5: {  	s14 =	simm.s32 $0x2;
	s17 =	simm.s32 $0x20;
	s18 =	simm.s32 $0x10  }
0x6: {  	s19 =	simm.s32 $0x0;
	[smem:$0x7FF] =	sst s3;
	s26 =	smul.u32 $0x500, s1  }
0x7: {  	s9 =	sand.u32 $0x1, s5;
	s7 =	sadd.s32 $0xCE00, s4;
	s10 =	smul.u32 $0xA00, s1  }
0x8: {  	s29 =	sshll.u32 s1, $0x9;
	s30 =	sshll.u32 s1, $0xB;
	s15 =	sshll.u32 s1, $0x6  }
0x9: {  	_ =	strace $0x80000047;
	s6 =	sshll.u32 s9, $0x7;
	s28 =	ssub.s32 $0x2, s9  }
0xa: {  	p0 =	sne.s32 s9, $0x0;
	s9 =	simm.s32 $0x4080;
	s15 =	sor.u32 $0x1C03, s15  }
0xb: {  	s5 =	sor.u32 s6, s26;
	s8 =	sshrl.u32 s28, $0x1;
	s31 =	sshrl.u32 s10, $0x2  }
0xc: {  	s10 =	simm.s32 $0x3;
	s5 =	sshrl.u32 s5, $0x3;
	s8 =	ssub.s32 s28, s8  }
0xd: {  	s6 =	sadd.s32 s31, s2;
	s11 =	sadd.s32 s5, s4;
	s4 =	sadd.s32 s29, s7  }
0xe: {  	s5 =	sadd.s32 s7, s30;
	s8 =	smax.u32 s8, $0x1;
	s16 =	sshrl.u32 s6, $0x3  }
0xf: {  	v0 =	vimm.f32 $1.000000000e+00;
	v1 =	vimm.f32 $0.0e+00;
	s4 =	sadd.s32 $0x8000, s4;
	s7 =	sadd.s32 $0x16E00, s11;
	s11 =	simm.s32 $0x80  }
.LBB2_1:
0x10: {  	[tilespmem:$0x4000] =	vst v0  }
0x11: {  	[tilespmem:$0x4010] =	vst v0  }
0x12: {  	[tilespmem:$0x4020] =	vst v0  }
0x13: {  	[tilespmem:$0x4030] =	vst v0  }
0x14: {  	[tilespmem:$0x4040] =	vst v0  }
0x15: {  	[tilespmem:$0x4050] =	vst v0  }
0x16: {  	[tilespmem:$0x4060] =	vst v0  }
0x17: {  	[tilespmem:$0x4070] =	vst v0  }
0x18: {  	[tilespmem:$0x4080] =	vst v1  }
0x19: {  	[tilespmem:$0x4090] =	vst v1  }
0x1a: {  	[tilespmem:$0x40A0] =	vst v1  }
0x1b: {  	[tilespmem:$0x40B0] =	vst v1  }
0x1c: {  	[tilespmem:$0x40C0] =	vst v1  }
0x1d: {  	[tilespmem:$0x40D0] =	vst v1  }
0x1e: {  	[tilespmem:$0x40E0] =	vst v1  }
0x1f: {  	[tilespmem:$0x40F0] =	vst v1  }
0x20: {  	[tilespmem:$0x4100] =	vst v1  }
0x21: {  	[tilespmem:$0x4110] =	vst v1  }
0x22: {  	[tilespmem:$0x4120] =	vst v1  }
0x23: {  	[tilespmem:$0x4130] =	vst v1  }
0x24: {  	[tilespmem:$0x4140] =	vst v1  }
0x25: {  	[tilespmem:$0x4150] =	vst v1  }
0x26: {  	[tilespmem:$0x4160] =	vst v1  }
0x27: {  	[tilespmem:$0x4170] =	vst v1  }
0x28: {  	[tilespmem:$0x4180] =	vst v1  }
0x29: {  	[tilespmem:$0x4190] =	vst v1  }
0x2a: {  	[tilespmem:$0x41A0] =	vst v1  }
0x2b: {  	[tilespmem:$0x41B0] =	vst v1  }
0x2c: {  	[tilespmem:$0x41C0] =	vst v1  }
0x2d: {  	[tilespmem:$0x41D0] =	vst v1  }
0x2e: {  	[tilespmem:$0x41E0] =	vst v1  }
0x2f: {  	[tilespmem:$0x41F0] =	vst v1  }
0x30: {  	[tilespmem:$0x4200] =	vst v1  }
0x31: {  	[tilespmem:$0x4210] =	vst v1  }
0x32: {  	[tilespmem:$0x4220] =	vst v1  }
0x33: {  	[tilespmem:$0x4230] =	vst v1  }
0x34: {  	[tilespmem:$0x4240] =	vst v1  }
0x35: {  	[tilespmem:$0x4250] =	vst v1  }
0x36: {  	[tilespmem:$0x4260] =	vst v1  }
0x37: {  	[tilespmem:$0x4270] =	vst v1  }
0x38: {  	[tilespmem:$0x4280] =	vst v1  }
0x39: {  	[tilespmem:$0x4290] =	vst v1  }
0x3a: {  	[tilespmem:$0x42A0] =	vst v1  }
0x3b: {  	[tilespmem:$0x42B0] =	vst v1  }
0x3c: {  	[tilespmem:$0x42C0] =	vst v1  }
0x3d: {  	[tilespmem:$0x42D0] =	vst v1  }
0x3e: {  	[tilespmem:$0x42E0] =	vst v1  }
0x3f: {  	[tilespmem:$0x42F0] =	vst v1;
	s20 =	simm.s32 @p0 $0x0  }
0x40: {  	[tilespmem:s20], [sflag:$0x3] =	stream.linear.gather @p0 [hbm4b:s4+s20], $0x1000, $0x38;
	[tilespmem:$0x4580] =	vst v63  }
0x41: {  	s20 =	simm.s32 @p0 $0x3  }
0x42: {  	_ =	swait.ge @p0 [sflag:s20], $0x1000  }
0x43: {  	[sflag:s20] =	ssyncset.done @p0 $0x0  }
0x44: {  	[sflag:s20] =	ssyncadd.s32 @p0 $0xFFFFF000;
	s20 =	simm.s32 @!p0 $0x0  }
0x45: {  	[tilespmem:s20], [sflag:$0x3] =	stream.linear.gather @!p0 [hbm4b:s5+s20], $0x4000, $0x38;
	[tilespmem:$0x4580] =	vst v63  }
0x46: {  	s20 =	simm.s32 @!p0 $0x3  }
0x47: {  	_ =	swait.ge @!p0 [sflag:s20], $0x4000  }
0x48: {  	[sflag:s20] =	ssyncset.done @!p0 $0x0  }
0x49: {  	[sflag:s20] =	ssyncadd.s32 @!p0 $0xFFFFC000  }
0x4a: {  	[spmem:s6] =	stream.linear.scatter [tilespmem:s9], [sflag:$0x3], $0x280, $0x38;
	[tilespmem:$0x4580] =	vst v63  }
0x4b: {  	_ =	swait.ge [sflag:s10], $0x280  }
0x4c: {  	[sflag:s10] =	ssyncset.done $0x0  }
0x4d: {  	[sflag:s10] =	ssyncadd.s32 $0xFFFFFD80  }
0x4e: {  	s20 =	simm.s32 @!p0 $0x40;
	[bflag:$0x0] =	sbarrier.arrive $0xFFFF  }
0x4f: {  	[spmem:s2] =	stream.indirect.scatter.add.f32 [tilespmem:s12], [sflag:$0x1], $0x1, s3, s11, $0xb8;
	[tilespmem:$0x4580] =	vst v63  }
0x50: {  	s20 =	simm.s32 @p0 $0x10  }
0x51: {  	[spmem:s2] =	stream.indirect.scatter.add.f32 [tilespmem:s12], [sflag:$0x2], $0x1, s11, s11, $0xb8;
	[tilespmem:$0x4580] =	vst v63  }
0x52: {  	s20 =	sadd.s32 $0xFFFFFFFF, s20;
	_ =	swait.ge [sflag:s13], $0x80  }
0x53: {  	p1 =	sne.s32 s20, $0x1;
	[sflag:s13] =	ssyncset.done $0x0  }
.Ltmp0:
0x54: {  	s21 =	simm.s32 $0x100;
	[sflag:s13] =	ssyncadd.s32 $0xFFFFFF80;
	(pc) =	sbr.rel @!p1 .LBB2_3-.Ltmp0, $4  }
0x55: {  	[spmem:s2] =	stream.indirect.scatter.add.f32 [tilespmem:s12], [sflag:$0x1], $0x1, s21, s11, $0xb8;
	[tilespmem:$0x4580] =	vst v63  }
0x56: {  	_ =	swait.ge [sflag:s14], $0x80  }
0x57: {  	s22 =	simm.s32 $0x180;
	[sflag:s14] =	ssyncset.done $0x0  }
0x58: {  	s20 =	sadd.s32 $0xFFFFFFFF, s20;
	s21 =	simm.s32 $0x280;
	[sflag:s14] =	ssyncadd.s32 $0xFFFFFF80  }
.LBB2_2:
0x59: {  	[spmem:s2] =	stream.indirect.scatter.add.f32 [tilespmem:s12], [sflag:$0x2], $0x1, s22, s11, $0xb8;
	[tilespmem:$0x4580] =	vst v63  }
0x5a: {  	p1 =	sne.s32 s20, $0x1;
	s20 =	sadd.s32 $0xFFFFFFFF, s20;
	_ =	swait.ge [sflag:s13], $0x80  }
0x5b: {  	s22 =	smov.u32 s21;
	[sflag:s13] =	ssyncset.done $0x0  }
.Ltmp1:
0x5c: {  	s23 =	sadd.s32 $0xFFFFFF80, s21;
	[sflag:s13] =	ssyncadd.s32 $0xFFFFFF80;
	(pc) =	sbr.rel @p1 .LBB2_2-.Ltmp1, $4  }
0x5d: {  	[spmem:s2] =	stream.indirect.scatter.add.f32 [tilespmem:s12], [sflag:$0x1], $0x1, s23, s11, $0xb8;
	[tilespmem:$0x4580] =	vst v63  }
0x5e: {  	_ =	swait.ge [sflag:s14], $0x80  }
0x5f: {  	[sflag:s14] =	ssyncset.done $0x0  }
0x60: {  	s21 =	sadd.s32 $0x100, s21;
	[sflag:s14] =	ssyncadd.s32 $0xFFFFFF80  }
.LBB2_3:
0x61: {  	[spmem:s2] =	stream.indirect.scatter.add.f32 [tilespmem:s12], [sflag:$0x2], $0x1, s22, s11, $0xb8;
	[tilespmem:$0x4580] =	vst v63  }
0x62: {  	_ =	swait.ge [sflag:s13], $0x80  }
0x63: {  	[sflag:s13] =	ssyncset.done $0x0  }
0x64: {  	[sflag:s13] =	ssyncadd.s32 $0xFFFFFF80  }
0x65: {  	_ =	swait.ge [sflag:s14], $0x80  }
0x66: {  	s19 =	sadd.s32 $0x1, s19;
	[sflag:s14] =	ssyncset.done $0x0  }
0x67: {  	p1 =	sne.s32 s19, s8;
	[sflag:s14] =	ssyncadd.s32 $0xFFFFFF80  }
.Ltmp2:
0x68: {  	[bflag:$0x0] =	sbarrier.arrive $0xFFFF;
	(pc) =	sbr.rel @p1 .LBB2_1-.Ltmp2, $4  }
0x69: {  	[hbm:s7@s17], [sflag:s15] =	dma.strided [spmem:s16@s18], $0x50, s13, $0x10   }
0x6a: {  	_ =	swait.ge [sflag:s10], $0x50  }
0x6b: {  	[sflag:s10] =	ssyncset.done $0x0  }
0x6c: {  	[sflag:s10] =	ssyncadd.s32 $0xFFFFFFB0  }
0x6d: {  	_ =	sfence.sel $0x180000  }
0x6e: {  	[bflag:$0x0] =	sbarrier.arrive $0xFFFF  }
0x6f: {  	p0 =	sne.s32 s1, $0x0;
	_ =	strace $0x90000047  }
0x70: {  	s0 =	sadd.s32 @!p0 $0x100000, s0;
	[bflag:$0x2] =	sbarrier.arrive $0xFFFF  }
0x71: {  	[sflag:s0] =	ssyncadd.tile.s32 @!p0 $0x1;
	_ =	shalt  }
.Lfunc_end2:
_tile_overlayer_lowered:
.L_overlay_start_2:
0x72: {  	(tag) =	ssettag $0x2  }
0x73: {  	s0 =	rddreg [dreg:$0x0];
	s2 =	stileid.u32  }
0x74: {  	s1 =	rddreg [dreg:$0x1];
	p0 =	sne.s32 s2, $0x0  }
0x75: {  	s3 =	rddreg [dreg:$0x2];
	[bflag:$0x3] =	sbarrier.arrive $0xFFFF;
	s2 =	simm.s32 @!p0 $0x1C03  }
0x76: {  	[timem:s3], [sflag:s2] =	dma.local @!p0 [hbm:s0], s1  }
0x77: {  	s0 =	simm.s32 @!p0 $0x3  }
0x78: {  	_ =	swait.ge @!p0 [sflag:s0], s1  }
0x79: {  	s1 =	ssub.s32 @!p0 $0x0, s1;
	[sflag:s0] =	ssyncset.done @!p0 $0x0  }
0x7a: {  	[sflag:s0] =	ssyncadd.s32 @!p0 s1  }
0x7b: {  	[bflag:$0x3] =	sbarrier.arrive $0xFFFF  }
0x7c: {  	_ =	shalt  }

</sc_bundles>
